<compile_context>
chip_gen: v7x
topology: tpu7x:2x2x1
jax: 0.10.2.dev20260603
libtpu: 0.0.44.dev20260713+nightly
codegen_flags: <defaults>
</compile_context>

<pallas_src>
import functools

import jax
import jax.numpy as jnp
from jax import lax
from jax.experimental import pallas as pl
from jax.experimental.pallas import tpu as pltpu
from jax.experimental.pallas import tpu_sc as plsc

_NUM_FEATURES = 26
_VOCAB = 100000
_EMB = 16
_BATCH = 4096
_SEQ = 20
_BS = _BATCH * _SEQ
_NW = 32
_CHUNK = _BS // _NW


def _emb_body(xt, tbl, out, *scratch):
    idx_a, idx_b, rows_a, rows_b, gsem_a, gsem_b, wsem = scratch
    idx_bufs = (idx_a, idx_b)
    row_bufs = (rows_a, rows_b)
    gsems = (gsem_a, gsem_b)

    wid = lax.axis_index("s") * 2 + lax.axis_index("c")
    base = wid * _CHUNK

    pltpu.sync_copy(xt.at[0, pl.ds(base, _CHUNK)], idx_bufs[0])
    cur_gather = pltpu.async_copy(
        tbl.at[0].at[idx_bufs[0]], row_bufs[0], gsems[0])

    pending_write = None
    next_gather = None
    for f in range(_NUM_FEATURES):
        cur = f % 2
        nxt = (f + 1) % 2
        if f + 1 < _NUM_FEATURES:
            pltpu.sync_copy(xt.at[f + 1, pl.ds(base, _CHUNK)], idx_bufs[nxt])
            if pending_write is not None:
                pending_write.wait()
                pending_write = None
            next_gather = pltpu.async_copy(
                tbl.at[f + 1].at[idx_bufs[nxt]], row_bufs[nxt], gsems[nxt])
        cur_gather.wait()
        if pending_write is not None:
            pending_write.wait()
        pending_write = pltpu.async_copy(
            row_bufs[cur], out.at[pl.ds(base, _CHUNK), f], wsem)
        cur_gather = next_gather
    pending_write.wait()


@functools.partial(
    pl.kernel,
    out_type=jax.ShapeDtypeStruct((_BS, _NUM_FEATURES, _EMB), jnp.float32),
    mesh=plsc.VectorSubcoreMesh(core_axis_name="c", subcore_axis_name="s"),
    scratch_types=[
        pltpu.VMEM((_CHUNK,), jnp.int32),
        pltpu.VMEM((_CHUNK,), jnp.int32),
        pltpu.VMEM((_CHUNK, _EMB), jnp.float32),
        pltpu.VMEM((_CHUNK, _EMB), jnp.float32),
        pltpu.SemaphoreType.DMA,
        pltpu.SemaphoreType.DMA,
        pltpu.SemaphoreType.DMA,
    ],
    compiler_params=pltpu.CompilerParams(use_tc_tiling_on_sc=False),
)
def _emb_call(*args):
    _emb_body(*args)


def kernel(x, table_0, table_1, table_2, table_3, table_4, table_5, table_6,
           table_7, table_8, table_9, table_10, table_11, table_12, table_13,
           table_14, table_15, table_16, table_17, table_18, table_19,
           table_20, table_21, table_22, table_23, table_24, table_25):
    tables = (table_0, table_1, table_2, table_3, table_4, table_5, table_6,
              table_7, table_8, table_9, table_10, table_11, table_12,
              table_13, table_14, table_15, table_16, table_17, table_18,
              table_19, table_20, table_21, table_22, table_23, table_24,
              table_25)
    xt = x.reshape(_BS, _NUM_FEATURES).astype(jnp.int32).T
    tbl = jnp.stack(tables)
    out = _emb_call(xt, tbl)
    return out.reshape(_BATCH, _SEQ, _NUM_FEATURES * _EMB)

# --- scband reference (transcript-rebuilt; emitter-appended) ---
"""Pipeline reference for scband-tabular-embedding-1752346657440 (READ-ONLY COPY).

The authoritative reference and input builder live on the scoring server;
editing this copy changes nothing except your own understanding.
"""

import jax, jax.numpy as jnp
import numpy as np

NUM_FEATURES = 26
VOCAB = 100000
EMB_DIM = 16
BATCH = 4096
SEQ = 20


def setup_inputs(seed: int = 0) -> dict:
    key = jax.random.key(seed)
    kx, kt = jax.random.split(key)
    inp = {}
    inp["x"] = jax.random.randint(kx, (BATCH, SEQ, NUM_FEATURES), 0, VOCAB)
    for i in range(NUM_FEATURES):
        inp[f"table_{i}"] = jax.random.normal(jax.random.fold_in(kt, i), (VOCAB, EMB_DIM), dtype=jnp.float32) * 0.02
    return inp


def reference(x, table_0, table_1, table_2, table_3, table_4, table_5,
              table_6, table_7, table_8, table_9, table_10, table_11,
              table_12, table_13, table_14, table_15, table_16, table_17,
              table_18, table_19, table_20, table_21, table_22, table_23,
              table_24, table_25):
    # Faithful translation of TabularEmbedding.forward:
    # per-feature embedding lookup (gather) followed by concat on last dim.
    table_list = [table_0, table_1, table_2, table_3, table_4, table_5,
                  table_6, table_7, table_8, table_9, table_10, table_11,
                  table_12, table_13, table_14, table_15, table_16, table_17,
                  table_18, table_19, table_20, table_21, table_22, table_23,
                  table_24, table_25]
    tables = {f"table_{i}": t for i, t in enumerate(table_list)}
    embedded_features = []
    for i in range(NUM_FEATURES):
        table = tables[f"table_{i}"]
        indices = x[:, :, i]
        embedded = jnp.take(table, indices, axis=0)
        embedded_features.append(embedded)
    return jnp.concatenate(embedded_features, axis=-1)

if __name__ == "__main__":
    import jax
    _d = setup_inputs()
    print(jax.jit(kernel)(*tuple(_d.values())))

</pallas_src>

<mosaic_0001>
#map = affine_map<(d0, d1) -> (0, 0)>
#map1 = affine_map<(d0, d1) -> (0, 0, 0)>
module attributes {stable_mosaic.version = 14 : i64} {
  func.func @_emb_call(%arg0: i32, %arg1: i32, %arg2: memref<26x81920xi32, #tpu.memory_space<hbm>>, %arg3: memref<26x100000x16xf32, #tpu.memory_space<hbm>>, %arg4: memref<81920x26x16xf32, #tpu.memory_space<hbm>>, %arg5: memref<2560xi32, #tpu.memory_space<vmem>>, %arg6: memref<2560xi32, #tpu.memory_space<vmem>>, %arg7: memref<2560x16xf32, #tpu.memory_space<vmem>>, %arg8: memref<2560x16xf32, #tpu.memory_space<vmem>>, %arg9: memref<!tpu.dma_semaphore, #tpu.memory_space<semaphore_mem>>, %arg10: memref<!tpu.dma_semaphore, #tpu.memory_space<semaphore_mem>>, %arg11: memref<!tpu.dma_semaphore, #tpu.memory_space<semaphore_mem>>) attributes {dimension_semantics = [#tpu.dimension_semantics<core_parallel>, #tpu.dimension_semantics<subcore_parallel>], iteration_bounds = array<i64: 2, 16>, scalar_prefetch = 0 : i64, scratch_operands = 7 : i64, tpu.core_type = #tpu.core_type<sc_vector_subcore>, window_params = [{transform_indices = #map}, {transform_indices = #map1}, {transform_indices = #map1}]} {
    %mul3A = arith.constant 2 : i32
    %mul3A_0 = arith.muli %arg1, %mul3A : i32
    %add3A = arith.addi %mul3A_0, %arg0 : i32
    %mul3A_1 = arith.constant 2560 : i32
    %mul3A_2 = arith.muli %add3A, %mul3A_1 : i32
    %run_scoped3A = arith.constant 0 : i32
    "tpu.region"() ({
      %run_scoped3A_806 = tpu.sem_alloc : memref<!tpu.dma_semaphore, #tpu.memory_space<semaphore_mem>>
      %dma_start3A_807 = tpu.memref_slice %arg2[%run_scoped3A, %mul3A_2] : memref<26x81920xi32, #tpu.memory_space<hbm>> -> memref<1x2560xi32, #tpu.memory_space<hbm>>
      %dma_start3A_808 = tpu.memref_squeeze %dma_start3A_807 : memref<1x2560xi32, #tpu.memory_space<hbm>> -> memref<2560xi32, #tpu.memory_space<hbm>>
      %dma_start3A_809 = tpu.memref_slice %arg2[%run_scoped3A, %mul3A_2] : memref<26x81920xi32, #tpu.memory_space<hbm>> -> memref<1x2560xi32, #tpu.memory_space<hbm>>
      %dma_start3A_810 = tpu.memref_squeeze %dma_start3A_809 : memref<1x2560xi32, #tpu.memory_space<hbm>> -> memref<2560xi32, #tpu.memory_space<hbm>>
      tpu.enqueue_dma source(%dma_start3A_810 : memref<2560xi32, #tpu.memory_space<hbm>>) target(%arg5 : memref<2560xi32, #tpu.memory_space<vmem>>) target_semaphore(%run_scoped3A_806 : memref<!tpu.dma_semaphore, #tpu.memory_space<semaphore_mem>>)
      %dma_wait3A_811 = tpu.memref_slice %arg2[%run_scoped3A, %mul3A_2] : memref<26x81920xi32, #tpu.memory_space<hbm>> -> memref<1x2560xi32, #tpu.memory_space<hbm>>
      %dma_wait3A_812 = tpu.memref_squeeze %dma_wait3A_811 : memref<1x2560xi32, #tpu.memory_space<hbm>> -> memref<2560xi32, #tpu.memory_space<hbm>>
      %dma_wait3A_813 = tpu.memref_slice %arg2[%run_scoped3A, %mul3A_2] : memref<26x81920xi32, #tpu.memory_space<hbm>> -> memref<1x2560xi32, #tpu.memory_space<hbm>>
      %dma_wait3A_814 = tpu.memref_squeeze %dma_wait3A_813 : memref<1x2560xi32, #tpu.memory_space<hbm>> -> memref<2560xi32, #tpu.memory_space<hbm>>
      tpu.wait_dma2 semaphore(%run_scoped3A_806 : memref<!tpu.dma_semaphore, #tpu.memory_space<semaphore_mem>>) src(%dma_wait3A_814 : memref<2560xi32, #tpu.memory_space<hbm>>) dst(%arg5 : memref<2560xi32, #tpu.memory_space<vmem>>)
      tpu.yield
    }) : () -> ()
    %dma_start3A = arith.constant 0 : i32
    %dma_start3A_3 = arith.constant 0 : i32
    %dma_start3A_4 = arith.constant 0 : i32
    %dma_start3A_5 = tpu.memref_slice %arg3[%dma_start3A, %dma_start3A_3, %dma_start3A_4] : memref<26x100000x16xf32, #tpu.memory_space<hbm>> -> memref<1x100000x16xf32, #tpu.memory_space<hbm>>
    %dma_start3A_6 = tpu.memref_squeeze %dma_start3A_5 : memref<1x100000x16xf32, #tpu.memory_space<hbm>> -> memref<100000x16xf32, #tpu.memory_space<hbm>>
    %dma_start3A_7 = arith.constant 0 : i32
    %dma_start3A_8 = arith.constant 0 : i32
    %dma_start3A_9 = tpu.memref_slice %dma_start3A_6[%dma_start3A_7, %dma_start3A_8] : memref<100000x16xf32, #tpu.memory_space<hbm>> -> memref<100000x16xf32, #tpu.memory_space<hbm>>
    tpu.enqueue_indirect_dma source(%dma_start3A_9 : memref<100000x16xf32, #tpu.memory_space<hbm>>) target(%arg7 : memref<2560x16xf32, #tpu.memory_space<vmem>>) offsets(%arg5 : memref<2560xi32, #tpu.memory_space<vmem>>) semaphore(%arg9 : memref<!tpu.dma_semaphore, #tpu.memory_space<semaphore_mem>>)
    %run_scoped3A_10 = arith.constant 1 : i32
    "tpu.region"() ({
      %run_scoped3A_806 = tpu.sem_alloc : memref<!tpu.dma_semaphore, #tpu.memory_space<semaphore_mem>>
      %dma_start3A_807 = tpu.memref_slice %arg2[%run_scoped3A_10, %mul3A_2] : memref<26x81920xi32, #tpu.memory_space<hbm>> -> memref<1x2560xi32, #tpu.memory_space<hbm>>
      %dma_start3A_808 = tpu.memref_squeeze %dma_start3A_807 : memref<1x2560xi32, #tpu.memory_space<hbm>> -> memref<2560xi32, #tpu.memory_space<hbm>>
      %dma_start3A_809 = tpu.memref_slice %arg2[%run_scoped3A_10, %mul3A_2] : memref<26x81920xi32, #tpu.memory_space<hbm>> -> memref<1x2560xi32, #tpu.memory_space<hbm>>
      %dma_start3A_810 = tpu.memref_squeeze %dma_start3A_809 : memref<1x2560xi32, #tpu.memory_space<hbm>> -> memref<2560xi32, #tpu.memory_space<hbm>>
      tpu.enqueue_dma source(%dma_start3A_810 : memref<2560xi32, #tpu.memory_space<hbm>>) target(%arg6 : memref<2560xi32, #tpu.memory_space<vmem>>) target_semaphore(%run_scoped3A_806 : memref<!tpu.dma_semaphore, #tpu.memory_space<semaphore_mem>>)
      %dma_wait3A_811 = tpu.memref_slice %arg2[%run_scoped3A_10, %mul3A_2] : memref<26x81920xi32, #tpu.memory_space<hbm>> -> memref<1x2560xi32, #tpu.memory_space<hbm>>
      %dma_wait3A_812 = tpu.memref_squeeze %dma_wait3A_811 : memref<1x2560xi32, #tpu.memory_space<hbm>> -> memref<2560xi32, #tpu.memory_space<hbm>>
      %dma_wait3A_813 = tpu.memref_slice %arg2[%run_scoped3A_10, %mul3A_2] : memref<26x81920xi32, #tpu.memory_space<hbm>> -> memref<1x2560xi32, #tpu.memory_space<hbm>>
      %dma_wait3A_814 = tpu.memref_squeeze %dma_wait3A_813 : memref<1x2560xi32, #tpu.memory_space<hbm>> -> memref<2560xi32, #tpu.memory_space<hbm>>
      tpu.wait_dma2 semaphore(%run_scoped3A_806 : memref<!tpu.dma_semaphore, #tpu.memory_space<semaphore_mem>>) src(%dma_wait3A_814 : memref<2560xi32, #tpu.memory_space<hbm>>) dst(%arg6 : memref<2560xi32, #tpu.memory_space<vmem>>)
      tpu.yield
    }) : () -> ()
    %dma_start3A_11 = arith.constant 1 : i32
    %dma_start3A_12 = arith.constant 0 : i32
    %dma_start3A_13 = arith.constant 0 : i32
    %dma_start3A_14 = tpu.memref_slice %arg3[%dma_start3A_11, %dma_start3A_12, %dma_start3A_13] : memref<26x100000x16xf32, #tpu.memory_space<hbm>> -> memref<1x100000x16xf32, #tpu.memory_space<hbm>>
    %dma_start3A_15 = tpu.memref_squeeze %dma_start3A_14 : memref<1x100000x16xf32, #tpu.memory_space<hbm>> -> memref<100000x16xf32, #tpu.memory_space<hbm>>
    %dma_start3A_16 = arith.constant 0 : i32
    %dma_start3A_17 = arith.constant 0 : i32
    %dma_start3A_18 = tpu.memref_slice %dma_start3A_15[%dma_start3A_16, %dma_start3A_17] : memref<100000x16xf32, #tpu.memory_space<hbm>> -> memref<100000x16xf32, #tpu.memory_space<hbm>>
    tpu.enqueue_indirect_dma source(%dma_start3A_18 : memref<100000x16xf32, #tpu.memory_space<hbm>>) target(%arg8 : memref<2560x16xf32, #tpu.memory_space<vmem>>) offsets(%arg6 : memref<2560xi32, #tpu.memory_space<vmem>>) semaphore(%arg10 : memref<!tpu.dma_semaphore, #tpu.memory_space<semaphore_mem>>)
    %dma_wait3A = arith.constant 0 : i32
    %dma_wait3A_19 = arith.constant 0 : i32
    %dma_wait3A_20 = arith.constant 0 : i32
    %dma_wait3A_21 = tpu.memref_slice %arg3[%dma_wait3A, %dma_wait3A_19, %dma_wait3A_20] : memref<26x100000x16xf32, #tpu.memory_space<hbm>> -> memref<1x100000x16xf32, #tpu.memory_space<hbm>>
    %dma_wait3A_22 = tpu.memref_squeeze %dma_wait3A_21 : memref<1x100000x16xf32, #tpu.memory_space<hbm>> -> memref<100000x16xf32, #tpu.memory_space<hbm>>
    %dma_wait3A_23 = arith.constant 0 : i32
    %dma_wait3A_24 = arith.constant 0 : i32
    %dma_wait3A_25 = tpu.memref_slice %dma_wait3A_22[%dma_wait3A_23, %dma_wait3A_24] : memref<100000x16xf32, #tpu.memory_space<hbm>> -> memref<100000x16xf32, #tpu.memory_space<hbm>>
    tpu.wait_indirect_dma semaphore(%arg9 : memref<!tpu.dma_semaphore, #tpu.memory_space<semaphore_mem>>) src(%dma_wait3A_25 : memref<100000x16xf32, #tpu.memory_space<hbm>>) dst(%arg7 : memref<2560x16xf32, #tpu.memory_space<vmem>>)
    %dma_start3A_26 = arith.constant 0 : i32
    %dma_start3A_27 = arith.constant 0 : i32
    %dma_start3A_28 = tpu.memref_slice %arg4[%mul3A_2, %dma_start3A_26, %dma_start3A_27] : memref<81920x26x16xf32, #tpu.memory_space<hbm>> -> memref<2560x1x16xf32, #tpu.memory_space<hbm>>
    %dma_start3A_29 = tpu.memref_squeeze %dma_start3A_28 : memref<2560x1x16xf32, #tpu.memory_space<hbm>> -> memref<2560x16xf32, #tpu.memory_space<hbm>>
    %dma_start3A_30 = arith.constant 0 : i32
    %dma_start3A_31 = tpu.memref_slice %arg4[%mul3A_2, %dma_start3A_26, %dma_start3A_30] : memref<81920x26x16xf32, #tpu.memory_space<hbm>> -> memref<2560x1x16xf32, #tpu.memory_space<hbm>>
    %dma_start3A_32 = tpu.memref_squeeze %dma_start3A_31 : memref<2560x1x16xf32, #tpu.memory_space<hbm>> -> memref<2560x16xf32, #tpu.memory_space<hbm>>
    tpu.enqueue_dma source(%arg7 : memref<2560x16xf32, #tpu.memory_space<vmem>>) target(%dma_start3A_32 : memref<2560x16xf32, #tpu.memory_space<hbm>>) target_semaphore(%arg11 : memref<!tpu.dma_semaphore, #tpu.memory_space<semaphore_mem>>)
    %run_scoped3A_33 = arith.constant 2 : i32
    "tpu.region"() ({
      %run_scoped3A_806 = tpu.sem_alloc : memref<!tpu.dma_semaphore, #tpu.memory_space<semaphore_mem>>
      %dma_start3A_807 = tpu.memref_slice %arg2[%run_scoped3A_33, %mul3A_2] : memref<26x81920xi32, #tpu.memory_space<hbm>> -> memref<1x2560xi32, #tpu.memory_space<hbm>>
      %dma_start3A_808 = tpu.memref_squeeze %dma_start3A_807 : memref<1x2560xi32, #tpu.memory_space<hbm>> -> memref<2560xi32, #tpu.memory_space<hbm>>
      %dma_start3A_809 = tpu.memref_slice %arg2[%run_scoped3A_33, %mul3A_2] : memref<26x81920xi32, #tpu.memory_space<hbm>> -> memref<1x2560xi32, #tpu.memory_space<hbm>>
      %dma_start3A_810 = tpu.memref_squeeze %dma_start3A_809 : memref<1x2560xi32, #tpu.memory_space<hbm>> -> memref<2560xi32, #tpu.memory_space<hbm>>
      tpu.enqueue_dma source(%dma_start3A_810 : memref<2560xi32, #tpu.memory_space<hbm>>) target(%arg5 : memref<2560xi32, #tpu.memory_space<vmem>>) target_semaphore(%run_scoped3A_806 : memref<!tpu.dma_semaphore, #tpu.memory_space<semaphore_mem>>)
      %dma_wait3A_811 = tpu.memref_slice %arg2[%run_scoped3A_33, %mul3A_2] : memref<26x81920xi32, #tpu.memory_space<hbm>> -> memref<1x2560xi32, #tpu.memory_space<hbm>>
      %dma_wait3A_812 = tpu.memref_squeeze %dma_wait3A_811 : memref<1x2560xi32, #tpu.memory_space<hbm>> -> memref<2560xi32, #tpu.memory_space<hbm>>
      %dma_wait3A_813 = tpu.memref_slice %arg2[%run_scoped3A_33, %mul3A_2] : memref<26x81920xi32, #tpu.memory_space<hbm>> -> memref<1x2560xi32, #tpu.memory_space<hbm>>
      %dma_wait3A_814 = tpu.memref_squeeze %dma_wait3A_813 : memref<1x2560xi32, #tpu.memory_space<hbm>> -> memref<2560xi32, #tpu.memory_space<hbm>>
      tpu.wait_dma2 semaphore(%run_scoped3A_806 : memref<!tpu.dma_semaphore, #tpu.memory_space<semaphore_mem>>) src(%dma_wait3A_814 : memref<2560xi32, #tpu.memory_space<hbm>>) dst(%arg5 : memref<2560xi32, #tpu.memory_space<vmem>>)
      tpu.yield
    }) : () -> ()
    %dma_wait3A_34 = arith.constant 0 : i32
    %dma_wait3A_35 = arith.constant 0 : i32
    %dma_wait3A_36 = tpu.memref_slice %arg4[%mul3A_2, %dma_wait3A_34, %dma_wait3A_35] : memref<81920x26x16xf32, #tpu.memory_space<hbm>> -> memref<2560x1x16xf32, #tpu.memory_space<hbm>>
    %dma_wait3A_37 = tpu.memref_squeeze %dma_wait3A_36 : memref<2560x1x16xf32, #tpu.memory_space<hbm>> -> memref<2560x16xf32, #tpu.memory_space<hbm>>
    %dma_wait3A_38 = arith.constant 0 : i32
    %dma_wait3A_39 = tpu.memref_slice %arg4[%mul3A_2, %dma_wait3A_34, %dma_wait3A_38] : memref<81920x26x16xf32, #tpu.memory_space<hbm>> -> memref<2560x1x16xf32, #tpu.memory_space<hbm>>
    %dma_wait3A_40 = tpu.memref_squeeze %dma_wait3A_39 : memref<2560x1x16xf32, #tpu.memory_space<hbm>> -> memref<2560x16xf32, #tpu.memory_space<hbm>>
    tpu.wait_dma2 semaphore(%arg11 : memref<!tpu.dma_semaphore, #tpu.memory_space<semaphore_mem>>) src(%arg7 : memref<2560x16xf32, #tpu.memory_space<vmem>>) dst(%dma_wait3A_40 : memref<2560x16xf32, #tpu.memory_space<hbm>>)
    %dma_start3A_41 = arith.constant 2 : i32
    %dma_start3A_42 = arith.constant 0 : i32
    %dma_start3A_43 = arith.constant 0 : i32
    %dma_start3A_44 = tpu.memref_slice %arg3[%dma_start3A_41, %dma_start3A_42, %dma_start3A_43] : memref<26x100000x16xf32, #tpu.memory_space<hbm>> -> memref<1x100000x16xf32, #tpu.memory_space<hbm>>
    %dma_start3A_45 = tpu.memref_squeeze %dma_start3A_44 : memref<1x100000x16xf32, #tpu.memory_space<hbm>> -> memref<100000x16xf32, #tpu.memory_space<hbm>>
    %dma_start3A_46 = arith.constant 0 : i32
    %dma_start3A_47 = arith.constant 0 : i32
    %dma_start3A_48 = tpu.memref_slice %dma_start3A_45[%dma_start3A_46, %dma_start3A_47] : memref<100000x16xf32, #tpu.memory_space<hbm>> -> memref<100000x16xf32, #tpu.memory_space<hbm>>
    tpu.enqueue_indirect_dma source(%dma_start3A_48 : memref<100000x16xf32, #tpu.memory_space<hbm>>) target(%arg7 : memref<2560x16xf32, #tpu.memory_space<vmem>>) offsets(%arg5 : memref<2560xi32, #tpu.memory_space<vmem>>) semaphore(%arg9 : memref<!tpu.dma_semaphore, #tpu.memory_space<semaphore_mem>>)
    %dma_wait3A_49 = arith.constant 1 : i32
    %dma_wait3A_50 = arith.constant 0 : i32
    %dma_wait3A_51 = arith.constant 0 : i32
    %dma_wait3A_52 = tpu.memref_slice %arg3[%dma_wait3A_49, %dma_wait3A_50, %dma_wait3A_51] : memref<26x100000x16xf32, #tpu.memory_space<hbm>> -> memref<1x100000x16xf32, #tpu.memory_space<hbm>>
    %dma_wait3A_53 = tpu.memref_squeeze %dma_wait3A_52 : memref<1x100000x16xf32, #tpu.memory_space<hbm>> -> memref<100000x16xf32, #tpu.memory_space<hbm>>
    %dma_wait3A_54 = arith.constant 0 : i32
    %dma_wait3A_55 = arith.constant 0 : i32
    %dma_wait3A_56 = tpu.memref_slice %dma_wait3A_53[%dma_wait3A_54, %dma_wait3A_55] : memref<100000x16xf32, #tpu.memory_space<hbm>> -> memref<100000x16xf32, #tpu.memory_space<hbm>>
    tpu.wait_indirect_dma semaphore(%arg10 : memref<!tpu.dma_semaphore, #tpu.memory_space<semaphore_mem>>) src(%dma_wait3A_56 : memref<100000x16xf32, #tpu.memory_space<hbm>>) dst(%arg8 : memref<2560x16xf32, #tpu.memory_space<vmem>>)
    %dma_start3A_57 = arith.constant 1 : i32
    %dma_start3A_58 = arith.constant 0 : i32
    %dma_start3A_59 = tpu.memref_slice %arg4[%mul3A_2, %dma_start3A_57, %dma_start3A_58] : memref<81920x26x16xf32, #tpu.memory_space<hbm>> -> memref<2560x1x16xf32, #tpu.memory_space<hbm>>
    %dma_start3A_60 = tpu.memref_squeeze %dma_start3A_59 : memref<2560x1x16xf32, #tpu.memory_space<hbm>> -> memref<2560x16xf32, #tpu.memory_space<hbm>>
    %dma_start3A_61 = arith.constant 0 : i32
    %dma_start3A_62 = tpu.memref_slice %arg4[%mul3A_2, %dma_start3A_57, %dma_start3A_61] : memref<81920x26x16xf32, #tpu.memory_space<hbm>> -> memref<2560x1x16xf32, #tpu.memory_space<hbm>>
    %dma_start3A_63 = tpu.memref_squeeze %dma_start3A_62 : memref<2560x1x16xf32, #tpu.memory_space<hbm>> -> memref<2560x16xf32, #tpu.memory_space<hbm>>
    tpu.enqueue_dma source(%arg8 : memref<2560x16xf32, #tpu.memory_space<vmem>>) target(%dma_start3A_63 : memref<2560x16xf32, #tpu.memory_space<hbm>>) target_semaphore(%arg11 : memref<!tpu.dma_semaphore, #tpu.memory_space<semaphore_mem>>)
    %run_scoped3A_64 = arith.constant 3 : i32
    "tpu.region"() ({
      %run_scoped3A_806 = tpu.sem_alloc : memref<!tpu.dma_semaphore, #tpu.memory_space<semaphore_mem>>
      %dma_start3A_807 = tpu.memref_slice %arg2[%run_scoped3A_64, %mul3A_2] : memref<26x81920xi32, #tpu.memory_space<hbm>> -> memref<1x2560xi32, #tpu.memory_space<hbm>>
      %dma_start3A_808 = tpu.memref_squeeze %dma_start3A_807 : memref<1x2560xi32, #tpu.memory_space<hbm>> -> memref<2560xi32, #tpu.memory_space<hbm>>
      %dma_start3A_809 = tpu.memref_slice %arg2[%run_scoped3A_64, %mul3A_2] : memref<26x81920xi32, #tpu.memory_space<hbm>> -> memref<1x2560xi32, #tpu.memory_space<hbm>>
      %dma_start3A_810 = tpu.memref_squeeze %dma_start3A_809 : memref<1x2560xi32, #tpu.memory_space<hbm>> -> memref<2560xi32, #tpu.memory_space<hbm>>
      tpu.enqueue_dma source(%dma_start3A_810 : memref<2560xi32, #tpu.memory_space<hbm>>) target(%arg6 : memref<2560xi32, #tpu.memory_space<vmem>>) target_semaphore(%run_scoped3A_806 : memref<!tpu.dma_semaphore, #tpu.memory_space<semaphore_mem>>)
      %dma_wait3A_811 = tpu.memref_slice %arg2[%run_scoped3A_64, %mul3A_2] : memref<26x81920xi32, #tpu.memory_space<hbm>> -> memref<1x2560xi32, #tpu.memory_space<hbm>>
      %dma_wait3A_812 = tpu.memref_squeeze %dma_wait3A_811 : memref<1x2560xi32, #tpu.memory_space<hbm>> -> memref<2560xi32, #tpu.memory_space<hbm>>
      %dma_wait3A_813 = tpu.memref_slice %arg2[%run_scoped3A_64, %mul3A_2] : memref<26x81920xi32, #tpu.memory_space<hbm>> -> memref<1x2560xi32, #tpu.memory_space<hbm>>
      %dma_wait3A_814 = tpu.memref_squeeze %dma_wait3A_813 : memref<1x2560xi32, #tpu.memory_space<hbm>> -> memref<2560xi32, #tpu.memory_space<hbm>>
      tpu.wait_dma2 semaphore(%run_scoped3A_806 : memref<!tpu.dma_semaphore, #tpu.memory_space<semaphore_mem>>) src(%dma_wait3A_814 : memref<2560xi32, #tpu.memory_space<hbm>>) dst(%arg6 : memref<2560xi32, #tpu.memory_space<vmem>>)
      tpu.yield
    }) : () -> ()
    %dma_wait3A_65 = arith.constant 1 : i32
    %dma_wait3A_66 = arith.constant 0 : i32
    %dma_wait3A_67 = tpu.memref_slice %arg4[%mul3A_2, %dma_wait3A_65, %dma_wait3A_66] : memref<81920x26x16xf32, #tpu.memory_space<hbm>> -> memref<2560x1x16xf32, #tpu.memory_space<hbm>>
    %dma_wait3A_68 = tpu.memref_squeeze %dma_wait3A_67 : memref<2560x1x16xf32, #tpu.memory_space<hbm>> -> memref<2560x16xf32, #tpu.memory_space<hbm>>
    %dma_wait3A_69 = arith.constant 0 : i32
    %dma_wait3A_70 = tpu.memref_slice %arg4[%mul3A_2, %dma_wait3A_65, %dma_wait3A_69] : memref<81920x26x16xf32, #tpu.memory_space<hbm>> -> memref<2560x1x16xf32, #tpu.memory_space<hbm>>
    %dma_wait3A_71 = tpu.memref_squeeze %dma_wait3A_70 : memref<2560x1x16xf32, #tpu.memory_space<hbm>> -> memref<2560x16xf32, #tpu.memory_space<hbm>>
    tpu.wait_dma2 semaphore(%arg11 : memref<!tpu.dma_semaphore, #tpu.memory_space<semaphore_mem>>) src(%arg8 : memref<2560x16xf32, #tpu.memory_space<vmem>>) dst(%dma_wait3A_71 : memref<2560x16xf32, #tpu.memory_space<hbm>>)
    %dma_start3A_72 = arith.constant 3 : i32
    %dma_start3A_73 = arith.constant 0 : i32
    %dma_start3A_74 = arith.constant 0 : i32
    %dma_start3A_75 = tpu.memref_slice %arg3[%dma_start3A_72, %dma_start3A_73, %dma_start3A_74] : memref<26x100000x16xf32, #tpu.memory_space<hbm>> -> memref<1x100000x16xf32, #tpu.memory_space<hbm>>
    %dma_start3A_76 = tpu.memref_squeeze %dma_start3A_75 : memref<1x100000x16xf32, #tpu.memory_space<hbm>> -> memref<100000x16xf32, #tpu.memory_space<hbm>>
    %dma_start3A_77 = arith.constant 0 : i32
    %dma_start3A_78 = arith.constant 0 : i32
    %dma_start3A_79 = tpu.memref_slice %dma_start3A_76[%dma_start3A_77, %dma_start3A_78] : memref<100000x16xf32, #tpu.memory_space<hbm>> -> memref<100000x16xf32, #tpu.memory_space<hbm>>
    tpu.enqueue_indirect_dma source(%dma_start3A_79 : memref<100000x16xf32, #tpu.memory_space<hbm>>) target(%arg8 : memref<2560x16xf32, #tpu.memory_space<vmem>>) offsets(%arg6 : memref<2560xi32, #tpu.memory_space<vmem>>) semaphore(%arg10 : memref<!tpu.dma_semaphore, #tpu.memory_space<semaphore_mem>>)
    %dma_wait3A_80 = arith.constant 2 : i32
    %dma_wait3A_81 = arith.constant 0 : i32
    %dma_wait3A_82 = arith.constant 0 : i32
    %dma_wait3A_83 = tpu.memref_slice %arg3[%dma_wait3A_80, %dma_wait3A_81, %dma_wait3A_82] : memref<26x100000x16xf32, #tpu.memory_space<hbm>> -> memref<1x100000x16xf32, #tpu.memory_space<hbm>>
    %dma_wait3A_84 = tpu.memref_squeeze %dma_wait3A_83 : memref<1x100000x16xf32, #tpu.memory_space<hbm>> -> memref<100000x16xf32, #tpu.memory_space<hbm>>
    %dma_wait3A_85 = arith.constant 0 : i32
    %dma_wait3A_86 = arith.constant 0 : i32
    %dma_wait3A_87 = tpu.memref_slice %dma_wait3A_84[%dma_wait3A_85, %dma_wait3A_86] : memref<100000x16xf32, #tpu.memory_space<hbm>> -> memref<100000x16xf32, #tpu.memory_space<hbm>>
    tpu.wait_indirect_dma semaphore(%arg9 : memref<!tpu.dma_semaphore, #tpu.memory_space<semaphore_mem>>) src(%dma_wait3A_87 : memref<100000x16xf32, #tpu.memory_space<hbm>>) dst(%arg7 : memref<2560x16xf32, #tpu.memory_space<vmem>>)
    %dma_start3A_88 = arith.constant 2 : i32
    %dma_start3A_89 = arith.constant 0 : i32
    %dma_start3A_90 = tpu.memref_slice %arg4[%mul3A_2, %dma_start3A_88, %dma_start3A_89] : memref<81920x26x16xf32, #tpu.memory_space<hbm>> -> memref<2560x1x16xf32, #tpu.memory_space<hbm>>
    %dma_start3A_91 = tpu.memref_squeeze %dma_start3A_90 : memref<2560x1x16xf32, #tpu.memory_space<hbm>> -> memref<2560x16xf32, #tpu.memory_space<hbm>>
    %dma_start3A_92 = arith.constant 0 : i32
    %dma_start3A_93 = tpu.memref_slice %arg4[%mul3A_2, %dma_start3A_88, %dma_start3A_92] : memref<81920x26x16xf32, #tpu.memory_space<hbm>> -> memref<2560x1x16xf32, #tpu.memory_space<hbm>>
    %dma_start3A_94 = tpu.memref_squeeze %dma_start3A_93 : memref<2560x1x16xf32, #tpu.memory_space<hbm>> -> memref<2560x16xf32, #tpu.memory_space<hbm>>
    tpu.enqueue_dma source(%arg7 : memref<2560x16xf32, #tpu.memory_space<vmem>>) target(%dma_start3A_94 : memref<2560x16xf32, #tpu.memory_space<hbm>>) target_semaphore(%arg11 : memref<!tpu.dma_semaphore, #tpu.memory_space<semaphore_mem>>)
    %run_scoped3A_95 = arith.constant 4 : i32
    "tpu.region"() ({
      %run_scoped3A_806 = tpu.sem_alloc : memref<!tpu.dma_semaphore, #tpu.memory_space<semaphore_mem>>
      %dma_start3A_807 = tpu.memref_slice %arg2[%run_scoped3A_95, %mul3A_2] : memref<26x81920xi32, #tpu.memory_space<hbm>> -> memref<1x2560xi32, #tpu.memory_space<hbm>>
      %dma_start3A_808 = tpu.memref_squeeze %dma_start3A_807 : memref<1x2560xi32, #tpu.memory_space<hbm>> -> memref<2560xi32, #tpu.memory_space<hbm>>
      %dma_start3A_809 = tpu.memref_slice %arg2[%run_scoped3A_95, %mul3A_2] : memref<26x81920xi32, #tpu.memory_space<hbm>> -> memref<1x2560xi32, #tpu.memory_space<hbm>>
      %dma_start3A_810 = tpu.memref_squeeze %dma_start3A_809 : memref<1x2560xi32, #tpu.memory_space<hbm>> -> memref<2560xi32, #tpu.memory_space<hbm>>
      tpu.enqueue_dma source(%dma_start3A_810 : memref<2560xi32, #tpu.memory_space<hbm>>) target(%arg5 : memref<2560xi32, #tpu.memory_space<vmem>>) target_semaphore(%run_scoped3A_806 : memref<!tpu.dma_semaphore, #tpu.memory_space<semaphore_mem>>)
      %dma_wait3A_811 = tpu.memref_slice %arg2[%run_scoped3A_95, %mul3A_2] : memref<26x81920xi32, #tpu.memory_space<hbm>> -> memref<1x2560xi32, #tpu.memory_space<hbm>>
      %dma_wait3A_812 = tpu.memref_squeeze %dma_wait3A_811 : memref<1x2560xi32, #tpu.memory_space<hbm>> -> memref<2560xi32, #tpu.memory_space<hbm>>
      %dma_wait3A_813 = tpu.memref_slice %arg2[%run_scoped3A_95, %mul3A_2] : memref<26x81920xi32, #tpu.memory_space<hbm>> -> memref<1x2560xi32, #tpu.memory_space<hbm>>
      %dma_wait3A_814 = tpu.memref_squeeze %dma_wait3A_813 : memref<1x2560xi32, #tpu.memory_space<hbm>> -> memref<2560xi32, #tpu.memory_space<hbm>>
      tpu.wait_dma2 semaphore(%run_scoped3A_806 : memref<!tpu.dma_semaphore, #tpu.memory_space<semaphore_mem>>) src(%dma_wait3A_814 : memref<2560xi32, #tpu.memory_space<hbm>>) dst(%arg5 : memref<2560xi32, #tpu.memory_space<vmem>>)
      tpu.yield
    }) : () -> ()
    %dma_wait3A_96 = arith.constant 2 : i32
    %dma_wait3A_97 = arith.constant 0 : i32
    %dma_wait3A_98 = tpu.memref_slice %arg4[%mul3A_2, %dma_wait3A_96, %dma_wait3A_97] : memref<81920x26x16xf32, #tpu.memory_space<hbm>> -> memref<2560x1x16xf32, #tpu.memory_space<hbm>>
    %dma_wait3A_99 = tpu.memref_squeeze %dma_wait3A_98 : memref<2560x1x16xf32, #tpu.memory_space<hbm>> -> memref<2560x16xf32, #tpu.memory_space<hbm>>
    %dma_wait3A_100 = arith.constant 0 : i32
    %dma_wait3A_101 = tpu.memref_slice %arg4[%mul3A_2, %dma_wait3A_96, %dma_wait3A_100] : memref<81920x26x16xf32, #tpu.memory_space<hbm>> -> memref<2560x1x16xf32, #tpu.memory_space<hbm>>
    %dma_wait3A_102 = tpu.memref_squeeze %dma_wait3A_101 : memref<2560x1x16xf32, #tpu.memory_space<hbm>> -> memref<2560x16xf32, #tpu.memory_space<hbm>>
    tpu.wait_dma2 semaphore(%arg11 : memref<!tpu.dma_semaphore, #tpu.memory_space<semaphore_mem>>) src(%arg7 : memref<2560x16xf32, #tpu.memory_space<vmem>>) dst(%dma_wait3A_102 : memref<2560x16xf32, #tpu.memory_space<hbm>>)
    %dma_start3A_103 = arith.constant 4 : i32
    %dma_start3A_104 = arith.constant 0 : i32
    %dma_start3A_105 = arith.constant 0 : i32
    %dma_start3A_106 = tpu.memref_slice %arg3[%dma_start3A_103, %dma_start3A_104, %dma_start3A_105] : memref<26x100000x16xf32, #tpu.memory_space<hbm>> -> memref<1x100000x16xf32, #tpu.memory_space<hbm>>
    %dma_start3A_107 = tpu.memref_squeeze %dma_start3A_106 : memref<1x100000x16xf32, #tpu.memory_space<hbm>> -> memref<100000x16xf32, #tpu.memory_space<hbm>>
    %dma_start3A_108 = arith.constant 0 : i32
    %dma_start3A_109 = arith.constant 0 : i32
    %dma_start3A_110 = tpu.memref_slice %dma_start3A_107[%dma_start3A_108, %dma_start3A_109] : memref<100000x16xf32, #tpu.memory_space<hbm>> -> memref<100000x16xf32, #tpu.memory_space<hbm>>
    tpu.enqueue_indirect_dma source(%dma_start3A_110 : memref<100000x16xf32, #tpu.memory_space<hbm>>) target(%arg7 : memref<2560x16xf32, #tpu.memory_space<vmem>>) offsets(%arg5 : memref<2560xi32, #tpu.memory_space<vmem>>) semaphore(%arg9 : memref<!tpu.dma_semaphore, #tpu.memory_space<semaphore_mem>>)
    %dma_wait3A_111 = arith.constant 3 : i32
    %dma_wait3A_112 = arith.constant 0 : i32
    %dma_wait3A_113 = arith.constant 0 : i32
    %dma_wait3A_114 = tpu.memref_slice %arg3[%dma_wait3A_111, %dma_wait3A_112, %dma_wait3A_113] : memref<26x100000x16xf32, #tpu.memory_space<hbm>> -> memref<1x100000x16xf32, #tpu.memory_space<hbm>>
    %dma_wait3A_115 = tpu.memref_squeeze %dma_wait3A_114 : memref<1x100000x16xf32, #tpu.memory_space<hbm>> -> memref<100000x16xf32, #tpu.memory_space<hbm>>
    %dma_wait3A_116 = arith.constant 0 : i32
    %dma_wait3A_117 = arith.constant 0 : i32
    %dma_wait3A_118 = tpu.memref_slice %dma_wait3A_115[%dma_wait3A_116, %dma_wait3A_117] : memref<100000x16xf32, #tpu.memory_space<hbm>> -> memref<100000x16xf32, #tpu.memory_space<hbm>>
    tpu.wait_indirect_dma semaphore(%arg10 : memref<!tpu.dma_semaphore, #tpu.memory_space<semaphore_mem>>) src(%dma_wait3A_118 : memref<100000x16xf32, #tpu.memory_space<hbm>>) dst(%arg8 : memref<2560x16xf32, #tpu.memory_space<vmem>>)
    %dma_start3A_119 = arith.constant 3 : i32
    %dma_start3A_120 = arith.constant 0 : i32
    %dma_start3A_121 = tpu.memref_slice %arg4[%mul3A_2, %dma_start3A_119, %dma_start3A_120] : memref<81920x26x16xf32, #tpu.memory_space<hbm>> -> memref<2560x1x16xf32, #tpu.memory_space<hbm>>
    %dma_start3A_122 = tpu.memref_squeeze %dma_start3A_121 : memref<2560x1x16xf32, #tpu.memory_space<hbm>> -> memref<2560x16xf32, #tpu.memory_space<hbm>>
    %dma_start3A_123 = arith.constant 0 : i32
    %dma_start3A_124 = tpu.memref_slice %arg4[%mul3A_2, %dma_start3A_119, %dma_start3A_123] : memref<81920x26x16xf32, #tpu.memory_space<hbm>> -> memref<2560x1x16xf32, #tpu.memory_space<hbm>>
    %dma_start3A_125 = tpu.memref_squeeze %dma_start3A_124 : memref<2560x1x16xf32, #tpu.memory_space<hbm>> -> memref<2560x16xf32, #tpu.memory_space<hbm>>
    tpu.enqueue_dma source(%arg8 : memref<2560x16xf32, #tpu.memory_space<vmem>>) target(%dma_start3A_125 : memref<2560x16xf32, #tpu.memory_space<hbm>>) target_semaphore(%arg11 : memref<!tpu.dma_semaphore, #tpu.memory_space<semaphore_mem>>)
    %run_scoped3A_126 = arith.constant 5 : i32
    "tpu.region"() ({
      %run_scoped3A_806 = tpu.sem_alloc : memref<!tpu.dma_semaphore, #tpu.memory_space<semaphore_mem>>
      %dma_start3A_807 = tpu.memref_slice %arg2[%run_scoped3A_126, %mul3A_2] : memref<26x81920xi32, #tpu.memory_space<hbm>> -> memref<1x2560xi32, #tpu.memory_space<hbm>>
      %dma_start3A_808 = tpu.memref_squeeze %dma_start3A_807 : memref<1x2560xi32, #tpu.memory_space<hbm>> -> memref<2560xi32, #tpu.memory_space<hbm>>
      %dma_start3A_809 = tpu.memref_slice %arg2[%run_scoped3A_126, %mul3A_2] : memref<26x81920xi32, #tpu.memory_space<hbm>> -> memref<1x2560xi32, #tpu.memory_space<hbm>>
      %dma_start3A_810 = tpu.memref_squeeze %dma_start3A_809 : memref<1x2560xi32, #tpu.memory_space<hbm>> -> memref<2560xi32, #tpu.memory_space<hbm>>
      tpu.enqueue_dma source(%dma_start3A_810 : memref<2560xi32, #tpu.memory_space<hbm>>) target(%arg6 : memref<2560xi32, #tpu.memory_space<vmem>>) target_semaphore(%run_scoped3A_806 : memref<!tpu.dma_semaphore, #tpu.memory_space<semaphore_mem>>)
      %dma_wait3A_811 = tpu.memref_slice %arg2[%run_scoped3A_126, %mul3A_2] : memref<26x81920xi32, #tpu.memory_space<hbm>> -> memref<1x2560xi32, #tpu.memory_space<hbm>>
      %dma_wait3A_812 = tpu.memref_squeeze %dma_wait3A_811 : memref<1x2560xi32, #tpu.memory_space<hbm>> -> memref<2560xi32, #tpu.memory_space<hbm>>
      %dma_wait3A_813 = tpu.memref_slice %arg2[%run_scoped3A_126, %mul3A_2] : memref<26x81920xi32, #tpu.memory_space<hbm>> -> memref<1x2560xi32, #tpu.memory_space<hbm>>
      %dma_wait3A_814 = tpu.memref_squeeze %dma_wait3A_813 : memref<1x2560xi32, #tpu.memory_space<hbm>> -> memref<2560xi32, #tpu.memory_space<hbm>>
      tpu.wait_dma2 semaphore(%run_scoped3A_806 : memref<!tpu.dma_semaphore, #tpu.memory_space<semaphore_mem>>) src(%dma_wait3A_814 : memref<2560xi32, #tpu.memory_space<hbm>>) dst(%arg6 : memref<2560xi32, #tpu.memory_space<vmem>>)
      tpu.yield
    }) : () -> ()
    %dma_wait3A_127 = arith.constant 3 : i32
    %dma_wait3A_128 = arith.constant 0 : i32
    %dma_wait3A_129 = tpu.memref_slice %arg4[%mul3A_2, %dma_wait3A_127, %dma_wait3A_128] : memref<81920x26x16xf32, #tpu.memory_space<hbm>> -> memref<2560x1x16xf32, #tpu.memory_space<hbm>>
    %dma_wait3A_130 = tpu.memref_squeeze %dma_wait3A_129 : memref<2560x1x16xf32, #tpu.memory_space<hbm>> -> memref<2560x16xf32, #tpu.memory_space<hbm>>
    %dma_wait3A_131 = arith.constant 0 : i32
    %dma_wait3A_132 = tpu.memref_slice %arg4[%mul3A_2, %dma_wait3A_127, %dma_wait3A_131] : memref<81920x26x16xf32, #tpu.memory_space<hbm>> -> memref<2560x1x16xf32, #tpu.memory_space<hbm>>
    %dma_wait3A_133 = tpu.memref_squeeze %dma_wait3A_132 : memref<2560x1x16xf32, #tpu.memory_space<hbm>> -> memref<2560x16xf32, #tpu.memory_space<hbm>>
    tpu.wait_dma2 semaphore(%arg11 : memref<!tpu.dma_semaphore, #tpu.memory_space<semaphore_mem>>) src(%arg8 : memref<2560x16xf32, #tpu.memory_space<vmem>>) dst(%dma_wait3A_133 : memref<2560x16xf32, #tpu.memory_space<hbm>>)
    %dma_start3A_134 = arith.constant 5 : i32
    %dma_start3A_135 = arith.constant 0 : i32
    %dma_start3A_136 = arith.constant 0 : i32
    %dma_start3A_137 = tpu.memref_slice %arg3[%dma_start3A_134, %dma_start3A_135, %dma_start3A_136] : memref<26x100000x16xf32, #tpu.memory_space<hbm>> -> memref<1x100000x16xf32, #tpu.memory_space<hbm>>
    %dma_start3A_138 = tpu.memref_squeeze %dma_start3A_137 : memref<1x100000x16xf32, #tpu.memory_space<hbm>> -> memref<100000x16xf32, #tpu.memory_space<hbm>>
    %dma_start3A_139 = arith.constant 0 : i32
    %dma_start3A_140 = arith.constant 0 : i32
    %dma_start3A_141 = tpu.memref_slice %dma_start3A_138[%dma_start3A_139, %dma_start3A_140] : memref<100000x16xf32, #tpu.memory_space<hbm>> -> memref<100000x16xf32, #tpu.memory_space<hbm>>
    tpu.enqueue_indirect_dma source(%dma_start3A_141 : memref<100000x16xf32, #tpu.memory_space<hbm>>) target(%arg8 : memref<2560x16xf32, #tpu.memory_space<vmem>>) offsets(%arg6 : memref<2560xi32, #tpu.memory_space<vmem>>) semaphore(%arg10 : memref<!tpu.dma_semaphore, #tpu.memory_space<semaphore_mem>>)
    %dma_wait3A_142 = arith.constant 4 : i32
    %dma_wait3A_143 = arith.constant 0 : i32
    %dma_wait3A_144 = arith.constant 0 : i32
    %dma_wait3A_145 = tpu.memref_slice %arg3[%dma_wait3A_142, %dma_wait3A_143, %dma_wait3A_144] : memref<26x100000x16xf32, #tpu.memory_space<hbm>> -> memref<1x100000x16xf32, #tpu.memory_space<hbm>>
    %dma_wait3A_146 = tpu.memref_squeeze %dma_wait3A_145 : memref<1x100000x16xf32, #tpu.memory_space<hbm>> -> memref<100000x16xf32, #tpu.memory_space<hbm>>
    %dma_wait3A_147 = arith.constant 0 : i32
    %dma_wait3A_148 = arith.constant 0 : i32
    %dma_wait3A_149 = tpu.memref_slice %dma_wait3A_146[%dma_wait3A_147, %dma_wait3A_148] : memref<100000x16xf32, #tpu.memory_space<hbm>> -> memref<100000x16xf32, #tpu.memory_space<hbm>>
    tpu.wait_indirect_dma semaphore(%arg9 : memref<!tpu.dma_semaphore, #tpu.memory_space<semaphore_mem>>) src(%dma_wait3A_149 : memref<100000x16xf32, #tpu.memory_space<hbm>>) dst(%arg7 : memref<2560x16xf32, #tpu.memory_space<vmem>>)
    %dma_start3A_150 = arith.constant 4 : i32
    %dma_start3A_151 = arith.constant 0 : i32
    %dma_start3A_152 = tpu.memref_slice %arg4[%mul3A_2, %dma_start3A_150, %dma_start3A_151] : memref<81920x26x16xf32, #tpu.memory_space<hbm>> -> memref<2560x1x16xf32, #tpu.memory_space<hbm>>
    %dma_start3A_153 = tpu.memref_squeeze %dma_start3A_152 : memref<2560x1x16xf32, #tpu.memory_space<hbm>> -> memref<2560x16xf32, #tpu.memory_space<hbm>>
    %dma_start3A_154 = arith.constant 0 : i32
    %dma_start3A_155 = tpu.memref_slice %arg4[%mul3A_2, %dma_start3A_150, %dma_start3A_154] : memref<81920x26x16xf32, #tpu.memory_space<hbm>> -> memref<2560x1x16xf32, #tpu.memory_space<hbm>>
    %dma_start3A_156 = tpu.memref_squeeze %dma_start3A_155 : memref<2560x1x16xf32, #tpu.memory_space<hbm>> -> memref<2560x16xf32, #tpu.memory_space<hbm>>
    tpu.enqueue_dma source(%arg7 : memref<2560x16xf32, #tpu.memory_space<vmem>>) target(%dma_start3A_156 : memref<2560x16xf32, #tpu.memory_space<hbm>>) target_semaphore(%arg11 : memref<!tpu.dma_semaphore, #tpu.memory_space<semaphore_mem>>)
    %run_scoped3A_157 = arith.constant 6 : i32
    "tpu.region"() ({
      %run_scoped3A_806 = tpu.sem_alloc : memref<!tpu.dma_semaphore, #tpu.memory_space<semaphore_mem>>
      %dma_start3A_807 = tpu.memref_slice %arg2[%run_scoped3A_157, %mul3A_2] : memref<26x81920xi32, #tpu.memory_space<hbm>> -> memref<1x2560xi32, #tpu.memory_space<hbm>>
      %dma_start3A_808 = tpu.memref_squeeze %dma_start3A_807 : memref<1x2560xi32, #tpu.memory_space<hbm>> -> memref<2560xi32, #tpu.memory_space<hbm>>
      %dma_start3A_809 = tpu.memref_slice %arg2[%run_scoped3A_157, %mul3A_2] : memref<26x81920xi32, #tpu.memory_space<hbm>> -> memref<1x2560xi32, #tpu.memory_space<hbm>>
      %dma_start3A_810 = tpu.memref_squeeze %dma_start3A_809 : memref<1x2560xi32, #tpu.memory_space<hbm>> -> memref<2560xi32, #tpu.memory_space<hbm>>
      tpu.enqueue_dma source(%dma_start3A_810 : memref<2560xi32, #tpu.memory_space<hbm>>) target(%arg5 : memref<2560xi32, #tpu.memory_space<vmem>>) target_semaphore(%run_scoped3A_806 : memref<!tpu.dma_semaphore, #tpu.memory_space<semaphore_mem>>)
      %dma_wait3A_811 = tpu.memref_slice %arg2[%run_scoped3A_157, %mul3A_2] : memref<26x81920xi32, #tpu.memory_space<hbm>> -> memref<1x2560xi32, #tpu.memory_space<hbm>>
      %dma_wait3A_812 = tpu.memref_squeeze %dma_wait3A_811 : memref<1x2560xi32, #tpu.memory_space<hbm>> -> memref<2560xi32, #tpu.memory_space<hbm>>
      %dma_wait3A_813 = tpu.memref_slice %arg2[%run_scoped3A_157, %mul3A_2] : memref<26x81920xi32, #tpu.memory_space<hbm>> -> memref<1x2560xi32, #tpu.memory_space<hbm>>
      %dma_wait3A_814 = tpu.memref_squeeze %dma_wait3A_813 : memref<1x2560xi32, #tpu.memory_space<hbm>> -> memref<2560xi32, #tpu.memory_space<hbm>>
      tpu.wait_dma2 semaphore(%run_scoped3A_806 : memref<!tpu.dma_semaphore, #tpu.memory_space<semaphore_mem>>) src(%dma_wait3A_814 : memref<2560xi32, #tpu.memory_space<hbm>>) dst(%arg5 : memref<2560xi32, #tpu.memory_space<vmem>>)
      tpu.yield
    }) : () -> ()
    %dma_wait3A_158 = arith.constant 4 : i32
    %dma_wait3A_159 = arith.constant 0 : i32
    %dma_wait3A_160 = tpu.memref_slice %arg4[%mul3A_2, %dma_wait3A_158, %dma_wait3A_159] : memref<81920x26x16xf32, #tpu.memory_space<hbm>> -> memref<2560x1x16xf32, #tpu.memory_space<hbm>>
    %dma_wait3A_161 = tpu.memref_squeeze %dma_wait3A_160 : memref<2560x1x16xf32, #tpu.memory_space<hbm>> -> memref<2560x16xf32, #tpu.memory_space<hbm>>
    %dma_wait3A_162 = arith.constant 0 : i32
    %dma_wait3A_163 = tpu.memref_slice %arg4[%mul3A_2, %dma_wait3A_158, %dma_wait3A_162] : memref<81920x26x16xf32, #tpu.memory_space<hbm>> -> memref<2560x1x16xf32, #tpu.memory_space<hbm>>
    %dma_wait3A_164 = tpu.memref_squeeze %dma_wait3A_163 : memref<2560x1x16xf32, #tpu.memory_space<hbm>> -> memref<2560x16xf32, #tpu.memory_space<hbm>>
    tpu.wait_dma2 semaphore(%arg11 : memref<!tpu.dma_semaphore, #tpu.memory_space<semaphore_mem>>) src(%arg7 : memref<2560x16xf32, #tpu.memory_space<vmem>>) dst(%dma_wait3A_164 : memref<2560x16xf32, #tpu.memory_space<hbm>>)
    %dma_start3A_165 = arith.constant 6 : i32
    %dma_start3A_166 = arith.constant 0 : i32
    %dma_start3A_167 = arith.constant 0 : i32
    %dma_start3A_168 = tpu.memref_slice %arg3[%dma_start3A_165, %dma_start3A_166, %dma_start3A_167] : memref<26x100000x16xf32, #tpu.memory_space<hbm>> -> memref<1x100000x16xf32, #tpu.memory_space<hbm>>
    %dma_start3A_169 = tpu.memref_squeeze %dma_start3A_168 : memref<1x100000x16xf32, #tpu.memory_space<hbm>> -> memref<100000x16xf32, #tpu.memory_space<hbm>>
    %dma_start3A_170 = arith.constant 0 : i32
    %dma_start3A_171 = arith.constant 0 : i32
    %dma_start3A_172 = tpu.memref_slice %dma_start3A_169[%dma_start3A_170, %dma_start3A_171] : memref<100000x16xf32, #tpu.memory_space<hbm>> -> memref<100000x16xf32, #tpu.memory_space<hbm>>
    tpu.enqueue_indirect_dma source(%dma_start3A_172 : memref<100000x16xf32, #tpu.memory_space<hbm>>) target(%arg7 : memref<2560x16xf32, #tpu.memory_space<vmem>>) offsets(%arg5 : memref<2560xi32, #tpu.memory_space<vmem>>) semaphore(%arg9 : memref<!tpu.dma_semaphore, #tpu.memory_space<semaphore_mem>>)
    %dma_wait3A_173 = arith.constant 5 : i32
    %dma_wait3A_174 = arith.constant 0 : i32
    %dma_wait3A_175 = arith.constant 0 : i32
    %dma_wait3A_176 = tpu.memref_slice %arg3[%dma_wait3A_173, %dma_wait3A_174, %dma_wait3A_175] : memref<26x100000x16xf32, #tpu.memory_space<hbm>> -> memref<1x100000x16xf32, #tpu.memory_space<hbm>>
    %dma_wait3A_177 = tpu.memref_squeeze %dma_wait3A_176 : memref<1x100000x16xf32, #tpu.memory_space<hbm>> -> memref<100000x16xf32, #tpu.memory_space<hbm>>
    %dma_wait3A_178 = arith.constant 0 : i32
    %dma_wait3A_179 = arith.constant 0 : i32
    %dma_wait3A_180 = tpu.memref_slice %dma_wait3A_177[%dma_wait3A_178, %dma_wait3A_179] : memref<100000x16xf32, #tpu.memory_space<hbm>> -> memref<100000x16xf32, #tpu.memory_space<hbm>>
    tpu.wait_indirect_dma semaphore(%arg10 : memref<!tpu.dma_semaphore, #tpu.memory_space<semaphore_mem>>) src(%dma_wait3A_180 : memref<100000x16xf32, #tpu.memory_space<hbm>>) dst(%arg8 : memref<2560x16xf32, #tpu.memory_space<vmem>>)
    %dma_start3A_181 = arith.constant 5 : i32
    %dma_start3A_182 = arith.constant 0 : i32
    %dma_start3A_183 = tpu.memref_slice %arg4[%mul3A_2, %dma_start3A_181, %dma_start3A_182] : memref<81920x26x16xf32, #tpu.memory_space<hbm>> -> memref<2560x1x16xf32, #tpu.memory_space<hbm>>
    %dma_start3A_184 = tpu.memref_squeeze %dma_start3A_183 : memref<2560x1x16xf32, #tpu.memory_space<hbm>> -> memref<2560x16xf32, #tpu.memory_space<hbm>>
    %dma_start3A_185 = arith.constant 0 : i32
    %dma_start3A_186 = tpu.memref_slice %arg4[%mul3A_2, %dma_start3A_181, %dma_start3A_185] : memref<81920x26x16xf32, #tpu.memory_space<hbm>> -> memref<2560x1x16xf32, #tpu.memory_space<hbm>>
    %dma_start3A_187 = tpu.memref_squeeze %dma_start3A_186 : memref<2560x1x16xf32, #tpu.memory_space<hbm>> -> memref<2560x16xf32, #tpu.memory_space<hbm>>
    tpu.enqueue_dma source(%arg8 : memref<2560x16xf32, #tpu.memory_space<vmem>>) target(%dma_start3A_187 : memref<2560x16xf32, #tpu.memory_space<hbm>>) target_semaphore(%arg11 : memref<!tpu.dma_semaphore, #tpu.memory_space<semaphore_mem>>)
    %run_scoped3A_188 = arith.constant 7 : i32
    "tpu.region"() ({
      %run_scoped3A_806 = tpu.sem_alloc : memref<!tpu.dma_semaphore, #tpu.memory_space<semaphore_mem>>
      %dma_start3A_807 = tpu.memref_slice %arg2[%run_scoped3A_188, %mul3A_2] : memref<26x81920xi32, #tpu.memory_space<hbm>> -> memref<1x2560xi32, #tpu.memory_space<hbm>>
      %dma_start3A_808 = tpu.memref_squeeze %dma_start3A_807 : memref<1x2560xi32, #tpu.memory_space<hbm>> -> memref<2560xi32, #tpu.memory_space<hbm>>
      %dma_start3A_809 = tpu.memref_slice %arg2[%run_scoped3A_188, %mul3A_2] : memref<26x81920xi32, #tpu.memory_space<hbm>> -> memref<1x2560xi32, #tpu.memory_space<hbm>>
      %dma_start3A_810 = tpu.memref_squeeze %dma_start3A_809 : memref<1x2560xi32, #tpu.memory_space<hbm>> -> memref<2560xi32, #tpu.memory_space<hbm>>
      tpu.enqueue_dma source(%dma_start3A_810 : memref<2560xi32, #tpu.memory_space<hbm>>) target(%arg6 : memref<2560xi32, #tpu.memory_space<vmem>>) target_semaphore(%run_scoped3A_806 : memref<!tpu.dma_semaphore, #tpu.memory_space<semaphore_mem>>)
      %dma_wait3A_811 = tpu.memref_slice %arg2[%run_scoped3A_188, %mul3A_2] : memref<26x81920xi32, #tpu.memory_space<hbm>> -> memref<1x2560xi32, #tpu.memory_space<hbm>>
      %dma_wait3A_812 = tpu.memref_squeeze %dma_wait3A_811 : memref<1x2560xi32, #tpu.memory_space<hbm>> -> memref<2560xi32, #tpu.memory_space<hbm>>
      %dma_wait3A_813 = tpu.memref_slice %arg2[%run_scoped3A_188, %mul3A_2] : memref<26x81920xi32, #tpu.memory_space<hbm>> -> memref<1x2560xi32, #tpu.memory_space<hbm>>
      %dma_wait3A_814 = tpu.memref_squeeze %dma_wait3A_813 : memref<1x2560xi32, #tpu.memory_space<hbm>> -> memref<2560xi32, #tpu.memory_space<hbm>>
      tpu.wait_dma2 semaphore(%run_scoped3A_806 : memref<!tpu.dma_semaphore, #tpu.memory_space<semaphore_mem>>) src(%dma_wait3A_814 : memref<2560xi32, #tpu.memory_space<hbm>>) dst(%arg6 : memref<2560xi32, #tpu.memory_space<vmem>>)
      tpu.yield
    }) : () -> ()
    %dma_wait3A_189 = arith.constant 5 : i32
    %dma_wait3A_190 = arith.constant 0 : i32
    %dma_wait3A_191 = tpu.memref_slice %arg4[%mul3A_2, %dma_wait3A_189, %dma_wait3A_190] : memref<81920x26x16xf32, #tpu.memory_space<hbm>> -> memref<2560x1x16xf32, #tpu.memory_space<hbm>>
    %dma_wait3A_192 = tpu.memref_squeeze %dma_wait3A_191 : memref<2560x1x16xf32, #tpu.memory_space<hbm>> -> memref<2560x16xf32, #tpu.memory_space<hbm>>
    %dma_wait3A_193 = arith.constant 0 : i32
    %dma_wait3A_194 = tpu.memref_slice %arg4[%mul3A_2, %dma_wait3A_189, %dma_wait3A_193] : memref<81920x26x16xf32, #tpu.memory_space<hbm>> -> memref<2560x1x16xf32, #tpu.memory_space<hbm>>
    %dma_wait3A_195 = tpu.memref_squeeze %dma_wait3A_194 : memref<2560x1x16xf32, #tpu.memory_space<hbm>> -> memref<2560x16xf32, #tpu.memory_space<hbm>>
    tpu.wait_dma2 semaphore(%arg11 : memref<!tpu.dma_semaphore, #tpu.memory_space<semaphore_mem>>) src(%arg8 : memref<2560x16xf32, #tpu.memory_space<vmem>>) dst(%dma_wait3A_195 : memref<2560x16xf32, #tpu.memory_space<hbm>>)
    %dma_start3A_196 = arith.constant 7 : i32
    %dma_start3A_197 = arith.constant 0 : i32
    %dma_start3A_198 = arith.constant 0 : i32
    %dma_start3A_199 = tpu.memref_slice %arg3[%dma_start3A_196, %dma_start3A_197, %dma_start3A_198] : memref<26x100000x16xf32, #tpu.memory_space<hbm>> -> memref<1x100000x16xf32, #tpu.memory_space<hbm>>
    %dma_start3A_200 = tpu.memref_squeeze %dma_start3A_199 : memref<1x100000x16xf32, #tpu.memory_space<hbm>> -> memref<100000x16xf32, #tpu.memory_space<hbm>>
    %dma_start3A_201 = arith.constant 0 : i32
    %dma_start3A_202 = arith.constant 0 : i32
    %dma_start3A_203 = tpu.memref_slice %dma_start3A_200[%dma_start3A_201, %dma_start3A_202] : memref<100000x16xf32, #tpu.memory_space<hbm>> -> memref<100000x16xf32, #tpu.memory_space<hbm>>
    tpu.enqueue_indirect_dma source(%dma_start3A_203 : memref<100000x16xf32, #tpu.memory_space<hbm>>) target(%arg8 : memref<2560x16xf32, #tpu.memory_space<vmem>>) offsets(%arg6 : memref<2560xi32, #tpu.memory_space<vmem>>) semaphore(%arg10 : memref<!tpu.dma_semaphore, #tpu.memory_space<semaphore_mem>>)
    %dma_wait3A_204 = arith.constant 6 : i32
    %dma_wait3A_205 = arith.constant 0 : i32
    %dma_wait3A_206 = arith.constant 0 : i32
    %dma_wait3A_207 = tpu.memref_slice %arg3[%dma_wait3A_204, %dma_wait3A_205, %dma_wait3A_206] : memref<26x100000x16xf32, #tpu.memory_space<hbm>> -> memref<1x100000x16xf32, #tpu.memory_space<hbm>>
    %dma_wait3A_208 = tpu.memref_squeeze %dma_wait3A_207 : memref<1x100000x16xf32, #tpu.memory_space<hbm>> -> memref<100000x16xf32, #tpu.memory_space<hbm>>
    %dma_wait3A_209 = arith.constant 0 : i32
    %dma_wait3A_210 = arith.constant 0 : i32
    %dma_wait3A_211 = tpu.memref_slice %dma_wait3A_208[%dma_wait3A_209, %dma_wait3A_210] : memref<100000x16xf32, #tpu.memory_space<hbm>> -> memref<100000x16xf32, #tpu.memory_space<hbm>>
    tpu.wait_indirect_dma semaphore(%arg9 : memref<!tpu.dma_semaphore, #tpu.memory_space<semaphore_mem>>) src(%dma_wait3A_211 : memref<100000x16xf32, #tpu.memory_space<hbm>>) dst(%arg7 : memref<2560x16xf32, #tpu.memory_space<vmem>>)
    %dma_start3A_212 = arith.constant 6 : i32
    %dma_start3A_213 = arith.constant 0 : i32
    %dma_start3A_214 = tpu.memref_slice %arg4[%mul3A_2, %dma_start3A_212, %dma_start3A_213] : memref<81920x26x16xf32, #tpu.memory_space<hbm>> -> memref<2560x1x16xf32, #tpu.memory_space<hbm>>
    %dma_start3A_215 = tpu.memref_squeeze %dma_start3A_214 : memref<2560x1x16xf32, #tpu.memory_space<hbm>> -> memref<2560x16xf32, #tpu.memory_space<hbm>>
    %dma_start3A_216 = arith.constant 0 : i32
    %dma_start3A_217 = tpu.memref_slice %arg4[%mul3A_2, %dma_start3A_212, %dma_start3A_216] : memref<81920x26x16xf32, #tpu.memory_space<hbm>> -> memref<2560x1x16xf32, #tpu.memory_space<hbm>>
    %dma_start3A_218 = tpu.memref_squeeze %dma_start3A_217 : memref<2560x1x16xf32, #tpu.memory_space<hbm>> -> memref<2560x16xf32, #tpu.memory_space<hbm>>
    tpu.enqueue_dma source(%arg7 : memref<2560x16xf32, #tpu.memory_space<vmem>>) target(%dma_start3A_218 : memref<2560x16xf32, #tpu.memory_space<hbm>>) target_semaphore(%arg11 : memref<!tpu.dma_semaphore, #tpu.memory_space<semaphore_mem>>)
    %run_scoped3A_219 = arith.constant 8 : i32
    "tpu.region"() ({
      %run_scoped3A_806 = tpu.sem_alloc : memref<!tpu.dma_semaphore, #tpu.memory_space<semaphore_mem>>
      %dma_start3A_807 = tpu.memref_slice %arg2[%run_scoped3A_219, %mul3A_2] : memref<26x81920xi32, #tpu.memory_space<hbm>> -> memref<1x2560xi32, #tpu.memory_space<hbm>>
      %dma_start3A_808 = tpu.memref_squeeze %dma_start3A_807 : memref<1x2560xi32, #tpu.memory_space<hbm>> -> memref<2560xi32, #tpu.memory_space<hbm>>
      %dma_start3A_809 = tpu.memref_slice %arg2[%run_scoped3A_219, %mul3A_2] : memref<26x81920xi32, #tpu.memory_space<hbm>> -> memref<1x2560xi32, #tpu.memory_space<hbm>>
      %dma_start3A_810 = tpu.memref_squeeze %dma_start3A_809 : memref<1x2560xi32, #tpu.memory_space<hbm>> -> memref<2560xi32, #tpu.memory_space<hbm>>
      tpu.enqueue_dma source(%dma_start3A_810 : memref<2560xi32, #tpu.memory_space<hbm>>) target(%arg5 : memref<2560xi32, #tpu.memory_space<vmem>>) target_semaphore(%run_scoped3A_806 : memref<!tpu.dma_semaphore, #tpu.memory_space<semaphore_mem>>)
      %dma_wait3A_811 = tpu.memref_slice %arg2[%run_scoped3A_219, %mul3A_2] : memref<26x81920xi32, #tpu.memory_space<hbm>> -> memref<1x2560xi32, #tpu.memory_space<hbm>>
      %dma_wait3A_812 = tpu.memref_squeeze %dma_wait3A_811 : memref<1x2560xi32, #tpu.memory_space<hbm>> -> memref<2560xi32, #tpu.memory_space<hbm>>
      %dma_wait3A_813 = tpu.memref_slice %arg2[%run_scoped3A_219, %mul3A_2] : memref<26x81920xi32, #tpu.memory_space<hbm>> -> memref<1x2560xi32, #tpu.memory_space<hbm>>
      %dma_wait3A_814 = tpu.memref_squeeze %dma_wait3A_813 : memref<1x2560xi32, #tpu.memory_space<hbm>> -> memref<2560xi32, #tpu.memory_space<hbm>>
      tpu.wait_dma2 semaphore(%run_scoped3A_806 : memref<!tpu.dma_semaphore, #tpu.memory_space<semaphore_mem>>) src(%dma_wait3A_814 : memref<2560xi32, #tpu.memory_space<hbm>>) dst(%arg5 : memref<2560xi32, #tpu.memory_space<vmem>>)
      tpu.yield
    }) : () -> ()
    %dma_wait3A_220 = arith.constant 6 : i32
    %dma_wait3A_221 = arith.constant 0 : i32
    %dma_wait3A_222 = tpu.memref_slice %arg4[%mul3A_2, %dma_wait3A_220, %dma_wait3A_221] : memref<81920x26x16xf32, #tpu.memory_space<hbm>> -> memref<2560x1x16xf32, #tpu.memory_space<hbm>>
    %dma_wait3A_223 = tpu.memref_squeeze %dma_wait3A_222 : memref<2560x1x16xf32, #tpu.memory_space<hbm>> -> memref<2560x16xf32, #tpu.memory_space<hbm>>
    %dma_wait3A_224 = arith.constant 0 : i32
    %dma_wait3A_225 = tpu.memref_slice %arg4[%mul3A_2, %dma_wait3A_220, %dma_wait3A_224] : memref<81920x26x16xf32, #tpu.memory_space<hbm>> -> memref<2560x1x16xf32, #tpu.memory_space<hbm>>
    %dma_wait3A_226 = tpu.memref_squeeze %dma_wait3A_225 : memref<2560x1x16xf32, #tpu.memory_space<hbm>> -> memref<2560x16xf32, #tpu.memory_space<hbm>>
    tpu.wait_dma2 semaphore(%arg11 : memref<!tpu.dma_semaphore, #tpu.memory_space<semaphore_mem>>) src(%arg7 : memref<2560x16xf32, #tpu.memory_space<vmem>>) dst(%dma_wait3A_226 : memref<2560x16xf32, #tpu.memory_space<hbm>>)
    %dma_start3A_227 = arith.constant 8 : i32
    %dma_start3A_228 = arith.constant 0 : i32
    %dma_start3A_229 = arith.constant 0 : i32
    %dma_start3A_230 = tpu.memref_slice %arg3[%dma_start3A_227, %dma_start3A_228, %dma_start3A_229] : memref<26x100000x16xf32, #tpu.memory_space<hbm>> -> memref<1x100000x16xf32, #tpu.memory_space<hbm>>
    %dma_start3A_231 = tpu.memref_squeeze %dma_start3A_230 : memref<1x100000x16xf32, #tpu.memory_space<hbm>> -> memref<100000x16xf32, #tpu.memory_space<hbm>>
    %dma_start3A_232 = arith.constant 0 : i32
    %dma_start3A_233 = arith.constant 0 : i32
    %dma_start3A_234 = tpu.memref_slice %dma_start3A_231[%dma_start3A_232, %dma_start3A_233] : memref<100000x16xf32, #tpu.memory_space<hbm>> -> memref<100000x16xf32, #tpu.memory_space<hbm>>
    tpu.enqueue_indirect_dma source(%dma_start3A_234 : memref<100000x16xf32, #tpu.memory_space<hbm>>) target(%arg7 : memref<2560x16xf32, #tpu.memory_space<vmem>>) offsets(%arg5 : memref<2560xi32, #tpu.memory_space<vmem>>) semaphore(%arg9 : memref<!tpu.dma_semaphore, #tpu.memory_space<semaphore_mem>>)
    %dma_wait3A_235 = arith.constant 7 : i32
    %dma_wait3A_236 = arith.constant 0 : i32
    %dma_wait3A_237 = arith.constant 0 : i32
    %dma_wait3A_238 = tpu.memref_slice %arg3[%dma_wait3A_235, %dma_wait3A_236, %dma_wait3A_237] : memref<26x100000x16xf32, #tpu.memory_space<hbm>> -> memref<1x100000x16xf32, #tpu.memory_space<hbm>>
    %dma_wait3A_239 = tpu.memref_squeeze %dma_wait3A_238 : memref<1x100000x16xf32, #tpu.memory_space<hbm>> -> memref<100000x16xf32, #tpu.memory_space<hbm>>
    %dma_wait3A_240 = arith.constant 0 : i32
    %dma_wait3A_241 = arith.constant 0 : i32
    %dma_wait3A_242 = tpu.memref_slice %dma_wait3A_239[%dma_wait3A_240, %dma_wait3A_241] : memref<100000x16xf32, #tpu.memory_space<hbm>> -> memref<100000x16xf32, #tpu.memory_space<hbm>>
    tpu.wait_indirect_dma semaphore(%arg10 : memref<!tpu.dma_semaphore, #tpu.memory_space<semaphore_mem>>) src(%dma_wait3A_242 : memref<100000x16xf32, #tpu.memory_space<hbm>>) dst(%arg8 : memref<2560x16xf32, #tpu.memory_space<vmem>>)
    %dma_start3A_243 = arith.constant 7 : i32
    %dma_start3A_244 = arith.constant 0 : i32
    %dma_start3A_245 = tpu.memref_slice %arg4[%mul3A_2, %dma_start3A_243, %dma_start3A_244] : memref<81920x26x16xf32, #tpu.memory_space<hbm>> -> memref<2560x1x16xf32, #tpu.memory_space<hbm>>
    %dma_start3A_246 = tpu.memref_squeeze %dma_start3A_245 : memref<2560x1x16xf32, #tpu.memory_space<hbm>> -> memref<2560x16xf32, #tpu.memory_space<hbm>>
    %dma_start3A_247 = arith.constant 0 : i32
    %dma_start3A_248 = tpu.memref_slice %arg4[%mul3A_2, %dma_start3A_243, %dma_start3A_247] : memref<81920x26x16xf32, #tpu.memory_space<hbm>> -> memref<2560x1x16xf32, #tpu.memory_space<hbm>>
    %dma_start3A_249 = tpu.memref_squeeze %dma_start3A_248 : memref<2560x1x16xf32, #tpu.memory_space<hbm>> -> memref<2560x16xf32, #tpu.memory_space<hbm>>
    tpu.enqueue_dma source(%arg8 : memref<2560x16xf32, #tpu.memory_space<vmem>>) target(%dma_start3A_249 : memref<2560x16xf32, #tpu.memory_space<hbm>>) target_semaphore(%arg11 : memref<!tpu.dma_semaphore, #tpu.memory_space<semaphore_mem>>)
    %run_scoped3A_250 = arith.constant 9 : i32
    "tpu.region"() ({
      %run_scoped3A_806 = tpu.sem_alloc : memref<!tpu.dma_semaphore, #tpu.memory_space<semaphore_mem>>
      %dma_start3A_807 = tpu.memref_slice %arg2[%run_scoped3A_250, %mul3A_2] : memref<26x81920xi32, #tpu.memory_space<hbm>> -> memref<1x2560xi32, #tpu.memory_space<hbm>>
      %dma_start3A_808 = tpu.memref_squeeze %dma_start3A_807 : memref<1x2560xi32, #tpu.memory_space<hbm>> -> memref<2560xi32, #tpu.memory_space<hbm>>
      %dma_start3A_809 = tpu.memref_slice %arg2[%run_scoped3A_250, %mul3A_2] : memref<26x81920xi32, #tpu.memory_space<hbm>> -> memref<1x2560xi32, #tpu.memory_space<hbm>>
      %dma_start3A_810 = tpu.memref_squeeze %dma_start3A_809 : memref<1x2560xi32, #tpu.memory_space<hbm>> -> memref<2560xi32, #tpu.memory_space<hbm>>
      tpu.enqueue_dma source(%dma_start3A_810 : memref<2560xi32, #tpu.memory_space<hbm>>) target(%arg6 : memref<2560xi32, #tpu.memory_space<vmem>>) target_semaphore(%run_scoped3A_806 : memref<!tpu.dma_semaphore, #tpu.memory_space<semaphore_mem>>)
      %dma_wait3A_811 = tpu.memref_slice %arg2[%run_scoped3A_250, %mul3A_2] : memref<26x81920xi32, #tpu.memory_space<hbm>> -> memref<1x2560xi32, #tpu.memory_space<hbm>>
      %dma_wait3A_812 = tpu.memref_squeeze %dma_wait3A_811 : memref<1x2560xi32, #tpu.memory_space<hbm>> -> memref<2560xi32, #tpu.memory_space<hbm>>
      %dma_wait3A_813 = tpu.memref_slice %arg2[%run_scoped3A_250, %mul3A_2] : memref<26x81920xi32, #tpu.memory_space<hbm>> -> memref<1x2560xi32, #tpu.memory_space<hbm>>
      %dma_wait3A_814 = tpu.memref_squeeze %dma_wait3A_813 : memref<1x2560xi32, #tpu.memory_space<hbm>> -> memref<2560xi32, #tpu.memory_space<hbm>>
      tpu.wait_dma2 semaphore(%run_scoped3A_806 : memref<!tpu.dma_semaphore, #tpu.memory_space<semaphore_mem>>) src(%dma_wait3A_814 : memref<2560xi32, #tpu.memory_space<hbm>>) dst(%arg6 : memref<2560xi32, #tpu.memory_space<vmem>>)
      tpu.yield
    }) : () -> ()
    %dma_wait3A_251 = arith.constant 7 : i32
    %dma_wait3A_252 = arith.constant 0 : i32
    %dma_wait3A_253 = tpu.memref_slice %arg4[%mul3A_2, %dma_wait3A_251, %dma_wait3A_252] : memref<81920x26x16xf32, #tpu.memory_space<hbm>> -> memref<2560x1x16xf32, #tpu.memory_space<hbm>>
    %dma_wait3A_254 = tpu.memref_squeeze %dma_wait3A_253 : memref<2560x1x16xf32, #tpu.memory_space<hbm>> -> memref<2560x16xf32, #tpu.memory_space<hbm>>
    %dma_wait3A_255 = arith.constant 0 : i32
    %dma_wait3A_256 = tpu.memref_slice %arg4[%mul3A_2, %dma_wait3A_251, %dma_wait3A_255] : memref<81920x26x16xf32, #tpu.memory_space<hbm>> -> memref<2560x1x16xf32, #tpu.memory_space<hbm>>
    %dma_wait3A_257 = tpu.memref_squeeze %dma_wait3A_256 : memref<2560x1x16xf32, #tpu.memory_space<hbm>> -> memref<2560x16xf32, #tpu.memory_space<hbm>>
    tpu.wait_dma2 semaphore(%arg11 : memref<!tpu.dma_semaphore, #tpu.memory_space<semaphore_mem>>) src(%arg8 : memref<2560x16xf32, #tpu.memory_space<vmem>>) dst(%dma_wait3A_257 : memref<2560x16xf32, #tpu.memory_space<hbm>>)
    %dma_start3A_258 = arith.constant 9 : i32
    %dma_start3A_259 = arith.constant 0 : i32
    %dma_start3A_260 = arith.constant 0 : i32
    %dma_start3A_261 = tpu.memref_slice %arg3[%dma_start3A_258, %dma_start3A_259, %dma_start3A_260] : memref<26x100000x16xf32, #tpu.memory_space<hbm>> -> memref<1x100000x16xf32, #tpu.memory_space<hbm>>
    %dma_start3A_262 = tpu.memref_squeeze %dma_start3A_261 : memref<1x100000x16xf32, #tpu.memory_space<hbm>> -> memref<100000x16xf32, #tpu.memory_space<hbm>>
    %dma_start3A_263 = arith.constant 0 : i32
    %dma_start3A_264 = arith.constant 0 : i32
    %dma_start3A_265 = tpu.memref_slice %dma_start3A_262[%dma_start3A_263, %dma_start3A_264] : memref<100000x16xf32, #tpu.memory_space<hbm>> -> memref<100000x16xf32, #tpu.memory_space<hbm>>
    tpu.enqueue_indirect_dma source(%dma_start3A_265 : memref<100000x16xf32, #tpu.memory_space<hbm>>) target(%arg8 : memref<2560x16xf32, #tpu.memory_space<vmem>>) offsets(%arg6 : memref<2560xi32, #tpu.memory_space<vmem>>) semaphore(%arg10 : memref<!tpu.dma_semaphore, #tpu.memory_space<semaphore_mem>>)
    %dma_wait3A_266 = arith.constant 8 : i32
    %dma_wait3A_267 = arith.constant 0 : i32
    %dma_wait3A_268 = arith.constant 0 : i32
    %dma_wait3A_269 = tpu.memref_slice %arg3[%dma_wait3A_266, %dma_wait3A_267, %dma_wait3A_268] : memref<26x100000x16xf32, #tpu.memory_space<hbm>> -> memref<1x100000x16xf32, #tpu.memory_space<hbm>>
    %dma_wait3A_270 = tpu.memref_squeeze %dma_wait3A_269 : memref<1x100000x16xf32, #tpu.memory_space<hbm>> -> memref<100000x16xf32, #tpu.memory_space<hbm>>
    %dma_wait3A_271 = arith.constant 0 : i32
    %dma_wait3A_272 = arith.constant 0 : i32
    %dma_wait3A_273 = tpu.memref_slice %dma_wait3A_270[%dma_wait3A_271, %dma_wait3A_272] : memref<100000x16xf32, #tpu.memory_space<hbm>> -> memref<100000x16xf32, #tpu.memory_space<hbm>>
    tpu.wait_indirect_dma semaphore(%arg9 : memref<!tpu.dma_semaphore, #tpu.memory_space<semaphore_mem>>) src(%dma_wait3A_273 : memref<100000x16xf32, #tpu.memory_space<hbm>>) dst(%arg7 : memref<2560x16xf32, #tpu.memory_space<vmem>>)
    %dma_start3A_274 = arith.constant 8 : i32
    %dma_start3A_275 = arith.constant 0 : i32
    %dma_start3A_276 = tpu.memref_slice %arg4[%mul3A_2, %dma_start3A_274, %dma_start3A_275] : memref<81920x26x16xf32, #tpu.memory_space<hbm>> -> memref<2560x1x16xf32, #tpu.memory_space<hbm>>
    %dma_start3A_277 = tpu.memref_squeeze %dma_start3A_276 : memref<2560x1x16xf32, #tpu.memory_space<hbm>> -> memref<2560x16xf32, #tpu.memory_space<hbm>>
    %dma_start3A_278 = arith.constant 0 : i32
    %dma_start3A_279 = tpu.memref_slice %arg4[%mul3A_2, %dma_start3A_274, %dma_start3A_278] : memref<81920x26x16xf32, #tpu.memory_space<hbm>> -> memref<2560x1x16xf32, #tpu.memory_space<hbm>>
    %dma_start3A_280 = tpu.memref_squeeze %dma_start3A_279 : memref<2560x1x16xf32, #tpu.memory_space<hbm>> -> memref<2560x16xf32, #tpu.memory_space<hbm>>
    tpu.enqueue_dma source(%arg7 : memref<2560x16xf32, #tpu.memory_space<vmem>>) target(%dma_start3A_280 : memref<2560x16xf32, #tpu.memory_space<hbm>>) target_semaphore(%arg11 : memref<!tpu.dma_semaphore, #tpu.memory_space<semaphore_mem>>)
    %run_scoped3A_281 = arith.constant 10 : i32
    "tpu.region"() ({
      %run_scoped3A_806 = tpu.sem_alloc : memref<!tpu.dma_semaphore, #tpu.memory_space<semaphore_mem>>
      %dma_start3A_807 = tpu.memref_slice %arg2[%run_scoped3A_281, %mul3A_2] : memref<26x81920xi32, #tpu.memory_space<hbm>> -> memref<1x2560xi32, #tpu.memory_space<hbm>>
      %dma_start3A_808 = tpu.memref_squeeze %dma_start3A_807 : memref<1x2560xi32, #tpu.memory_space<hbm>> -> memref<2560xi32, #tpu.memory_space<hbm>>
      %dma_start3A_809 = tpu.memref_slice %arg2[%run_scoped3A_281, %mul3A_2] : memref<26x81920xi32, #tpu.memory_space<hbm>> -> memref<1x2560xi32, #tpu.memory_space<hbm>>
      %dma_start3A_810 = tpu.memref_squeeze %dma_start3A_809 : memref<1x2560xi32, #tpu.memory_space<hbm>> -> memref<2560xi32, #tpu.memory_space<hbm>>
      tpu.enqueue_dma source(%dma_start3A_810 : memref<2560xi32, #tpu.memory_space<hbm>>) target(%arg5 : memref<2560xi32, #tpu.memory_space<vmem>>) target_semaphore(%run_scoped3A_806 : memref<!tpu.dma_semaphore, #tpu.memory_space<semaphore_mem>>)
      %dma_wait3A_811 = tpu.memref_slice %arg2[%run_scoped3A_281, %mul3A_2] : memref<26x81920xi32, #tpu.memory_space<hbm>> -> memref<1x2560xi32, #tpu.memory_space<hbm>>
      %dma_wait3A_812 = tpu.memref_squeeze %dma_wait3A_811 : memref<1x2560xi32, #tpu.memory_space<hbm>> -> memref<2560xi32, #tpu.memory_space<hbm>>
      %dma_wait3A_813 = tpu.memref_slice %arg2[%run_scoped3A_281, %mul3A_2] : memref<26x81920xi32, #tpu.memory_space<hbm>> -> memref<1x2560xi32, #tpu.memory_space<hbm>>
      %dma_wait3A_814 = tpu.memref_squeeze %dma_wait3A_813 : memref<1x2560xi32, #tpu.memory_space<hbm>> -> memref<2560xi32, #tpu.memory_space<hbm>>
      tpu.wait_dma2 semaphore(%run_scoped3A_806 : memref<!tpu.dma_semaphore, #tpu.memory_space<semaphore_mem>>) src(%dma_wait3A_814 : memref<2560xi32, #tpu.memory_space<hbm>>) dst(%arg5 : memref<2560xi32, #tpu.memory_space<vmem>>)
      tpu.yield
    }) : () -> ()
    %dma_wait3A_282 = arith.constant 8 : i32
    %dma_wait3A_283 = arith.constant 0 : i32
    %dma_wait3A_284 = tpu.memref_slice %arg4[%mul3A_2, %dma_wait3A_282, %dma_wait3A_283] : memref<81920x26x16xf32, #tpu.memory_space<hbm>> -> memref<2560x1x16xf32, #tpu.memory_space<hbm>>
    %dma_wait3A_285 = tpu.memref_squeeze %dma_wait3A_284 : memref<2560x1x16xf32, #tpu.memory_space<hbm>> -> memref<2560x16xf32, #tpu.memory_space<hbm>>
    %dma_wait3A_286 = arith.constant 0 : i32
    %dma_wait3A_287 = tpu.memref_slice %arg4[%mul3A_2, %dma_wait3A_282, %dma_wait3A_286] : memref<81920x26x16xf32, #tpu.memory_space<hbm>> -> memref<2560x1x16xf32, #tpu.memory_space<hbm>>
    %dma_wait3A_288 = tpu.memref_squeeze %dma_wait3A_287 : memref<2560x1x16xf32, #tpu.memory_space<hbm>> -> memref<2560x16xf32, #tpu.memory_space<hbm>>
    tpu.wait_dma2 semaphore(%arg11 : memref<!tpu.dma_semaphore, #tpu.memory_space<semaphore_mem>>) src(%arg7 : memref<2560x16xf32, #tpu.memory_space<vmem>>) dst(%dma_wait3A_288 : memref<2560x16xf32, #tpu.memory_space<hbm>>)
    %dma_start3A_289 = arith.constant 10 : i32
    %dma_start3A_290 = arith.constant 0 : i32
    %dma_start3A_291 = arith.constant 0 : i32
    %dma_start3A_292 = tpu.memref_slice %arg3[%dma_start3A_289, %dma_start3A_290, %dma_start3A_291] : memref<26x100000x16xf32, #tpu.memory_space<hbm>> -> memref<1x100000x16xf32, #tpu.memory_space<hbm>>
    %dma_start3A_293 = tpu.memref_squeeze %dma_start3A_292 : memref<1x100000x16xf32, #tpu.memory_space<hbm>> -> memref<100000x16xf32, #tpu.memory_space<hbm>>
    %dma_start3A_294 = arith.constant 0 : i32
    %dma_start3A_295 = arith.constant 0 : i32
    %dma_start3A_296 = tpu.memref_slice %dma_start3A_293[%dma_start3A_294, %dma_start3A_295] : memref<100000x16xf32, #tpu.memory_space<hbm>> -> memref<100000x16xf32, #tpu.memory_space<hbm>>
    tpu.enqueue_indirect_dma source(%dma_start3A_296 : memref<100000x16xf32, #tpu.memory_space<hbm>>) target(%arg7 : memref<2560x16xf32, #tpu.memory_space<vmem>>) offsets(%arg5 : memref<2560xi32, #tpu.memory_space<vmem>>) semaphore(%arg9 : memref<!tpu.dma_semaphore, #tpu.memory_space<semaphore_mem>>)
    %dma_wait3A_297 = arith.constant 9 : i32
    %dma_wait3A_298 = arith.constant 0 : i32
    %dma_wait3A_299 = arith.constant 0 : i32
    %dma_wait3A_300 = tpu.memref_slice %arg3[%dma_wait3A_297, %dma_wait3A_298, %dma_wait3A_299] : memref<26x100000x16xf32, #tpu.memory_space<hbm>> -> memref<1x100000x16xf32, #tpu.memory_space<hbm>>
    %dma_wait3A_301 = tpu.memref_squeeze %dma_wait3A_300 : memref<1x100000x16xf32, #tpu.memory_space<hbm>> -> memref<100000x16xf32, #tpu.memory_space<hbm>>
    %dma_wait3A_302 = arith.constant 0 : i32
    %dma_wait3A_303 = arith.constant 0 : i32
    %dma_wait3A_304 = tpu.memref_slice %dma_wait3A_301[%dma_wait3A_302, %dma_wait3A_303] : memref<100000x16xf32, #tpu.memory_space<hbm>> -> memref<100000x16xf32, #tpu.memory_space<hbm>>
    tpu.wait_indirect_dma semaphore(%arg10 : memref<!tpu.dma_semaphore, #tpu.memory_space<semaphore_mem>>) src(%dma_wait3A_304 : memref<100000x16xf32, #tpu.memory_space<hbm>>) dst(%arg8 : memref<2560x16xf32, #tpu.memory_space<vmem>>)
    %dma_start3A_305 = arith.constant 9 : i32
    %dma_start3A_306 = arith.constant 0 : i32
    %dma_start3A_307 = tpu.memref_slice %arg4[%mul3A_2, %dma_start3A_305, %dma_start3A_306] : memref<81920x26x16xf32, #tpu.memory_space<hbm>> -> memref<2560x1x16xf32, #tpu.memory_space<hbm>>
    %dma_start3A_308 = tpu.memref_squeeze %dma_start3A_307 : memref<2560x1x16xf32, #tpu.memory_space<hbm>> -> memref<2560x16xf32, #tpu.memory_space<hbm>>
    %dma_start3A_309 = arith.constant 0 : i32
    %dma_start3A_310 = tpu.memref_slice %arg4[%mul3A_2, %dma_start3A_305, %dma_start3A_309] : memref<81920x26x16xf32, #tpu.memory_space<hbm>> -> memref<2560x1x16xf32, #tpu.memory_space<hbm>>
    %dma_start3A_311 = tpu.memref_squeeze %dma_start3A_310 : memref<2560x1x16xf32, #tpu.memory_space<hbm>> -> memref<2560x16xf32, #tpu.memory_space<hbm>>
    tpu.enqueue_dma source(%arg8 : memref<2560x16xf32, #tpu.memory_space<vmem>>) target(%dma_start3A_311 : memref<2560x16xf32, #tpu.memory_space<hbm>>) target_semaphore(%arg11 : memref<!tpu.dma_semaphore, #tpu.memory_space<semaphore_mem>>)
    %run_scoped3A_312 = arith.constant 11 : i32
    "tpu.region"() ({
      %run_scoped3A_806 = tpu.sem_alloc : memref<!tpu.dma_semaphore, #tpu.memory_space<semaphore_mem>>
      %dma_start3A_807 = tpu.memref_slice %arg2[%run_scoped3A_312, %mul3A_2] : memref<26x81920xi32, #tpu.memory_space<hbm>> -> memref<1x2560xi32, #tpu.memory_space<hbm>>
      %dma_start3A_808 = tpu.memref_squeeze %dma_start3A_807 : memref<1x2560xi32, #tpu.memory_space<hbm>> -> memref<2560xi32, #tpu.memory_space<hbm>>
      %dma_start3A_809 = tpu.memref_slice %arg2[%run_scoped3A_312, %mul3A_2] : memref<26x81920xi32, #tpu.memory_space<hbm>> -> memref<1x2560xi32, #tpu.memory_space<hbm>>
      %dma_start3A_810 = tpu.memref_squeeze %dma_start3A_809 : memref<1x2560xi32, #tpu.memory_space<hbm>> -> memref<2560xi32, #tpu.memory_space<hbm>>
      tpu.enqueue_dma source(%dma_start3A_810 : memref<2560xi32, #tpu.memory_space<hbm>>) target(%arg6 : memref<2560xi32, #tpu.memory_space<vmem>>) target_semaphore(%run_scoped3A_806 : memref<!tpu.dma_semaphore, #tpu.memory_space<semaphore_mem>>)
      %dma_wait3A_811 = tpu.memref_slice %arg2[%run_scoped3A_312, %mul3A_2] : memref<26x81920xi32, #tpu.memory_space<hbm>> -> memref<1x2560xi32, #tpu.memory_space<hbm>>
      %dma_wait3A_812 = tpu.memref_squeeze %dma_wait3A_811 : memref<1x2560xi32, #tpu.memory_space<hbm>> -> memref<2560xi32, #tpu.memory_space<hbm>>
      %dma_wait3A_813 = tpu.memref_slice %arg2[%run_scoped3A_312, %mul3A_2] : memref<26x81920xi32, #tpu.memory_space<hbm>> -> memref<1x2560xi32, #tpu.memory_space<hbm>>
      %dma_wait3A_814 = tpu.memref_squeeze %dma_wait3A_813 : memref<1x2560xi32, #tpu.memory_space<hbm>> -> memref<2560xi32, #tpu.memory_space<hbm>>
      tpu.wait_dma2 semaphore(%run_scoped3A_806 : memref<!tpu.dma_semaphore, #tpu.memory_space<semaphore_mem>>) src(%dma_wait3A_814 : memref<2560xi32, #tpu.memory_space<hbm>>) dst(%arg6 : memref<2560xi32, #tpu.memory_space<vmem>>)
      tpu.yield
    }) : () -> ()
    %dma_wait3A_313 = arith.constant 9 : i32
    %dma_wait3A_314 = arith.constant 0 : i32
    %dma_wait3A_315 = tpu.memref_slice %arg4[%mul3A_2, %dma_wait3A_313, %dma_wait3A_314] : memref<81920x26x16xf32, #tpu.memory_space<hbm>> -> memref<2560x1x16xf32, #tpu.memory_space<hbm>>
    %dma_wait3A_316 = tpu.memref_squeeze %dma_wait3A_315 : memref<2560x1x16xf32, #tpu.memory_space<hbm>> -> memref<2560x16xf32, #tpu.memory_space<hbm>>
    %dma_wait3A_317 = arith.constant 0 : i32
    %dma_wait3A_318 = tpu.memref_slice %arg4[%mul3A_2, %dma_wait3A_313, %dma_wait3A_317] : memref<81920x26x16xf32, #tpu.memory_space<hbm>> -> memref<2560x1x16xf32, #tpu.memory_space<hbm>>
    %dma_wait3A_319 = tpu.memref_squeeze %dma_wait3A_318 : memref<2560x1x16xf32, #tpu.memory_space<hbm>> -> memref<2560x16xf32, #tpu.memory_space<hbm>>
    tpu.wait_dma2 semaphore(%arg11 : memref<!tpu.dma_semaphore, #tpu.memory_space<semaphore_mem>>) src(%arg8 : memref<2560x16xf32, #tpu.memory_space<vmem>>) dst(%dma_wait3A_319 : memref<2560x16xf32, #tpu.memory_space<hbm>>)
    %dma_start3A_320 = arith.constant 11 : i32
    %dma_start3A_321 = arith.constant 0 : i32
    %dma_start3A_322 = arith.constant 0 : i32
    %dma_start3A_323 = tpu.memref_slice %arg3[%dma_start3A_320, %dma_start3A_321, %dma_start3A_322] : memref<26x100000x16xf32, #tpu.memory_space<hbm>> -> memref<1x100000x16xf32, #tpu.memory_space<hbm>>
    %dma_start3A_324 = tpu.memref_squeeze %dma_start3A_323 : memref<1x100000x16xf32, #tpu.memory_space<hbm>> -> memref<100000x16xf32, #tpu.memory_space<hbm>>
    %dma_start3A_325 = arith.constant 0 : i32
    %dma_start3A_326 = arith.constant 0 : i32
    %dma_start3A_327 = tpu.memref_slice %dma_start3A_324[%dma_start3A_325, %dma_start3A_326] : memref<100000x16xf32, #tpu.memory_space<hbm>> -> memref<100000x16xf32, #tpu.memory_space<hbm>>
    tpu.enqueue_indirect_dma source(%dma_start3A_327 : memref<100000x16xf32, #tpu.memory_space<hbm>>) target(%arg8 : memref<2560x16xf32, #tpu.memory_space<vmem>>) offsets(%arg6 : memref<2560xi32, #tpu.memory_space<vmem>>) semaphore(%arg10 : memref<!tpu.dma_semaphore, #tpu.memory_space<semaphore_mem>>)
    %dma_wait3A_328 = arith.constant 10 : i32
    %dma_wait3A_329 = arith.constant 0 : i32
    %dma_wait3A_330 = arith.constant 0 : i32
    %dma_wait3A_331 = tpu.memref_slice %arg3[%dma_wait3A_328, %dma_wait3A_329, %dma_wait3A_330] : memref<26x100000x16xf32, #tpu.memory_space<hbm>> -> memref<1x100000x16xf32, #tpu.memory_space<hbm>>
    %dma_wait3A_332 = tpu.memref_squeeze %dma_wait3A_331 : memref<1x100000x16xf32, #tpu.memory_space<hbm>> -> memref<100000x16xf32, #tpu.memory_space<hbm>>
    %dma_wait3A_333 = arith.constant 0 : i32
    %dma_wait3A_334 = arith.constant 0 : i32
    %dma_wait3A_335 = tpu.memref_slice %dma_wait3A_332[%dma_wait3A_333, %dma_wait3A_334] : memref<100000x16xf32, #tpu.memory_space<hbm>> -> memref<100000x16xf32, #tpu.memory_space<hbm>>
    tpu.wait_indirect_dma semaphore(%arg9 : memref<!tpu.dma_semaphore, #tpu.memory_space<semaphore_mem>>) src(%dma_wait3A_335 : memref<100000x16xf32, #tpu.memory_space<hbm>>) dst(%arg7 : memref<2560x16xf32, #tpu.memory_space<vmem>>)
    %dma_start3A_336 = arith.constant 10 : i32
    %dma_start3A_337 = arith.constant 0 : i32
    %dma_start3A_338 = tpu.memref_slice %arg4[%mul3A_2, %dma_start3A_336, %dma_start3A_337] : memref<81920x26x16xf32, #tpu.memory_space<hbm>> -> memref<2560x1x16xf32, #tpu.memory_space<hbm>>
    %dma_start3A_339 = tpu.memref_squeeze %dma_start3A_338 : memref<2560x1x16xf32, #tpu.memory_space<hbm>> -> memref<2560x16xf32, #tpu.memory_space<hbm>>
    %dma_start3A_340 = arith.constant 0 : i32
    %dma_start3A_341 = tpu.memref_slice %arg4[%mul3A_2, %dma_start3A_336, %dma_start3A_340] : memref<81920x26x16xf32, #tpu.memory_space<hbm>> -> memref<2560x1x16xf32, #tpu.memory_space<hbm>>
    %dma_start3A_342 = tpu.memref_squeeze %dma_start3A_341 : memref<2560x1x16xf32, #tpu.memory_space<hbm>> -> memref<2560x16xf32, #tpu.memory_space<hbm>>
    tpu.enqueue_dma source(%arg7 : memref<2560x16xf32, #tpu.memory_space<vmem>>) target(%dma_start3A_342 : memref<2560x16xf32, #tpu.memory_space<hbm>>) target_semaphore(%arg11 : memref<!tpu.dma_semaphore, #tpu.memory_space<semaphore_mem>>)
    %run_scoped3A_343 = arith.constant 12 : i32
    "tpu.region"() ({
      %run_scoped3A_806 = tpu.sem_alloc : memref<!tpu.dma_semaphore, #tpu.memory_space<semaphore_mem>>
      %dma_start3A_807 = tpu.memref_slice %arg2[%run_scoped3A_343, %mul3A_2] : memref<26x81920xi32, #tpu.memory_space<hbm>> -> memref<1x2560xi32, #tpu.memory_space<hbm>>
      %dma_start3A_808 = tpu.memref_squeeze %dma_start3A_807 : memref<1x2560xi32, #tpu.memory_space<hbm>> -> memref<2560xi32, #tpu.memory_space<hbm>>
      %dma_start3A_809 = tpu.memref_slice %arg2[%run_scoped3A_343, %mul3A_2] : memref<26x81920xi32, #tpu.memory_space<hbm>> -> memref<1x2560xi32, #tpu.memory_space<hbm>>
      %dma_start3A_810 = tpu.memref_squeeze %dma_start3A_809 : memref<1x2560xi32, #tpu.memory_space<hbm>> -> memref<2560xi32, #tpu.memory_space<hbm>>
      tpu.enqueue_dma source(%dma_start3A_810 : memref<2560xi32, #tpu.memory_space<hbm>>) target(%arg5 : memref<2560xi32, #tpu.memory_space<vmem>>) target_semaphore(%run_scoped3A_806 : memref<!tpu.dma_semaphore, #tpu.memory_space<semaphore_mem>>)
      %dma_wait3A_811 = tpu.memref_slice %arg2[%run_scoped3A_343, %mul3A_2] : memref<26x81920xi32, #tpu.memory_space<hbm>> -> memref<1x2560xi32, #tpu.memory_space<hbm>>
      %dma_wait3A_812 = tpu.memref_squeeze %dma_wait3A_811 : memref<1x2560xi32, #tpu.memory_space<hbm>> -> memref<2560xi32, #tpu.memory_space<hbm>>
      %dma_wait3A_813 = tpu.memref_slice %arg2[%run_scoped3A_343, %mul3A_2] : memref<26x81920xi32, #tpu.memory_space<hbm>> -> memref<1x2560xi32, #tpu.memory_space<hbm>>
      %dma_wait3A_814 = tpu.memref_squeeze %dma_wait3A_813 : memref<1x2560xi32, #tpu.memory_space<hbm>> -> memref<2560xi32, #tpu.memory_space<hbm>>
      tpu.wait_dma2 semaphore(%run_scoped3A_806 : memref<!tpu.dma_semaphore, #tpu.memory_space<semaphore_mem>>) src(%dma_wait3A_814 : memref<2560xi32, #tpu.memory_space<hbm>>) dst(%arg5 : memref<2560xi32, #tpu.memory_space<vmem>>)
      tpu.yield
    }) : () -> ()
    %dma_wait3A_344 = arith.constant 10 : i32
    %dma_wait3A_345 = arith.constant 0 : i32
    %dma_wait3A_346 = tpu.memref_slice %arg4[%mul3A_2, %dma_wait3A_344, %dma_wait3A_345] : memref<81920x26x16xf32, #tpu.memory_space<hbm>> -> memref<2560x1x16xf32, #tpu.memory_space<hbm>>
    %dma_wait3A_347 = tpu.memref_squeeze %dma_wait3A_346 : memref<2560x1x16xf32, #tpu.memory_space<hbm>> -> memref<2560x16xf32, #tpu.memory_space<hbm>>
    %dma_wait3A_348 = arith.constant 0 : i32
    %dma_wait3A_349 = tpu.memref_slice %arg4[%mul3A_2, %dma_wait3A_344, %dma_wait3A_348] : memref<81920x26x16xf32, #tpu.memory_space<hbm>> -> memref<2560x1x16xf32, #tpu.memory_space<hbm>>
    %dma_wait3A_350 = tpu.memref_squeeze %dma_wait3A_349 : memref<2560x1x16xf32, #tpu.memory_space<hbm>> -> memref<2560x16xf32, #tpu.memory_space<hbm>>
    tpu.wait_dma2 semaphore(%arg11 : memref<!tpu.dma_semaphore, #tpu.memory_space<semaphore_mem>>) src(%arg7 : memref<2560x16xf32, #tpu.memory_space<vmem>>) dst(%dma_wait3A_350 : memref<2560x16xf32, #tpu.memory_space<hbm>>)
    %dma_start3A_351 = arith.constant 12 : i32
    %dma_start3A_352 = arith.constant 0 : i32
    %dma_start3A_353 = arith.constant 0 : i32
    %dma_start3A_354 = tpu.memref_slice %arg3[%dma_start3A_351, %dma_start3A_352, %dma_start3A_353] : memref<26x100000x16xf32, #tpu.memory_space<hbm>> -> memref<1x100000x16xf32, #tpu.memory_space<hbm>>
    %dma_start3A_355 = tpu.memref_squeeze %dma_start3A_354 : memref<1x100000x16xf32, #tpu.memory_space<hbm>> -> memref<100000x16xf32, #tpu.memory_space<hbm>>
    %dma_start3A_356 = arith.constant 0 : i32
    %dma_start3A_357 = arith.constant 0 : i32
    %dma_start3A_358 = tpu.memref_slice %dma_start3A_355[%dma_start3A_356, %dma_start3A_357] : memref<100000x16xf32, #tpu.memory_space<hbm>> -> memref<100000x16xf32, #tpu.memory_space<hbm>>
    tpu.enqueue_indirect_dma source(%dma_start3A_358 : memref<100000x16xf32, #tpu.memory_space<hbm>>) target(%arg7 : memref<2560x16xf32, #tpu.memory_space<vmem>>) offsets(%arg5 : memref<2560xi32, #tpu.memory_space<vmem>>) semaphore(%arg9 : memref<!tpu.dma_semaphore, #tpu.memory_space<semaphore_mem>>)
    %dma_wait3A_359 = arith.constant 11 : i32
    %dma_wait3A_360 = arith.constant 0 : i32
    %dma_wait3A_361 = arith.constant 0 : i32
    %dma_wait3A_362 = tpu.memref_slice %arg3[%dma_wait3A_359, %dma_wait3A_360, %dma_wait3A_361] : memref<26x100000x16xf32, #tpu.memory_space<hbm>> -> memref<1x100000x16xf32, #tpu.memory_space<hbm>>
    %dma_wait3A_363 = tpu.memref_squeeze %dma_wait3A_362 : memref<1x100000x16xf32, #tpu.memory_space<hbm>> -> memref<100000x16xf32, #tpu.memory_space<hbm>>
    %dma_wait3A_364 = arith.constant 0 : i32
    %dma_wait3A_365 = arith.constant 0 : i32
    %dma_wait3A_366 = tpu.memref_slice %dma_wait3A_363[%dma_wait3A_364, %dma_wait3A_365] : memref<100000x16xf32, #tpu.memory_space<hbm>> -> memref<100000x16xf32, #tpu.memory_space<hbm>>
    tpu.wait_indirect_dma semaphore(%arg10 : memref<!tpu.dma_semaphore, #tpu.memory_space<semaphore_mem>>) src(%dma_wait3A_366 : memref<100000x16xf32, #tpu.memory_space<hbm>>) dst(%arg8 : memref<2560x16xf32, #tpu.memory_space<vmem>>)
    %dma_start3A_367 = arith.constant 11 : i32
    %dma_start3A_368 = arith.constant 0 : i32
    %dma_start3A_369 = tpu.memref_slice %arg4[%mul3A_2, %dma_start3A_367, %dma_start3A_368] : memref<81920x26x16xf32, #tpu.memory_space<hbm>> -> memref<2560x1x16xf32, #tpu.memory_space<hbm>>
    %dma_start3A_370 = tpu.memref_squeeze %dma_start3A_369 : memref<2560x1x16xf32, #tpu.memory_space<hbm>> -> memref<2560x16xf32, #tpu.memory_space<hbm>>
    %dma_start3A_371 = arith.constant 0 : i32
    %dma_start3A_372 = tpu.memref_slice %arg4[%mul3A_2, %dma_start3A_367, %dma_start3A_371] : memref<81920x26x16xf32, #tpu.memory_space<hbm>> -> memref<2560x1x16xf32, #tpu.memory_space<hbm>>
    %dma_start3A_373 = tpu.memref_squeeze %dma_start3A_372 : memref<2560x1x16xf32, #tpu.memory_space<hbm>> -> memref<2560x16xf32, #tpu.memory_space<hbm>>
    tpu.enqueue_dma source(%arg8 : memref<2560x16xf32, #tpu.memory_space<vmem>>) target(%dma_start3A_373 : memref<2560x16xf32, #tpu.memory_space<hbm>>) target_semaphore(%arg11 : memref<!tpu.dma_semaphore, #tpu.memory_space<semaphore_mem>>)
    %run_scoped3A_374 = arith.constant 13 : i32
    "tpu.region"() ({
      %run_scoped3A_806 = tpu.sem_alloc : memref<!tpu.dma_semaphore, #tpu.memory_space<semaphore_mem>>
      %dma_start3A_807 = tpu.memref_slice %arg2[%run_scoped3A_374, %mul3A_2] : memref<26x81920xi32, #tpu.memory_space<hbm>> -> memref<1x2560xi32, #tpu.memory_space<hbm>>
      %dma_start3A_808 = tpu.memref_squeeze %dma_start3A_807 : memref<1x2560xi32, #tpu.memory_space<hbm>> -> memref<2560xi32, #tpu.memory_space<hbm>>
      %dma_start3A_809 = tpu.memref_slice %arg2[%run_scoped3A_374, %mul3A_2] : memref<26x81920xi32, #tpu.memory_space<hbm>> -> memref<1x2560xi32, #tpu.memory_space<hbm>>
      %dma_start3A_810 = tpu.memref_squeeze %dma_start3A_809 : memref<1x2560xi32, #tpu.memory_space<hbm>> -> memref<2560xi32, #tpu.memory_space<hbm>>
      tpu.enqueue_dma source(%dma_start3A_810 : memref<2560xi32, #tpu.memory_space<hbm>>) target(%arg6 : memref<2560xi32, #tpu.memory_space<vmem>>) target_semaphore(%run_scoped3A_806 : memref<!tpu.dma_semaphore, #tpu.memory_space<semaphore_mem>>)
      %dma_wait3A_811 = tpu.memref_slice %arg2[%run_scoped3A_374, %mul3A_2] : memref<26x81920xi32, #tpu.memory_space<hbm>> -> memref<1x2560xi32, #tpu.memory_space<hbm>>
      %dma_wait3A_812 = tpu.memref_squeeze %dma_wait3A_811 : memref<1x2560xi32, #tpu.memory_space<hbm>> -> memref<2560xi32, #tpu.memory_space<hbm>>
      %dma_wait3A_813 = tpu.memref_slice %arg2[%run_scoped3A_374, %mul3A_2] : memref<26x81920xi32, #tpu.memory_space<hbm>> -> memref<1x2560xi32, #tpu.memory_space<hbm>>
      %dma_wait3A_814 = tpu.memref_squeeze %dma_wait3A_813 : memref<1x2560xi32, #tpu.memory_space<hbm>> -> memref<2560xi32, #tpu.memory_space<hbm>>
      tpu.wait_dma2 semaphore(%run_scoped3A_806 : memref<!tpu.dma_semaphore, #tpu.memory_space<semaphore_mem>>) src(%dma_wait3A_814 : memref<2560xi32, #tpu.memory_space<hbm>>) dst(%arg6 : memref<2560xi32, #tpu.memory_space<vmem>>)
      tpu.yield
    }) : () -> ()
    %dma_wait3A_375 = arith.constant 11 : i32
    %dma_wait3A_376 = arith.constant 0 : i32
    %dma_wait3A_377 = tpu.memref_slice %arg4[%mul3A_2, %dma_wait3A_375, %dma_wait3A_376] : memref<81920x26x16xf32, #tpu.memory_space<hbm>> -> memref<2560x1x16xf32, #tpu.memory_space<hbm>>
    %dma_wait3A_378 = tpu.memref_squeeze %dma_wait3A_377 : memref<2560x1x16xf32, #tpu.memory_space<hbm>> -> memref<2560x16xf32, #tpu.memory_space<hbm>>
    %dma_wait3A_379 = arith.constant 0 : i32
    %dma_wait3A_380 = tpu.memref_slice %arg4[%mul3A_2, %dma_wait3A_375, %dma_wait3A_379] : memref<81920x26x16xf32, #tpu.memory_space<hbm>> -> memref<2560x1x16xf32, #tpu.memory_space<hbm>>
    %dma_wait3A_381 = tpu.memref_squeeze %dma_wait3A_380 : memref<2560x1x16xf32, #tpu.memory_space<hbm>> -> memref<2560x16xf32, #tpu.memory_space<hbm>>
    tpu.wait_dma2 semaphore(%arg11 : memref<!tpu.dma_semaphore, #tpu.memory_space<semaphore_mem>>) src(%arg8 : memref<2560x16xf32, #tpu.memory_space<vmem>>) dst(%dma_wait3A_381 : memref<2560x16xf32, #tpu.memory_space<hbm>>)
    %dma_start3A_382 = arith.constant 13 : i32
    %dma_start3A_383 = arith.constant 0 : i32
    %dma_start3A_384 = arith.constant 0 : i32
    %dma_start3A_385 = tpu.memref_slice %arg3[%dma_start3A_382, %dma_start3A_383, %dma_start3A_384] : memref<26x100000x16xf32, #tpu.memory_space<hbm>> -> memref<1x100000x16xf32, #tpu.memory_space<hbm>>
    %dma_start3A_386 = tpu.memref_squeeze %dma_start3A_385 : memref<1x100000x16xf32, #tpu.memory_space<hbm>> -> memref<100000x16xf32, #tpu.memory_space<hbm>>
    %dma_start3A_387 = arith.constant 0 : i32
    %dma_start3A_388 = arith.constant 0 : i32
    %dma_start3A_389 = tpu.memref_slice %dma_start3A_386[%dma_start3A_387, %dma_start3A_388] : memref<100000x16xf32, #tpu.memory_space<hbm>> -> memref<100000x16xf32, #tpu.memory_space<hbm>>
    tpu.enqueue_indirect_dma source(%dma_start3A_389 : memref<100000x16xf32, #tpu.memory_space<hbm>>) target(%arg8 : memref<2560x16xf32, #tpu.memory_space<vmem>>) offsets(%arg6 : memref<2560xi32, #tpu.memory_space<vmem>>) semaphore(%arg10 : memref<!tpu.dma_semaphore, #tpu.memory_space<semaphore_mem>>)
    %dma_wait3A_390 = arith.constant 12 : i32
    %dma_wait3A_391 = arith.constant 0 : i32
    %dma_wait3A_392 = arith.constant 0 : i32
    %dma_wait3A_393 = tpu.memref_slice %arg3[%dma_wait3A_390, %dma_wait3A_391, %dma_wait3A_392] : memref<26x100000x16xf32, #tpu.memory_space<hbm>> -> memref<1x100000x16xf32, #tpu.memory_space<hbm>>
    %dma_wait3A_394 = tpu.memref_squeeze %dma_wait3A_393 : memref<1x100000x16xf32, #tpu.memory_space<hbm>> -> memref<100000x16xf32, #tpu.memory_space<hbm>>
    %dma_wait3A_395 = arith.constant 0 : i32
    %dma_wait3A_396 = arith.constant 0 : i32
    %dma_wait3A_397 = tpu.memref_slice %dma_wait3A_394[%dma_wait3A_395, %dma_wait3A_396] : memref<100000x16xf32, #tpu.memory_space<hbm>> -> memref<100000x16xf32, #tpu.memory_space<hbm>>
    tpu.wait_indirect_dma semaphore(%arg9 : memref<!tpu.dma_semaphore, #tpu.memory_space<semaphore_mem>>) src(%dma_wait3A_397 : memref<100000x16xf32, #tpu.memory_space<hbm>>) dst(%arg7 : memref<2560x16xf32, #tpu.memory_space<vmem>>)
    %dma_start3A_398 = arith.constant 12 : i32
    %dma_start3A_399 = arith.constant 0 : i32
    %dma_start3A_400 = tpu.memref_slice %arg4[%mul3A_2, %dma_start3A_398, %dma_start3A_399] : memref<81920x26x16xf32, #tpu.memory_space<hbm>> -> memref<2560x1x16xf32, #tpu.memory_space<hbm>>
    %dma_start3A_401 = tpu.memref_squeeze %dma_start3A_400 : memref<2560x1x16xf32, #tpu.memory_space<hbm>> -> memref<2560x16xf32, #tpu.memory_space<hbm>>
    %dma_start3A_402 = arith.constant 0 : i32
    %dma_start3A_403 = tpu.memref_slice %arg4[%mul3A_2, %dma_start3A_398, %dma_start3A_402] : memref<81920x26x16xf32, #tpu.memory_space<hbm>> -> memref<2560x1x16xf32, #tpu.memory_space<hbm>>
    %dma_start3A_404 = tpu.memref_squeeze %dma_start3A_403 : memref<2560x1x16xf32, #tpu.memory_space<hbm>> -> memref<2560x16xf32, #tpu.memory_space<hbm>>
    tpu.enqueue_dma source(%arg7 : memref<2560x16xf32, #tpu.memory_space<vmem>>) target(%dma_start3A_404 : memref<2560x16xf32, #tpu.memory_space<hbm>>) target_semaphore(%arg11 : memref<!tpu.dma_semaphore, #tpu.memory_space<semaphore_mem>>)
    %run_scoped3A_405 = arith.constant 14 : i32
    "tpu.region"() ({
      %run_scoped3A_806 = tpu.sem_alloc : memref<!tpu.dma_semaphore, #tpu.memory_space<semaphore_mem>>
      %dma_start3A_807 = tpu.memref_slice %arg2[%run_scoped3A_405, %mul3A_2] : memref<26x81920xi32, #tpu.memory_space<hbm>> -> memref<1x2560xi32, #tpu.memory_space<hbm>>
      %dma_start3A_808 = tpu.memref_squeeze %dma_start3A_807 : memref<1x2560xi32, #tpu.memory_space<hbm>> -> memref<2560xi32, #tpu.memory_space<hbm>>
      %dma_start3A_809 = tpu.memref_slice %arg2[%run_scoped3A_405, %mul3A_2] : memref<26x81920xi32, #tpu.memory_space<hbm>> -> memref<1x2560xi32, #tpu.memory_space<hbm>>
      %dma_start3A_810 = tpu.memref_squeeze %dma_start3A_809 : memref<1x2560xi32, #tpu.memory_space<hbm>> -> memref<2560xi32, #tpu.memory_space<hbm>>
      tpu.enqueue_dma source(%dma_start3A_810 : memref<2560xi32, #tpu.memory_space<hbm>>) target(%arg5 : memref<2560xi32, #tpu.memory_space<vmem>>) target_semaphore(%run_scoped3A_806 : memref<!tpu.dma_semaphore, #tpu.memory_space<semaphore_mem>>)
      %dma_wait3A_811 = tpu.memref_slice %arg2[%run_scoped3A_405, %mul3A_2] : memref<26x81920xi32, #tpu.memory_space<hbm>> -> memref<1x2560xi32, #tpu.memory_space<hbm>>
      %dma_wait3A_812 = tpu.memref_squeeze %dma_wait3A_811 : memref<1x2560xi32, #tpu.memory_space<hbm>> -> memref<2560xi32, #tpu.memory_space<hbm>>
      %dma_wait3A_813 = tpu.memref_slice %arg2[%run_scoped3A_405, %mul3A_2] : memref<26x81920xi32, #tpu.memory_space<hbm>> -> memref<1x2560xi32, #tpu.memory_space<hbm>>
      %dma_wait3A_814 = tpu.memref_squeeze %dma_wait3A_813 : memref<1x2560xi32, #tpu.memory_space<hbm>> -> memref<2560xi32, #tpu.memory_space<hbm>>
      tpu.wait_dma2 semaphore(%run_scoped3A_806 : memref<!tpu.dma_semaphore, #tpu.memory_space<semaphore_mem>>) src(%dma_wait3A_814 : memref<2560xi32, #tpu.memory_space<hbm>>) dst(%arg5 : memref<2560xi32, #tpu.memory_space<vmem>>)
      tpu.yield
    }) : () -> ()
    %dma_wait3A_406 = arith.constant 12 : i32
    %dma_wait3A_407 = arith.constant 0 : i32
    %dma_wait3A_408 = tpu.memref_slice %arg4[%mul3A_2, %dma_wait3A_406, %dma_wait3A_407] : memref<81920x26x16xf32, #tpu.memory_space<hbm>> -> memref<2560x1x16xf32, #tpu.memory_space<hbm>>
    %dma_wait3A_409 = tpu.memref_squeeze %dma_wait3A_408 : memref<2560x1x16xf32, #tpu.memory_space<hbm>> -> memref<2560x16xf32, #tpu.memory_space<hbm>>
    %dma_wait3A_410 = arith.constant 0 : i32
    %dma_wait3A_411 = tpu.memref_slice %arg4[%mul3A_2, %dma_wait3A_406, %dma_wait3A_410] : memref<81920x26x16xf32, #tpu.memory_space<hbm>> -> memref<2560x1x16xf32, #tpu.memory_space<hbm>>
    %dma_wait3A_412 = tpu.memref_squeeze %dma_wait3A_411 : memref<2560x1x16xf32, #tpu.memory_space<hbm>> -> memref<2560x16xf32, #tpu.memory_space<hbm>>
    tpu.wait_dma2 semaphore(%arg11 : memref<!tpu.dma_semaphore, #tpu.memory_space<semaphore_mem>>) src(%arg7 : memref<2560x16xf32, #tpu.memory_space<vmem>>) dst(%dma_wait3A_412 : memref<2560x16xf32, #tpu.memory_space<hbm>>)
    %dma_start3A_413 = arith.constant 14 : i32
    %dma_start3A_414 = arith.constant 0 : i32
    %dma_start3A_415 = arith.constant 0 : i32
    %dma_start3A_416 = tpu.memref_slice %arg3[%dma_start3A_413, %dma_start3A_414, %dma_start3A_415] : memref<26x100000x16xf32, #tpu.memory_space<hbm>> -> memref<1x100000x16xf32, #tpu.memory_space<hbm>>
    %dma_start3A_417 = tpu.memref_squeeze %dma_start3A_416 : memref<1x100000x16xf32, #tpu.memory_space<hbm>> -> memref<100000x16xf32, #tpu.memory_space<hbm>>
    %dma_start3A_418 = arith.constant 0 : i32
    %dma_start3A_419 = arith.constant 0 : i32
    %dma_start3A_420 = tpu.memref_slice %dma_start3A_417[%dma_start3A_418, %dma_start3A_419] : memref<100000x16xf32, #tpu.memory_space<hbm>> -> memref<100000x16xf32, #tpu.memory_space<hbm>>
    tpu.enqueue_indirect_dma source(%dma_start3A_420 : memref<100000x16xf32, #tpu.memory_space<hbm>>) target(%arg7 : memref<2560x16xf32, #tpu.memory_space<vmem>>) offsets(%arg5 : memref<2560xi32, #tpu.memory_space<vmem>>) semaphore(%arg9 : memref<!tpu.dma_semaphore, #tpu.memory_space<semaphore_mem>>)
    %dma_wait3A_421 = arith.constant 13 : i32
    %dma_wait3A_422 = arith.constant 0 : i32
    %dma_wait3A_423 = arith.constant 0 : i32
    %dma_wait3A_424 = tpu.memref_slice %arg3[%dma_wait3A_421, %dma_wait3A_422, %dma_wait3A_423] : memref<26x100000x16xf32, #tpu.memory_space<hbm>> -> memref<1x100000x16xf32, #tpu.memory_space<hbm>>
    %dma_wait3A_425 = tpu.memref_squeeze %dma_wait3A_424 : memref<1x100000x16xf32, #tpu.memory_space<hbm>> -> memref<100000x16xf32, #tpu.memory_space<hbm>>
    %dma_wait3A_426 = arith.constant 0 : i32
    %dma_wait3A_427 = arith.constant 0 : i32
    %dma_wait3A_428 = tpu.memref_slice %dma_wait3A_425[%dma_wait3A_426, %dma_wait3A_427] : memref<100000x16xf32, #tpu.memory_space<hbm>> -> memref<100000x16xf32, #tpu.memory_space<hbm>>
    tpu.wait_indirect_dma semaphore(%arg10 : memref<!tpu.dma_semaphore, #tpu.memory_space<semaphore_mem>>) src(%dma_wait3A_428 : memref<100000x16xf32, #tpu.memory_space<hbm>>) dst(%arg8 : memref<2560x16xf32, #tpu.memory_space<vmem>>)
    %dma_start3A_429 = arith.constant 13 : i32
    %dma_start3A_430 = arith.constant 0 : i32
    %dma_start3A_431 = tpu.memref_slice %arg4[%mul3A_2, %dma_start3A_429, %dma_start3A_430] : memref<81920x26x16xf32, #tpu.memory_space<hbm>> -> memref<2560x1x16xf32, #tpu.memory_space<hbm>>
    %dma_start3A_432 = tpu.memref_squeeze %dma_start3A_431 : memref<2560x1x16xf32, #tpu.memory_space<hbm>> -> memref<2560x16xf32, #tpu.memory_space<hbm>>
    %dma_start3A_433 = arith.constant 0 : i32
    %dma_start3A_434 = tpu.memref_slice %arg4[%mul3A_2, %dma_start3A_429, %dma_start3A_433] : memref<81920x26x16xf32, #tpu.memory_space<hbm>> -> memref<2560x1x16xf32, #tpu.memory_space<hbm>>
    %dma_start3A_435 = tpu.memref_squeeze %dma_start3A_434 : memref<2560x1x16xf32, #tpu.memory_space<hbm>> -> memref<2560x16xf32, #tpu.memory_space<hbm>>
    tpu.enqueue_dma source(%arg8 : memref<2560x16xf32, #tpu.memory_space<vmem>>) target(%dma_start3A_435 : memref<2560x16xf32, #tpu.memory_space<hbm>>) target_semaphore(%arg11 : memref<!tpu.dma_semaphore, #tpu.memory_space<semaphore_mem>>)
    %run_scoped3A_436 = arith.constant 15 : i32
    "tpu.region"() ({
      %run_scoped3A_806 = tpu.sem_alloc : memref<!tpu.dma_semaphore, #tpu.memory_space<semaphore_mem>>
      %dma_start3A_807 = tpu.memref_slice %arg2[%run_scoped3A_436, %mul3A_2] : memref<26x81920xi32, #tpu.memory_space<hbm>> -> memref<1x2560xi32, #tpu.memory_space<hbm>>
      %dma_start3A_808 = tpu.memref_squeeze %dma_start3A_807 : memref<1x2560xi32, #tpu.memory_space<hbm>> -> memref<2560xi32, #tpu.memory_space<hbm>>
      %dma_start3A_809 = tpu.memref_slice %arg2[%run_scoped3A_436, %mul3A_2] : memref<26x81920xi32, #tpu.memory_space<hbm>> -> memref<1x2560xi32, #tpu.memory_space<hbm>>
      %dma_start3A_810 = tpu.memref_squeeze %dma_start3A_809 : memref<1x2560xi32, #tpu.memory_space<hbm>> -> memref<2560xi32, #tpu.memory_space<hbm>>
      tpu.enqueue_dma source(%dma_start3A_810 : memref<2560xi32, #tpu.memory_space<hbm>>) target(%arg6 : memref<2560xi32, #tpu.memory_space<vmem>>) target_semaphore(%run_scoped3A_806 : memref<!tpu.dma_semaphore, #tpu.memory_space<semaphore_mem>>)
      %dma_wait3A_811 = tpu.memref_slice %arg2[%run_scoped3A_436, %mul3A_2] : memref<26x81920xi32, #tpu.memory_space<hbm>> -> memref<1x2560xi32, #tpu.memory_space<hbm>>
      %dma_wait3A_812 = tpu.memref_squeeze %dma_wait3A_811 : memref<1x2560xi32, #tpu.memory_space<hbm>> -> memref<2560xi32, #tpu.memory_space<hbm>>
      %dma_wait3A_813 = tpu.memref_slice %arg2[%run_scoped3A_436, %mul3A_2] : memref<26x81920xi32, #tpu.memory_space<hbm>> -> memref<1x2560xi32, #tpu.memory_space<hbm>>
      %dma_wait3A_814 = tpu.memref_squeeze %dma_wait3A_813 : memref<1x2560xi32, #tpu.memory_space<hbm>> -> memref<2560xi32, #tpu.memory_space<hbm>>
      tpu.wait_dma2 semaphore(%run_scoped3A_806 : memref<!tpu.dma_semaphore, #tpu.memory_space<semaphore_mem>>) src(%dma_wait3A_814 : memref<2560xi32, #tpu.memory_space<hbm>>) dst(%arg6 : memref<2560xi32, #tpu.memory_space<vmem>>)
      tpu.yield
    }) : () -> ()
    %dma_wait3A_437 = arith.constant 13 : i32
    %dma_wait3A_438 = arith.constant 0 : i32
    %dma_wait3A_439 = tpu.memref_slice %arg4[%mul3A_2, %dma_wait3A_437, %dma_wait3A_438] : memref<81920x26x16xf32, #tpu.memory_space<hbm>> -> memref<2560x1x16xf32, #tpu.memory_space<hbm>>
    %dma_wait3A_440 = tpu.memref_squeeze %dma_wait3A_439 : memref<2560x1x16xf32, #tpu.memory_space<hbm>> -> memref<2560x16xf32, #tpu.memory_space<hbm>>
    %dma_wait3A_441 = arith.constant 0 : i32
    %dma_wait3A_442 = tpu.memref_slice %arg4[%mul3A_2, %dma_wait3A_437, %dma_wait3A_441] : memref<81920x26x16xf32, #tpu.memory_space<hbm>> -> memref<2560x1x16xf32, #tpu.memory_space<hbm>>
    %dma_wait3A_443 = tpu.memref_squeeze %dma_wait3A_442 : memref<2560x1x16xf32, #tpu.memory_space<hbm>> -> memref<2560x16xf32, #tpu.memory_space<hbm>>
    tpu.wait_dma2 semaphore(%arg11 : memref<!tpu.dma_semaphore, #tpu.memory_space<semaphore_mem>>) src(%arg8 : memref<2560x16xf32, #tpu.memory_space<vmem>>) dst(%dma_wait3A_443 : memref<2560x16xf32, #tpu.memory_space<hbm>>)
    %dma_start3A_444 = arith.constant 15 : i32
    %dma_start3A_445 = arith.constant 0 : i32
    %dma_start3A_446 = arith.constant 0 : i32
    %dma_start3A_447 = tpu.memref_slice %arg3[%dma_start3A_444, %dma_start3A_445, %dma_start3A_446] : memref<26x100000x16xf32, #tpu.memory_space<hbm>> -> memref<1x100000x16xf32, #tpu.memory_space<hbm>>
    %dma_start3A_448 = tpu.memref_squeeze %dma_start3A_447 : memref<1x100000x16xf32, #tpu.memory_space<hbm>> -> memref<100000x16xf32, #tpu.memory_space<hbm>>
    %dma_start3A_449 = arith.constant 0 : i32
    %dma_start3A_450 = arith.constant 0 : i32
    %dma_start3A_451 = tpu.memref_slice %dma_start3A_448[%dma_start3A_449, %dma_start3A_450] : memref<100000x16xf32, #tpu.memory_space<hbm>> -> memref<100000x16xf32, #tpu.memory_space<hbm>>
    tpu.enqueue_indirect_dma source(%dma_start3A_451 : memref<100000x16xf32, #tpu.memory_space<hbm>>) target(%arg8 : memref<2560x16xf32, #tpu.memory_space<vmem>>) offsets(%arg6 : memref<2560xi32, #tpu.memory_space<vmem>>) semaphore(%arg10 : memref<!tpu.dma_semaphore, #tpu.memory_space<semaphore_mem>>)
    %dma_wait3A_452 = arith.constant 14 : i32
    %dma_wait3A_453 = arith.constant 0 : i32
    %dma_wait3A_454 = arith.constant 0 : i32
    %dma_wait3A_455 = tpu.memref_slice %arg3[%dma_wait3A_452, %dma_wait3A_453, %dma_wait3A_454] : memref<26x100000x16xf32, #tpu.memory_space<hbm>> -> memref<1x100000x16xf32, #tpu.memory_space<hbm>>
    %dma_wait3A_456 = tpu.memref_squeeze %dma_wait3A_455 : memref<1x100000x16xf32, #tpu.memory_space<hbm>> -> memref<100000x16xf32, #tpu.memory_space<hbm>>
    %dma_wait3A_457 = arith.constant 0 : i32
    %dma_wait3A_458 = arith.constant 0 : i32
    %dma_wait3A_459 = tpu.memref_slice %dma_wait3A_456[%dma_wait3A_457, %dma_wait3A_458] : memref<100000x16xf32, #tpu.memory_space<hbm>> -> memref<100000x16xf32, #tpu.memory_space<hbm>>
    tpu.wait_indirect_dma semaphore(%arg9 : memref<!tpu.dma_semaphore, #tpu.memory_space<semaphore_mem>>) src(%dma_wait3A_459 : memref<100000x16xf32, #tpu.memory_space<hbm>>) dst(%arg7 : memref<2560x16xf32, #tpu.memory_space<vmem>>)
    %dma_start3A_460 = arith.constant 14 : i32
    %dma_start3A_461 = arith.constant 0 : i32
    %dma_start3A_462 = tpu.memref_slice %arg4[%mul3A_2, %dma_start3A_460, %dma_start3A_461] : memref<81920x26x16xf32, #tpu.memory_space<hbm>> -> memref<2560x1x16xf32, #tpu.memory_space<hbm>>
    %dma_start3A_463 = tpu.memref_squeeze %dma_start3A_462 : memref<2560x1x16xf32, #tpu.memory_space<hbm>> -> memref<2560x16xf32, #tpu.memory_space<hbm>>
    %dma_start3A_464 = arith.constant 0 : i32
    %dma_start3A_465 = tpu.memref_slice %arg4[%mul3A_2, %dma_start3A_460, %dma_start3A_464] : memref<81920x26x16xf32, #tpu.memory_space<hbm>> -> memref<2560x1x16xf32, #tpu.memory_space<hbm>>
    %dma_start3A_466 = tpu.memref_squeeze %dma_start3A_465 : memref<2560x1x16xf32, #tpu.memory_space<hbm>> -> memref<2560x16xf32, #tpu.memory_space<hbm>>
    tpu.enqueue_dma source(%arg7 : memref<2560x16xf32, #tpu.memory_space<vmem>>) target(%dma_start3A_466 : memref<2560x16xf32, #tpu.memory_space<hbm>>) target_semaphore(%arg11 : memref<!tpu.dma_semaphore, #tpu.memory_space<semaphore_mem>>)
    %run_scoped3A_467 = arith.constant 16 : i32
    "tpu.region"() ({
      %run_scoped3A_806 = tpu.sem_alloc : memref<!tpu.dma_semaphore, #tpu.memory_space<semaphore_mem>>
      %dma_start3A_807 = tpu.memref_slice %arg2[%run_scoped3A_467, %mul3A_2] : memref<26x81920xi32, #tpu.memory_space<hbm>> -> memref<1x2560xi32, #tpu.memory_space<hbm>>
      %dma_start3A_808 = tpu.memref_squeeze %dma_start3A_807 : memref<1x2560xi32, #tpu.memory_space<hbm>> -> memref<2560xi32, #tpu.memory_space<hbm>>
      %dma_start3A_809 = tpu.memref_slice %arg2[%run_scoped3A_467, %mul3A_2] : memref<26x81920xi32, #tpu.memory_space<hbm>> -> memref<1x2560xi32, #tpu.memory_space<hbm>>
      %dma_start3A_810 = tpu.memref_squeeze %dma_start3A_809 : memref<1x2560xi32, #tpu.memory_space<hbm>> -> memref<2560xi32, #tpu.memory_space<hbm>>
      tpu.enqueue_dma source(%dma_start3A_810 : memref<2560xi32, #tpu.memory_space<hbm>>) target(%arg5 : memref<2560xi32, #tpu.memory_space<vmem>>) target_semaphore(%run_scoped3A_806 : memref<!tpu.dma_semaphore, #tpu.memory_space<semaphore_mem>>)
      %dma_wait3A_811 = tpu.memref_slice %arg2[%run_scoped3A_467, %mul3A_2] : memref<26x81920xi32, #tpu.memory_space<hbm>> -> memref<1x2560xi32, #tpu.memory_space<hbm>>
      %dma_wait3A_812 = tpu.memref_squeeze %dma_wait3A_811 : memref<1x2560xi32, #tpu.memory_space<hbm>> -> memref<2560xi32, #tpu.memory_space<hbm>>
      %dma_wait3A_813 = tpu.memref_slice %arg2[%run_scoped3A_467, %mul3A_2] : memref<26x81920xi32, #tpu.memory_space<hbm>> -> memref<1x2560xi32, #tpu.memory_space<hbm>>
      %dma_wait3A_814 = tpu.memref_squeeze %dma_wait3A_813 : memref<1x2560xi32, #tpu.memory_space<hbm>> -> memref<2560xi32, #tpu.memory_space<hbm>>
      tpu.wait_dma2 semaphore(%run_scoped3A_806 : memref<!tpu.dma_semaphore, #tpu.memory_space<semaphore_mem>>) src(%dma_wait3A_814 : memref<2560xi32, #tpu.memory_space<hbm>>) dst(%arg5 : memref<2560xi32, #tpu.memory_space<vmem>>)
      tpu.yield
    }) : () -> ()
    %dma_wait3A_468 = arith.constant 14 : i32
    %dma_wait3A_469 = arith.constant 0 : i32
    %dma_wait3A_470 = tpu.memref_slice %arg4[%mul3A_2, %dma_wait3A_468, %dma_wait3A_469] : memref<81920x26x16xf32, #tpu.memory_space<hbm>> -> memref<2560x1x16xf32, #tpu.memory_space<hbm>>
    %dma_wait3A_471 = tpu.memref_squeeze %dma_wait3A_470 : memref<2560x1x16xf32, #tpu.memory_space<hbm>> -> memref<2560x16xf32, #tpu.memory_space<hbm>>
    %dma_wait3A_472 = arith.constant 0 : i32
    %dma_wait3A_473 = tpu.memref_slice %arg4[%mul3A_2, %dma_wait3A_468, %dma_wait3A_472] : memref<81920x26x16xf32, #tpu.memory_space<hbm>> -> memref<2560x1x16xf32, #tpu.memory_space<hbm>>
    %dma_wait3A_474 = tpu.memref_squeeze %dma_wait3A_473 : memref<2560x1x16xf32, #tpu.memory_space<hbm>> -> memref<2560x16xf32, #tpu.memory_space<hbm>>
    tpu.wait_dma2 semaphore(%arg11 : memref<!tpu.dma_semaphore, #tpu.memory_space<semaphore_mem>>) src(%arg7 : memref<2560x16xf32, #tpu.memory_space<vmem>>) dst(%dma_wait3A_474 : memref<2560x16xf32, #tpu.memory_space<hbm>>)
    %dma_start3A_475 = arith.constant 16 : i32
    %dma_start3A_476 = arith.constant 0 : i32
    %dma_start3A_477 = arith.constant 0 : i32
    %dma_start3A_478 = tpu.memref_slice %arg3[%dma_start3A_475, %dma_start3A_476, %dma_start3A_477] : memref<26x100000x16xf32, #tpu.memory_space<hbm>> -> memref<1x100000x16xf32, #tpu.memory_space<hbm>>
    %dma_start3A_479 = tpu.memref_squeeze %dma_start3A_478 : memref<1x100000x16xf32, #tpu.memory_space<hbm>> -> memref<100000x16xf32, #tpu.memory_space<hbm>>
    %dma_start3A_480 = arith.constant 0 : i32
    %dma_start3A_481 = arith.constant 0 : i32
    %dma_start3A_482 = tpu.memref_slice %dma_start3A_479[%dma_start3A_480, %dma_start3A_481] : memref<100000x16xf32, #tpu.memory_space<hbm>> -> memref<100000x16xf32, #tpu.memory_space<hbm>>
    tpu.enqueue_indirect_dma source(%dma_start3A_482 : memref<100000x16xf32, #tpu.memory_space<hbm>>) target(%arg7 : memref<2560x16xf32, #tpu.memory_space<vmem>>) offsets(%arg5 : memref<2560xi32, #tpu.memory_space<vmem>>) semaphore(%arg9 : memref<!tpu.dma_semaphore, #tpu.memory_space<semaphore_mem>>)
    %dma_wait3A_483 = arith.constant 15 : i32
    %dma_wait3A_484 = arith.constant 0 : i32
    %dma_wait3A_485 = arith.constant 0 : i32
    %dma_wait3A_486 = tpu.memref_slice %arg3[%dma_wait3A_483, %dma_wait3A_484, %dma_wait3A_485] : memref<26x100000x16xf32, #tpu.memory_space<hbm>> -> memref<1x100000x16xf32, #tpu.memory_space<hbm>>
    %dma_wait3A_487 = tpu.memref_squeeze %dma_wait3A_486 : memref<1x100000x16xf32, #tpu.memory_space<hbm>> -> memref<100000x16xf32, #tpu.memory_space<hbm>>
    %dma_wait3A_488 = arith.constant 0 : i32
    %dma_wait3A_489 = arith.constant 0 : i32
    %dma_wait3A_490 = tpu.memref_slice %dma_wait3A_487[%dma_wait3A_488, %dma_wait3A_489] : memref<100000x16xf32, #tpu.memory_space<hbm>> -> memref<100000x16xf32, #tpu.memory_space<hbm>>
    tpu.wait_indirect_dma semaphore(%arg10 : memref<!tpu.dma_semaphore, #tpu.memory_space<semaphore_mem>>) src(%dma_wait3A_490 : memref<100000x16xf32, #tpu.memory_space<hbm>>) dst(%arg8 : memref<2560x16xf32, #tpu.memory_space<vmem>>)
    %dma_start3A_491 = arith.constant 15 : i32
    %dma_start3A_492 = arith.constant 0 : i32
    %dma_start3A_493 = tpu.memref_slice %arg4[%mul3A_2, %dma_start3A_491, %dma_start3A_492] : memref<81920x26x16xf32, #tpu.memory_space<hbm>> -> memref<2560x1x16xf32, #tpu.memory_space<hbm>>
    %dma_start3A_494 = tpu.memref_squeeze %dma_start3A_493 : memref<2560x1x16xf32, #tpu.memory_space<hbm>> -> memref<2560x16xf32, #tpu.memory_space<hbm>>
    %dma_start3A_495 = arith.constant 0 : i32
    %dma_start3A_496 = tpu.memref_slice %arg4[%mul3A_2, %dma_start3A_491, %dma_start3A_495] : memref<81920x26x16xf32, #tpu.memory_space<hbm>> -> memref<2560x1x16xf32, #tpu.memory_space<hbm>>
    %dma_start3A_497 = tpu.memref_squeeze %dma_start3A_496 : memref<2560x1x16xf32, #tpu.memory_space<hbm>> -> memref<2560x16xf32, #tpu.memory_space<hbm>>
    tpu.enqueue_dma source(%arg8 : memref<2560x16xf32, #tpu.memory_space<vmem>>) target(%dma_start3A_497 : memref<2560x16xf32, #tpu.memory_space<hbm>>) target_semaphore(%arg11 : memref<!tpu.dma_semaphore, #tpu.memory_space<semaphore_mem>>)
    %run_scoped3A_498 = arith.constant 17 : i32
    "tpu.region"() ({
      %run_scoped3A_806 = tpu.sem_alloc : memref<!tpu.dma_semaphore, #tpu.memory_space<semaphore_mem>>
      %dma_start3A_807 = tpu.memref_slice %arg2[%run_scoped3A_498, %mul3A_2] : memref<26x81920xi32, #tpu.memory_space<hbm>> -> memref<1x2560xi32, #tpu.memory_space<hbm>>
      %dma_start3A_808 = tpu.memref_squeeze %dma_start3A_807 : memref<1x2560xi32, #tpu.memory_space<hbm>> -> memref<2560xi32, #tpu.memory_space<hbm>>
      %dma_start3A_809 = tpu.memref_slice %arg2[%run_scoped3A_498, %mul3A_2] : memref<26x81920xi32, #tpu.memory_space<hbm>> -> memref<1x2560xi32, #tpu.memory_space<hbm>>
      %dma_start3A_810 = tpu.memref_squeeze %dma_start3A_809 : memref<1x2560xi32, #tpu.memory_space<hbm>> -> memref<2560xi32, #tpu.memory_space<hbm>>
      tpu.enqueue_dma source(%dma_start3A_810 : memref<2560xi32, #tpu.memory_space<hbm>>) target(%arg6 : memref<2560xi32, #tpu.memory_space<vmem>>) target_semaphore(%run_scoped3A_806 : memref<!tpu.dma_semaphore, #tpu.memory_space<semaphore_mem>>)
      %dma_wait3A_811 = tpu.memref_slice %arg2[%run_scoped3A_498, %mul3A_2] : memref<26x81920xi32, #tpu.memory_space<hbm>> -> memref<1x2560xi32, #tpu.memory_space<hbm>>
      %dma_wait3A_812 = tpu.memref_squeeze %dma_wait3A_811 : memref<1x2560xi32, #tpu.memory_space<hbm>> -> memref<2560xi32, #tpu.memory_space<hbm>>
      %dma_wait3A_813 = tpu.memref_slice %arg2[%run_scoped3A_498, %mul3A_2] : memref<26x81920xi32, #tpu.memory_space<hbm>> -> memref<1x2560xi32, #tpu.memory_space<hbm>>
      %dma_wait3A_814 = tpu.memref_squeeze %dma_wait3A_813 : memref<1x2560xi32, #tpu.memory_space<hbm>> -> memref<2560xi32, #tpu.memory_space<hbm>>
      tpu.wait_dma2 semaphore(%run_scoped3A_806 : memref<!tpu.dma_semaphore, #tpu.memory_space<semaphore_mem>>) src(%dma_wait3A_814 : memref<2560xi32, #tpu.memory_space<hbm>>) dst(%arg6 : memref<2560xi32, #tpu.memory_space<vmem>>)
      tpu.yield
    }) : () -> ()
    %dma_wait3A_499 = arith.constant 15 : i32
    %dma_wait3A_500 = arith.constant 0 : i32
    %dma_wait3A_501 = tpu.memref_slice %arg4[%mul3A_2, %dma_wait3A_499, %dma_wait3A_500] : memref<81920x26x16xf32, #tpu.memory_space<hbm>> -> memref<2560x1x16xf32, #tpu.memory_space<hbm>>
    %dma_wait3A_502 = tpu.memref_squeeze %dma_wait3A_501 : memref<2560x1x16xf32, #tpu.memory_space<hbm>> -> memref<2560x16xf32, #tpu.memory_space<hbm>>
    %dma_wait3A_503 = arith.constant 0 : i32
    %dma_wait3A_504 = tpu.memref_slice %arg4[%mul3A_2, %dma_wait3A_499, %dma_wait3A_503] : memref<81920x26x16xf32, #tpu.memory_space<hbm>> -> memref<2560x1x16xf32, #tpu.memory_space<hbm>>
    %dma_wait3A_505 = tpu.memref_squeeze %dma_wait3A_504 : memref<2560x1x16xf32, #tpu.memory_space<hbm>> -> memref<2560x16xf32, #tpu.memory_space<hbm>>
    tpu.wait_dma2 semaphore(%arg11 : memref<!tpu.dma_semaphore, #tpu.memory_space<semaphore_mem>>) src(%arg8 : memref<2560x16xf32, #tpu.memory_space<vmem>>) dst(%dma_wait3A_505 : memref<2560x16xf32, #tpu.memory_space<hbm>>)
    %dma_start3A_506 = arith.constant 17 : i32
    %dma_start3A_507 = arith.constant 0 : i32
    %dma_start3A_508 = arith.constant 0 : i32
    %dma_start3A_509 = tpu.memref_slice %arg3[%dma_start3A_506, %dma_start3A_507, %dma_start3A_508] : memref<26x100000x16xf32, #tpu.memory_space<hbm>> -> memref<1x100000x16xf32, #tpu.memory_space<hbm>>
    %dma_start3A_510 = tpu.memref_squeeze %dma_start3A_509 : memref<1x100000x16xf32, #tpu.memory_space<hbm>> -> memref<100000x16xf32, #tpu.memory_space<hbm>>
    %dma_start3A_511 = arith.constant 0 : i32
    %dma_start3A_512 = arith.constant 0 : i32
    %dma_start3A_513 = tpu.memref_slice %dma_start3A_510[%dma_start3A_511, %dma_start3A_512] : memref<100000x16xf32, #tpu.memory_space<hbm>> -> memref<100000x16xf32, #tpu.memory_space<hbm>>
    tpu.enqueue_indirect_dma source(%dma_start3A_513 : memref<100000x16xf32, #tpu.memory_space<hbm>>) target(%arg8 : memref<2560x16xf32, #tpu.memory_space<vmem>>) offsets(%arg6 : memref<2560xi32, #tpu.memory_space<vmem>>) semaphore(%arg10 : memref<!tpu.dma_semaphore, #tpu.memory_space<semaphore_mem>>)
    %dma_wait3A_514 = arith.constant 16 : i32
    %dma_wait3A_515 = arith.constant 0 : i32
    %dma_wait3A_516 = arith.constant 0 : i32
    %dma_wait3A_517 = tpu.memref_slice %arg3[%dma_wait3A_514, %dma_wait3A_515, %dma_wait3A_516] : memref<26x100000x16xf32, #tpu.memory_space<hbm>> -> memref<1x100000x16xf32, #tpu.memory_space<hbm>>
    %dma_wait3A_518 = tpu.memref_squeeze %dma_wait3A_517 : memref<1x100000x16xf32, #tpu.memory_space<hbm>> -> memref<100000x16xf32, #tpu.memory_space<hbm>>
    %dma_wait3A_519 = arith.constant 0 : i32
    %dma_wait3A_520 = arith.constant 0 : i32
    %dma_wait3A_521 = tpu.memref_slice %dma_wait3A_518[%dma_wait3A_519, %dma_wait3A_520] : memref<100000x16xf32, #tpu.memory_space<hbm>> -> memref<100000x16xf32, #tpu.memory_space<hbm>>
    tpu.wait_indirect_dma semaphore(%arg9 : memref<!tpu.dma_semaphore, #tpu.memory_space<semaphore_mem>>) src(%dma_wait3A_521 : memref<100000x16xf32, #tpu.memory_space<hbm>>) dst(%arg7 : memref<2560x16xf32, #tpu.memory_space<vmem>>)
    %dma_start3A_522 = arith.constant 16 : i32
    %dma_start3A_523 = arith.constant 0 : i32
    %dma_start3A_524 = tpu.memref_slice %arg4[%mul3A_2, %dma_start3A_522, %dma_start3A_523] : memref<81920x26x16xf32, #tpu.memory_space<hbm>> -> memref<2560x1x16xf32, #tpu.memory_space<hbm>>
    %dma_start3A_525 = tpu.memref_squeeze %dma_start3A_524 : memref<2560x1x16xf32, #tpu.memory_space<hbm>> -> memref<2560x16xf32, #tpu.memory_space<hbm>>
    %dma_start3A_526 = arith.constant 0 : i32
    %dma_start3A_527 = tpu.memref_slice %arg4[%mul3A_2, %dma_start3A_522, %dma_start3A_526] : memref<81920x26x16xf32, #tpu.memory_space<hbm>> -> memref<2560x1x16xf32, #tpu.memory_space<hbm>>
    %dma_start3A_528 = tpu.memref_squeeze %dma_start3A_527 : memref<2560x1x16xf32, #tpu.memory_space<hbm>> -> memref<2560x16xf32, #tpu.memory_space<hbm>>
    tpu.enqueue_dma source(%arg7 : memref<2560x16xf32, #tpu.memory_space<vmem>>) target(%dma_start3A_528 : memref<2560x16xf32, #tpu.memory_space<hbm>>) target_semaphore(%arg11 : memref<!tpu.dma_semaphore, #tpu.memory_space<semaphore_mem>>)
    %run_scoped3A_529 = arith.constant 18 : i32
    "tpu.region"() ({
      %run_scoped3A_806 = tpu.sem_alloc : memref<!tpu.dma_semaphore, #tpu.memory_space<semaphore_mem>>
      %dma_start3A_807 = tpu.memref_slice %arg2[%run_scoped3A_529, %mul3A_2] : memref<26x81920xi32, #tpu.memory_space<hbm>> -> memref<1x2560xi32, #tpu.memory_space<hbm>>
      %dma_start3A_808 = tpu.memref_squeeze %dma_start3A_807 : memref<1x2560xi32, #tpu.memory_space<hbm>> -> memref<2560xi32, #tpu.memory_space<hbm>>
      %dma_start3A_809 = tpu.memref_slice %arg2[%run_scoped3A_529, %mul3A_2] : memref<26x81920xi32, #tpu.memory_space<hbm>> -> memref<1x2560xi32, #tpu.memory_space<hbm>>
      %dma_start3A_810 = tpu.memref_squeeze %dma_start3A_809 : memref<1x2560xi32, #tpu.memory_space<hbm>> -> memref<2560xi32, #tpu.memory_space<hbm>>
      tpu.enqueue_dma source(%dma_start3A_810 : memref<2560xi32, #tpu.memory_space<hbm>>) target(%arg5 : memref<2560xi32, #tpu.memory_space<vmem>>) target_semaphore(%run_scoped3A_806 : memref<!tpu.dma_semaphore, #tpu.memory_space<semaphore_mem>>)
      %dma_wait3A_811 = tpu.memref_slice %arg2[%run_scoped3A_529, %mul3A_2] : memref<26x81920xi32, #tpu.memory_space<hbm>> -> memref<1x2560xi32, #tpu.memory_space<hbm>>
      %dma_wait3A_812 = tpu.memref_squeeze %dma_wait3A_811 : memref<1x2560xi32, #tpu.memory_space<hbm>> -> memref<2560xi32, #tpu.memory_space<hbm>>
      %dma_wait3A_813 = tpu.memref_slice %arg2[%run_scoped3A_529, %mul3A_2] : memref<26x81920xi32, #tpu.memory_space<hbm>> -> memref<1x2560xi32, #tpu.memory_space<hbm>>
      %dma_wait3A_814 = tpu.memref_squeeze %dma_wait3A_813 : memref<1x2560xi32, #tpu.memory_space<hbm>> -> memref<2560xi32, #tpu.memory_space<hbm>>
      tpu.wait_dma2 semaphore(%run_scoped3A_806 : memref<!tpu.dma_semaphore, #tpu.memory_space<semaphore_mem>>) src(%dma_wait3A_814 : memref<2560xi32, #tpu.memory_space<hbm>>) dst(%arg5 : memref<2560xi32, #tpu.memory_space<vmem>>)
      tpu.yield
    }) : () -> ()
    %dma_wait3A_530 = arith.constant 16 : i32
    %dma_wait3A_531 = arith.constant 0 : i32
    %dma_wait3A_532 = tpu.memref_slice %arg4[%mul3A_2, %dma_wait3A_530, %dma_wait3A_531] : memref<81920x26x16xf32, #tpu.memory_space<hbm>> -> memref<2560x1x16xf32, #tpu.memory_space<hbm>>
    %dma_wait3A_533 = tpu.memref_squeeze %dma_wait3A_532 : memref<2560x1x16xf32, #tpu.memory_space<hbm>> -> memref<2560x16xf32, #tpu.memory_space<hbm>>
    %dma_wait3A_534 = arith.constant 0 : i32
    %dma_wait3A_535 = tpu.memref_slice %arg4[%mul3A_2, %dma_wait3A_530, %dma_wait3A_534] : memref<81920x26x16xf32, #tpu.memory_space<hbm>> -> memref<2560x1x16xf32, #tpu.memory_space<hbm>>
    %dma_wait3A_536 = tpu.memref_squeeze %dma_wait3A_535 : memref<2560x1x16xf32, #tpu.memory_space<hbm>> -> memref<2560x16xf32, #tpu.memory_space<hbm>>
    tpu.wait_dma2 semaphore(%arg11 : memref<!tpu.dma_semaphore, #tpu.memory_space<semaphore_mem>>) src(%arg7 : memref<2560x16xf32, #tpu.memory_space<vmem>>) dst(%dma_wait3A_536 : memref<2560x16xf32, #tpu.memory_space<hbm>>)
    %dma_start3A_537 = arith.constant 18 : i32
    %dma_start3A_538 = arith.constant 0 : i32
    %dma_start3A_539 = arith.constant 0 : i32
    %dma_start3A_540 = tpu.memref_slice %arg3[%dma_start3A_537, %dma_start3A_538, %dma_start3A_539] : memref<26x100000x16xf32, #tpu.memory_space<hbm>> -> memref<1x100000x16xf32, #tpu.memory_space<hbm>>
    %dma_start3A_541 = tpu.memref_squeeze %dma_start3A_540 : memref<1x100000x16xf32, #tpu.memory_space<hbm>> -> memref<100000x16xf32, #tpu.memory_space<hbm>>
    %dma_start3A_542 = arith.constant 0 : i32
    %dma_start3A_543 = arith.constant 0 : i32
    %dma_start3A_544 = tpu.memref_slice %dma_start3A_541[%dma_start3A_542, %dma_start3A_543] : memref<100000x16xf32, #tpu.memory_space<hbm>> -> memref<100000x16xf32, #tpu.memory_space<hbm>>
    tpu.enqueue_indirect_dma source(%dma_start3A_544 : memref<100000x16xf32, #tpu.memory_space<hbm>>) target(%arg7 : memref<2560x16xf32, #tpu.memory_space<vmem>>) offsets(%arg5 : memref<2560xi32, #tpu.memory_space<vmem>>) semaphore(%arg9 : memref<!tpu.dma_semaphore, #tpu.memory_space<semaphore_mem>>)
    %dma_wait3A_545 = arith.constant 17 : i32
    %dma_wait3A_546 = arith.constant 0 : i32
    %dma_wait3A_547 = arith.constant 0 : i32
    %dma_wait3A_548 = tpu.memref_slice %arg3[%dma_wait3A_545, %dma_wait3A_546, %dma_wait3A_547] : memref<26x100000x16xf32, #tpu.memory_space<hbm>> -> memref<1x100000x16xf32, #tpu.memory_space<hbm>>
    %dma_wait3A_549 = tpu.memref_squeeze %dma_wait3A_548 : memref<1x100000x16xf32, #tpu.memory_space<hbm>> -> memref<100000x16xf32, #tpu.memory_space<hbm>>
    %dma_wait3A_550 = arith.constant 0 : i32
    %dma_wait3A_551 = arith.constant 0 : i32
    %dma_wait3A_552 = tpu.memref_slice %dma_wait3A_549[%dma_wait3A_550, %dma_wait3A_551] : memref<100000x16xf32, #tpu.memory_space<hbm>> -> memref<100000x16xf32, #tpu.memory_space<hbm>>
    tpu.wait_indirect_dma semaphore(%arg10 : memref<!tpu.dma_semaphore, #tpu.memory_space<semaphore_mem>>) src(%dma_wait3A_552 : memref<100000x16xf32, #tpu.memory_space<hbm>>) dst(%arg8 : memref<2560x16xf32, #tpu.memory_space<vmem>>)
    %dma_start3A_553 = arith.constant 17 : i32
    %dma_start3A_554 = arith.constant 0 : i32
    %dma_start3A_555 = tpu.memref_slice %arg4[%mul3A_2, %dma_start3A_553, %dma_start3A_554] : memref<81920x26x16xf32, #tpu.memory_space<hbm>> -> memref<2560x1x16xf32, #tpu.memory_space<hbm>>
    %dma_start3A_556 = tpu.memref_squeeze %dma_start3A_555 : memref<2560x1x16xf32, #tpu.memory_space<hbm>> -> memref<2560x16xf32, #tpu.memory_space<hbm>>
    %dma_start3A_557 = arith.constant 0 : i32
    %dma_start3A_558 = tpu.memref_slice %arg4[%mul3A_2, %dma_start3A_553, %dma_start3A_557] : memref<81920x26x16xf32, #tpu.memory_space<hbm>> -> memref<2560x1x16xf32, #tpu.memory_space<hbm>>
    %dma_start3A_559 = tpu.memref_squeeze %dma_start3A_558 : memref<2560x1x16xf32, #tpu.memory_space<hbm>> -> memref<2560x16xf32, #tpu.memory_space<hbm>>
    tpu.enqueue_dma source(%arg8 : memref<2560x16xf32, #tpu.memory_space<vmem>>) target(%dma_start3A_559 : memref<2560x16xf32, #tpu.memory_space<hbm>>) target_semaphore(%arg11 : memref<!tpu.dma_semaphore, #tpu.memory_space<semaphore_mem>>)
    %run_scoped3A_560 = arith.constant 19 : i32
    "tpu.region"() ({
      %run_scoped3A_806 = tpu.sem_alloc : memref<!tpu.dma_semaphore, #tpu.memory_space<semaphore_mem>>
      %dma_start3A_807 = tpu.memref_slice %arg2[%run_scoped3A_560, %mul3A_2] : memref<26x81920xi32, #tpu.memory_space<hbm>> -> memref<1x2560xi32, #tpu.memory_space<hbm>>
      %dma_start3A_808 = tpu.memref_squeeze %dma_start3A_807 : memref<1x2560xi32, #tpu.memory_space<hbm>> -> memref<2560xi32, #tpu.memory_space<hbm>>
      %dma_start3A_809 = tpu.memref_slice %arg2[%run_scoped3A_560, %mul3A_2] : memref<26x81920xi32, #tpu.memory_space<hbm>> -> memref<1x2560xi32, #tpu.memory_space<hbm>>
      %dma_start3A_810 = tpu.memref_squeeze %dma_start3A_809 : memref<1x2560xi32, #tpu.memory_space<hbm>> -> memref<2560xi32, #tpu.memory_space<hbm>>
      tpu.enqueue_dma source(%dma_start3A_810 : memref<2560xi32, #tpu.memory_space<hbm>>) target(%arg6 : memref<2560xi32, #tpu.memory_space<vmem>>) target_semaphore(%run_scoped3A_806 : memref<!tpu.dma_semaphore, #tpu.memory_space<semaphore_mem>>)
      %dma_wait3A_811 = tpu.memref_slice %arg2[%run_scoped3A_560, %mul3A_2] : memref<26x81920xi32, #tpu.memory_space<hbm>> -> memref<1x2560xi32, #tpu.memory_space<hbm>>
      %dma_wait3A_812 = tpu.memref_squeeze %dma_wait3A_811 : memref<1x2560xi32, #tpu.memory_space<hbm>> -> memref<2560xi32, #tpu.memory_space<hbm>>
      %dma_wait3A_813 = tpu.memref_slice %arg2[%run_scoped3A_560, %mul3A_2] : memref<26x81920xi32, #tpu.memory_space<hbm>> -> memref<1x2560xi32, #tpu.memory_space<hbm>>
      %dma_wait3A_814 = tpu.memref_squeeze %dma_wait3A_813 : memref<1x2560xi32, #tpu.memory_space<hbm>> -> memref<2560xi32, #tpu.memory_space<hbm>>
      tpu.wait_dma2 semaphore(%run_scoped3A_806 : memref<!tpu.dma_semaphore, #tpu.memory_space<semaphore_mem>>) src(%dma_wait3A_814 : memref<2560xi32, #tpu.memory_space<hbm>>) dst(%arg6 : memref<2560xi32, #tpu.memory_space<vmem>>)
      tpu.yield
    }) : () -> ()
    %dma_wait3A_561 = arith.constant 17 : i32
    %dma_wait3A_562 = arith.constant 0 : i32
    %dma_wait3A_563 = tpu.memref_slice %arg4[%mul3A_2, %dma_wait3A_561, %dma_wait3A_562] : memref<81920x26x16xf32, #tpu.memory_space<hbm>> -> memref<2560x1x16xf32, #tpu.memory_space<hbm>>
    %dma_wait3A_564 = tpu.memref_squeeze %dma_wait3A_563 : memref<2560x1x16xf32, #tpu.memory_space<hbm>> -> memref<2560x16xf32, #tpu.memory_space<hbm>>
    %dma_wait3A_565 = arith.constant 0 : i32
    %dma_wait3A_566 = tpu.memref_slice %arg4[%mul3A_2, %dma_wait3A_561, %dma_wait3A_565] : memref<81920x26x16xf32, #tpu.memory_space<hbm>> -> memref<2560x1x16xf32, #tpu.memory_space<hbm>>
    %dma_wait3A_567 = tpu.memref_squeeze %dma_wait3A_566 : memref<2560x1x16xf32, #tpu.memory_space<hbm>> -> memref<2560x16xf32, #tpu.memory_space<hbm>>
    tpu.wait_dma2 semaphore(%arg11 : memref<!tpu.dma_semaphore, #tpu.memory_space<semaphore_mem>>) src(%arg8 : memref<2560x16xf32, #tpu.memory_space<vmem>>) dst(%dma_wait3A_567 : memref<2560x16xf32, #tpu.memory_space<hbm>>)
    %dma_start3A_568 = arith.constant 19 : i32
    %dma_start3A_569 = arith.constant 0 : i32
    %dma_start3A_570 = arith.constant 0 : i32
    %dma_start3A_571 = tpu.memref_slice %arg3[%dma_start3A_568, %dma_start3A_569, %dma_start3A_570] : memref<26x100000x16xf32, #tpu.memory_space<hbm>> -> memref<1x100000x16xf32, #tpu.memory_space<hbm>>
    %dma_start3A_572 = tpu.memref_squeeze %dma_start3A_571 : memref<1x100000x16xf32, #tpu.memory_space<hbm>> -> memref<100000x16xf32, #tpu.memory_space<hbm>>
    %dma_start3A_573 = arith.constant 0 : i32
    %dma_start3A_574 = arith.constant 0 : i32
    %dma_start3A_575 = tpu.memref_slice %dma_start3A_572[%dma_start3A_573, %dma_start3A_574] : memref<100000x16xf32, #tpu.memory_space<hbm>> -> memref<100000x16xf32, #tpu.memory_space<hbm>>
    tpu.enqueue_indirect_dma source(%dma_start3A_575 : memref<100000x16xf32, #tpu.memory_space<hbm>>) target(%arg8 : memref<2560x16xf32, #tpu.memory_space<vmem>>) offsets(%arg6 : memref<2560xi32, #tpu.memory_space<vmem>>) semaphore(%arg10 : memref<!tpu.dma_semaphore, #tpu.memory_space<semaphore_mem>>)
    %dma_wait3A_576 = arith.constant 18 : i32
    %dma_wait3A_577 = arith.constant 0 : i32
    %dma_wait3A_578 = arith.constant 0 : i32
    %dma_wait3A_579 = tpu.memref_slice %arg3[%dma_wait3A_576, %dma_wait3A_577, %dma_wait3A_578] : memref<26x100000x16xf32, #tpu.memory_space<hbm>> -> memref<1x100000x16xf32, #tpu.memory_space<hbm>>
    %dma_wait3A_580 = tpu.memref_squeeze %dma_wait3A_579 : memref<1x100000x16xf32, #tpu.memory_space<hbm>> -> memref<100000x16xf32, #tpu.memory_space<hbm>>
    %dma_wait3A_581 = arith.constant 0 : i32
    %dma_wait3A_582 = arith.constant 0 : i32
    %dma_wait3A_583 = tpu.memref_slice %dma_wait3A_580[%dma_wait3A_581, %dma_wait3A_582] : memref<100000x16xf32, #tpu.memory_space<hbm>> -> memref<100000x16xf32, #tpu.memory_space<hbm>>
    tpu.wait_indirect_dma semaphore(%arg9 : memref<!tpu.dma_semaphore, #tpu.memory_space<semaphore_mem>>) src(%dma_wait3A_583 : memref<100000x16xf32, #tpu.memory_space<hbm>>) dst(%arg7 : memref<2560x16xf32, #tpu.memory_space<vmem>>)
    %dma_start3A_584 = arith.constant 18 : i32
    %dma_start3A_585 = arith.constant 0 : i32
    %dma_start3A_586 = tpu.memref_slice %arg4[%mul3A_2, %dma_start3A_584, %dma_start3A_585] : memref<81920x26x16xf32, #tpu.memory_space<hbm>> -> memref<2560x1x16xf32, #tpu.memory_space<hbm>>
    %dma_start3A_587 = tpu.memref_squeeze %dma_start3A_586 : memref<2560x1x16xf32, #tpu.memory_space<hbm>> -> memref<2560x16xf32, #tpu.memory_space<hbm>>
    %dma_start3A_588 = arith.constant 0 : i32
    %dma_start3A_589 = tpu.memref_slice %arg4[%mul3A_2, %dma_start3A_584, %dma_start3A_588] : memref<81920x26x16xf32, #tpu.memory_space<hbm>> -> memref<2560x1x16xf32, #tpu.memory_space<hbm>>
    %dma_start3A_590 = tpu.memref_squeeze %dma_start3A_589 : memref<2560x1x16xf32, #tpu.memory_space<hbm>> -> memref<2560x16xf32, #tpu.memory_space<hbm>>
    tpu.enqueue_dma source(%arg7 : memref<2560x16xf32, #tpu.memory_space<vmem>>) target(%dma_start3A_590 : memref<2560x16xf32, #tpu.memory_space<hbm>>) target_semaphore(%arg11 : memref<!tpu.dma_semaphore, #tpu.memory_space<semaphore_mem>>)
    %run_scoped3A_591 = arith.constant 20 : i32
    "tpu.region"() ({
      %run_scoped3A_806 = tpu.sem_alloc : memref<!tpu.dma_semaphore, #tpu.memory_space<semaphore_mem>>
      %dma_start3A_807 = tpu.memref_slice %arg2[%run_scoped3A_591, %mul3A_2] : memref<26x81920xi32, #tpu.memory_space<hbm>> -> memref<1x2560xi32, #tpu.memory_space<hbm>>
      %dma_start3A_808 = tpu.memref_squeeze %dma_start3A_807 : memref<1x2560xi32, #tpu.memory_space<hbm>> -> memref<2560xi32, #tpu.memory_space<hbm>>
      %dma_start3A_809 = tpu.memref_slice %arg2[%run_scoped3A_591, %mul3A_2] : memref<26x81920xi32, #tpu.memory_space<hbm>> -> memref<1x2560xi32, #tpu.memory_space<hbm>>
      %dma_start3A_810 = tpu.memref_squeeze %dma_start3A_809 : memref<1x2560xi32, #tpu.memory_space<hbm>> -> memref<2560xi32, #tpu.memory_space<hbm>>
      tpu.enqueue_dma source(%dma_start3A_810 : memref<2560xi32, #tpu.memory_space<hbm>>) target(%arg5 : memref<2560xi32, #tpu.memory_space<vmem>>) target_semaphore(%run_scoped3A_806 : memref<!tpu.dma_semaphore, #tpu.memory_space<semaphore_mem>>)
      %dma_wait3A_811 = tpu.memref_slice %arg2[%run_scoped3A_591, %mul3A_2] : memref<26x81920xi32, #tpu.memory_space<hbm>> -> memref<1x2560xi32, #tpu.memory_space<hbm>>
      %dma_wait3A_812 = tpu.memref_squeeze %dma_wait3A_811 : memref<1x2560xi32, #tpu.memory_space<hbm>> -> memref<2560xi32, #tpu.memory_space<hbm>>
      %dma_wait3A_813 = tpu.memref_slice %arg2[%run_scoped3A_591, %mul3A_2] : memref<26x81920xi32, #tpu.memory_space<hbm>> -> memref<1x2560xi32, #tpu.memory_space<hbm>>
      %dma_wait3A_814 = tpu.memref_squeeze %dma_wait3A_813 : memref<1x2560xi32, #tpu.memory_space<hbm>> -> memref<2560xi32, #tpu.memory_space<hbm>>
      tpu.wait_dma2 semaphore(%run_scoped3A_806 : memref<!tpu.dma_semaphore, #tpu.memory_space<semaphore_mem>>) src(%dma_wait3A_814 : memref<2560xi32, #tpu.memory_space<hbm>>) dst(%arg5 : memref<2560xi32, #tpu.memory_space<vmem>>)
      tpu.yield
    }) : () -> ()
    %dma_wait3A_592 = arith.constant 18 : i32
    %dma_wait3A_593 = arith.constant 0 : i32
    %dma_wait3A_594 = tpu.memref_slice %arg4[%mul3A_2, %dma_wait3A_592, %dma_wait3A_593] : memref<81920x26x16xf32, #tpu.memory_space<hbm>> -> memref<2560x1x16xf32, #tpu.memory_space<hbm>>
    %dma_wait3A_595 = tpu.memref_squeeze %dma_wait3A_594 : memref<2560x1x16xf32, #tpu.memory_space<hbm>> -> memref<2560x16xf32, #tpu.memory_space<hbm>>
    %dma_wait3A_596 = arith.constant 0 : i32
    %dma_wait3A_597 = tpu.memref_slice %arg4[%mul3A_2, %dma_wait3A_592, %dma_wait3A_596] : memref<81920x26x16xf32, #tpu.memory_space<hbm>> -> memref<2560x1x16xf32, #tpu.memory_space<hbm>>
    %dma_wait3A_598 = tpu.memref_squeeze %dma_wait3A_597 : memref<2560x1x16xf32, #tpu.memory_space<hbm>> -> memref<2560x16xf32, #tpu.memory_space<hbm>>
    tpu.wait_dma2 semaphore(%arg11 : memref<!tpu.dma_semaphore, #tpu.memory_space<semaphore_mem>>) src(%arg7 : memref<2560x16xf32, #tpu.memory_space<vmem>>) dst(%dma_wait3A_598 : memref<2560x16xf32, #tpu.memory_space<hbm>>)
    %dma_start3A_599 = arith.constant 20 : i32
    %dma_start3A_600 = arith.constant 0 : i32
    %dma_start3A_601 = arith.constant 0 : i32
    %dma_start3A_602 = tpu.memref_slice %arg3[%dma_start3A_599, %dma_start3A_600, %dma_start3A_601] : memref<26x100000x16xf32, #tpu.memory_space<hbm>> -> memref<1x100000x16xf32, #tpu.memory_space<hbm>>
    %dma_start3A_603 = tpu.memref_squeeze %dma_start3A_602 : memref<1x100000x16xf32, #tpu.memory_space<hbm>> -> memref<100000x16xf32, #tpu.memory_space<hbm>>
    %dma_start3A_604 = arith.constant 0 : i32
    %dma_start3A_605 = arith.constant 0 : i32
    %dma_start3A_606 = tpu.memref_slice %dma_start3A_603[%dma_start3A_604, %dma_start3A_605] : memref<100000x16xf32, #tpu.memory_space<hbm>> -> memref<100000x16xf32, #tpu.memory_space<hbm>>
    tpu.enqueue_indirect_dma source(%dma_start3A_606 : memref<100000x16xf32, #tpu.memory_space<hbm>>) target(%arg7 : memref<2560x16xf32, #tpu.memory_space<vmem>>) offsets(%arg5 : memref<2560xi32, #tpu.memory_space<vmem>>) semaphore(%arg9 : memref<!tpu.dma_semaphore, #tpu.memory_space<semaphore_mem>>)
    %dma_wait3A_607 = arith.constant 19 : i32
    %dma_wait3A_608 = arith.constant 0 : i32
    %dma_wait3A_609 = arith.constant 0 : i32
    %dma_wait3A_610 = tpu.memref_slice %arg3[%dma_wait3A_607, %dma_wait3A_608, %dma_wait3A_609] : memref<26x100000x16xf32, #tpu.memory_space<hbm>> -> memref<1x100000x16xf32, #tpu.memory_space<hbm>>
    %dma_wait3A_611 = tpu.memref_squeeze %dma_wait3A_610 : memref<1x100000x16xf32, #tpu.memory_space<hbm>> -> memref<100000x16xf32, #tpu.memory_space<hbm>>
    %dma_wait3A_612 = arith.constant 0 : i32
    %dma_wait3A_613 = arith.constant 0 : i32
    %dma_wait3A_614 = tpu.memref_slice %dma_wait3A_611[%dma_wait3A_612, %dma_wait3A_613] : memref<100000x16xf32, #tpu.memory_space<hbm>> -> memref<100000x16xf32, #tpu.memory_space<hbm>>
    tpu.wait_indirect_dma semaphore(%arg10 : memref<!tpu.dma_semaphore, #tpu.memory_space<semaphore_mem>>) src(%dma_wait3A_614 : memref<100000x16xf32, #tpu.memory_space<hbm>>) dst(%arg8 : memref<2560x16xf32, #tpu.memory_space<vmem>>)
    %dma_start3A_615 = arith.constant 19 : i32
    %dma_start3A_616 = arith.constant 0 : i32
    %dma_start3A_617 = tpu.memref_slice %arg4[%mul3A_2, %dma_start3A_615, %dma_start3A_616] : memref<81920x26x16xf32, #tpu.memory_space<hbm>> -> memref<2560x1x16xf32, #tpu.memory_space<hbm>>
    %dma_start3A_618 = tpu.memref_squeeze %dma_start3A_617 : memref<2560x1x16xf32, #tpu.memory_space<hbm>> -> memref<2560x16xf32, #tpu.memory_space<hbm>>
    %dma_start3A_619 = arith.constant 0 : i32
    %dma_start3A_620 = tpu.memref_slice %arg4[%mul3A_2, %dma_start3A_615, %dma_start3A_619] : memref<81920x26x16xf32, #tpu.memory_space<hbm>> -> memref<2560x1x16xf32, #tpu.memory_space<hbm>>
    %dma_start3A_621 = tpu.memref_squeeze %dma_start3A_620 : memref<2560x1x16xf32, #tpu.memory_space<hbm>> -> memref<2560x16xf32, #tpu.memory_space<hbm>>
    tpu.enqueue_dma source(%arg8 : memref<2560x16xf32, #tpu.memory_space<vmem>>) target(%dma_start3A_621 : memref<2560x16xf32, #tpu.memory_space<hbm>>) target_semaphore(%arg11 : memref<!tpu.dma_semaphore, #tpu.memory_space<semaphore_mem>>)
    %run_scoped3A_622 = arith.constant 21 : i32
    "tpu.region"() ({
      %run_scoped3A_806 = tpu.sem_alloc : memref<!tpu.dma_semaphore, #tpu.memory_space<semaphore_mem>>
      %dma_start3A_807 = tpu.memref_slice %arg2[%run_scoped3A_622, %mul3A_2] : memref<26x81920xi32, #tpu.memory_space<hbm>> -> memref<1x2560xi32, #tpu.memory_space<hbm>>
      %dma_start3A_808 = tpu.memref_squeeze %dma_start3A_807 : memref<1x2560xi32, #tpu.memory_space<hbm>> -> memref<2560xi32, #tpu.memory_space<hbm>>
      %dma_start3A_809 = tpu.memref_slice %arg2[%run_scoped3A_622, %mul3A_2] : memref<26x81920xi32, #tpu.memory_space<hbm>> -> memref<1x2560xi32, #tpu.memory_space<hbm>>
      %dma_start3A_810 = tpu.memref_squeeze %dma_start3A_809 : memref<1x2560xi32, #tpu.memory_space<hbm>> -> memref<2560xi32, #tpu.memory_space<hbm>>
      tpu.enqueue_dma source(%dma_start3A_810 : memref<2560xi32, #tpu.memory_space<hbm>>) target(%arg6 : memref<2560xi32, #tpu.memory_space<vmem>>) target_semaphore(%run_scoped3A_806 : memref<!tpu.dma_semaphore, #tpu.memory_space<semaphore_mem>>)
      %dma_wait3A_811 = tpu.memref_slice %arg2[%run_scoped3A_622, %mul3A_2] : memref<26x81920xi32, #tpu.memory_space<hbm>> -> memref<1x2560xi32, #tpu.memory_space<hbm>>
      %dma_wait3A_812 = tpu.memref_squeeze %dma_wait3A_811 : memref<1x2560xi32, #tpu.memory_space<hbm>> -> memref<2560xi32, #tpu.memory_space<hbm>>
      %dma_wait3A_813 = tpu.memref_slice %arg2[%run_scoped3A_622, %mul3A_2] : memref<26x81920xi32, #tpu.memory_space<hbm>> -> memref<1x2560xi32, #tpu.memory_space<hbm>>
      %dma_wait3A_814 = tpu.memref_squeeze %dma_wait3A_813 : memref<1x2560xi32, #tpu.memory_space<hbm>> -> memref<2560xi32, #tpu.memory_space<hbm>>
      tpu.wait_dma2 semaphore(%run_scoped3A_806 : memref<!tpu.dma_semaphore, #tpu.memory_space<semaphore_mem>>) src(%dma_wait3A_814 : memref<2560xi32, #tpu.memory_space<hbm>>) dst(%arg6 : memref<2560xi32, #tpu.memory_space<vmem>>)
      tpu.yield
    }) : () -> ()
    %dma_wait3A_623 = arith.constant 19 : i32
    %dma_wait3A_624 = arith.constant 0 : i32
    %dma_wait3A_625 = tpu.memref_slice %arg4[%mul3A_2, %dma_wait3A_623, %dma_wait3A_624] : memref<81920x26x16xf32, #tpu.memory_space<hbm>> -> memref<2560x1x16xf32, #tpu.memory_space<hbm>>
    %dma_wait3A_626 = tpu.memref_squeeze %dma_wait3A_625 : memref<2560x1x16xf32, #tpu.memory_space<hbm>> -> memref<2560x16xf32, #tpu.memory_space<hbm>>
    %dma_wait3A_627 = arith.constant 0 : i32
    %dma_wait3A_628 = tpu.memref_slice %arg4[%mul3A_2, %dma_wait3A_623, %dma_wait3A_627] : memref<81920x26x16xf32, #tpu.memory_space<hbm>> -> memref<2560x1x16xf32, #tpu.memory_space<hbm>>
    %dma_wait3A_629 = tpu.memref_squeeze %dma_wait3A_628 : memref<2560x1x16xf32, #tpu.memory_space<hbm>> -> memref<2560x16xf32, #tpu.memory_space<hbm>>
    tpu.wait_dma2 semaphore(%arg11 : memref<!tpu.dma_semaphore, #tpu.memory_space<semaphore_mem>>) src(%arg8 : memref<2560x16xf32, #tpu.memory_space<vmem>>) dst(%dma_wait3A_629 : memref<2560x16xf32, #tpu.memory_space<hbm>>)
    %dma_start3A_630 = arith.constant 21 : i32
    %dma_start3A_631 = arith.constant 0 : i32
    %dma_start3A_632 = arith.constant 0 : i32
    %dma_start3A_633 = tpu.memref_slice %arg3[%dma_start3A_630, %dma_start3A_631, %dma_start3A_632] : memref<26x100000x16xf32, #tpu.memory_space<hbm>> -> memref<1x100000x16xf32, #tpu.memory_space<hbm>>
    %dma_start3A_634 = tpu.memref_squeeze %dma_start3A_633 : memref<1x100000x16xf32, #tpu.memory_space<hbm>> -> memref<100000x16xf32, #tpu.memory_space<hbm>>
    %dma_start3A_635 = arith.constant 0 : i32
    %dma_start3A_636 = arith.constant 0 : i32
    %dma_start3A_637 = tpu.memref_slice %dma_start3A_634[%dma_start3A_635, %dma_start3A_636] : memref<100000x16xf32, #tpu.memory_space<hbm>> -> memref<100000x16xf32, #tpu.memory_space<hbm>>
    tpu.enqueue_indirect_dma source(%dma_start3A_637 : memref<100000x16xf32, #tpu.memory_space<hbm>>) target(%arg8 : memref<2560x16xf32, #tpu.memory_space<vmem>>) offsets(%arg6 : memref<2560xi32, #tpu.memory_space<vmem>>) semaphore(%arg10 : memref<!tpu.dma_semaphore, #tpu.memory_space<semaphore_mem>>)
    %dma_wait3A_638 = arith.constant 20 : i32
    %dma_wait3A_639 = arith.constant 0 : i32
    %dma_wait3A_640 = arith.constant 0 : i32
    %dma_wait3A_641 = tpu.memref_slice %arg3[%dma_wait3A_638, %dma_wait3A_639, %dma_wait3A_640] : memref<26x100000x16xf32, #tpu.memory_space<hbm>> -> memref<1x100000x16xf32, #tpu.memory_space<hbm>>
    %dma_wait3A_642 = tpu.memref_squeeze %dma_wait3A_641 : memref<1x100000x16xf32, #tpu.memory_space<hbm>> -> memref<100000x16xf32, #tpu.memory_space<hbm>>
    %dma_wait3A_643 = arith.constant 0 : i32
    %dma_wait3A_644 = arith.constant 0 : i32
    %dma_wait3A_645 = tpu.memref_slice %dma_wait3A_642[%dma_wait3A_643, %dma_wait3A_644] : memref<100000x16xf32, #tpu.memory_space<hbm>> -> memref<100000x16xf32, #tpu.memory_space<hbm>>
    tpu.wait_indirect_dma semaphore(%arg9 : memref<!tpu.dma_semaphore, #tpu.memory_space<semaphore_mem>>) src(%dma_wait3A_645 : memref<100000x16xf32, #tpu.memory_space<hbm>>) dst(%arg7 : memref<2560x16xf32, #tpu.memory_space<vmem>>)
    %dma_start3A_646 = arith.constant 20 : i32
    %dma_start3A_647 = arith.constant 0 : i32
    %dma_start3A_648 = tpu.memref_slice %arg4[%mul3A_2, %dma_start3A_646, %dma_start3A_647] : memref<81920x26x16xf32, #tpu.memory_space<hbm>> -> memref<2560x1x16xf32, #tpu.memory_space<hbm>>
    %dma_start3A_649 = tpu.memref_squeeze %dma_start3A_648 : memref<2560x1x16xf32, #tpu.memory_space<hbm>> -> memref<2560x16xf32, #tpu.memory_space<hbm>>
    %dma_start3A_650 = arith.constant 0 : i32
    %dma_start3A_651 = tpu.memref_slice %arg4[%mul3A_2, %dma_start3A_646, %dma_start3A_650] : memref<81920x26x16xf32, #tpu.memory_space<hbm>> -> memref<2560x1x16xf32, #tpu.memory_space<hbm>>
    %dma_start3A_652 = tpu.memref_squeeze %dma_start3A_651 : memref<2560x1x16xf32, #tpu.memory_space<hbm>> -> memref<2560x16xf32, #tpu.memory_space<hbm>>
    tpu.enqueue_dma source(%arg7 : memref<2560x16xf32, #tpu.memory_space<vmem>>) target(%dma_start3A_652 : memref<2560x16xf32, #tpu.memory_space<hbm>>) target_semaphore(%arg11 : memref<!tpu.dma_semaphore, #tpu.memory_space<semaphore_mem>>)
    %run_scoped3A_653 = arith.constant 22 : i32
    "tpu.region"() ({
      %run_scoped3A_806 = tpu.sem_alloc : memref<!tpu.dma_semaphore, #tpu.memory_space<semaphore_mem>>
      %dma_start3A_807 = tpu.memref_slice %arg2[%run_scoped3A_653, %mul3A_2] : memref<26x81920xi32, #tpu.memory_space<hbm>> -> memref<1x2560xi32, #tpu.memory_space<hbm>>
      %dma_start3A_808 = tpu.memref_squeeze %dma_start3A_807 : memref<1x2560xi32, #tpu.memory_space<hbm>> -> memref<2560xi32, #tpu.memory_space<hbm>>
      %dma_start3A_809 = tpu.memref_slice %arg2[%run_scoped3A_653, %mul3A_2] : memref<26x81920xi32, #tpu.memory_space<hbm>> -> memref<1x2560xi32, #tpu.memory_space<hbm>>
      %dma_start3A_810 = tpu.memref_squeeze %dma_start3A_809 : memref<1x2560xi32, #tpu.memory_space<hbm>> -> memref<2560xi32, #tpu.memory_space<hbm>>
      tpu.enqueue_dma source(%dma_start3A_810 : memref<2560xi32, #tpu.memory_space<hbm>>) target(%arg5 : memref<2560xi32, #tpu.memory_space<vmem>>) target_semaphore(%run_scoped3A_806 : memref<!tpu.dma_semaphore, #tpu.memory_space<semaphore_mem>>)
      %dma_wait3A_811 = tpu.memref_slice %arg2[%run_scoped3A_653, %mul3A_2] : memref<26x81920xi32, #tpu.memory_space<hbm>> -> memref<1x2560xi32, #tpu.memory_space<hbm>>
      %dma_wait3A_812 = tpu.memref_squeeze %dma_wait3A_811 : memref<1x2560xi32, #tpu.memory_space<hbm>> -> memref<2560xi32, #tpu.memory_space<hbm>>
      %dma_wait3A_813 = tpu.memref_slice %arg2[%run_scoped3A_653, %mul3A_2] : memref<26x81920xi32, #tpu.memory_space<hbm>> -> memref<1x2560xi32, #tpu.memory_space<hbm>>
      %dma_wait3A_814 = tpu.memref_squeeze %dma_wait3A_813 : memref<1x2560xi32, #tpu.memory_space<hbm>> -> memref<2560xi32, #tpu.memory_space<hbm>>
      tpu.wait_dma2 semaphore(%run_scoped3A_806 : memref<!tpu.dma_semaphore, #tpu.memory_space<semaphore_mem>>) src(%dma_wait3A_814 : memref<2560xi32, #tpu.memory_space<hbm>>) dst(%arg5 : memref<2560xi32, #tpu.memory_space<vmem>>)
      tpu.yield
    }) : () -> ()
    %dma_wait3A_654 = arith.constant 20 : i32
    %dma_wait3A_655 = arith.constant 0 : i32
    %dma_wait3A_656 = tpu.memref_slice %arg4[%mul3A_2, %dma_wait3A_654, %dma_wait3A_655] : memref<81920x26x16xf32, #tpu.memory_space<hbm>> -> memref<2560x1x16xf32, #tpu.memory_space<hbm>>
    %dma_wait3A_657 = tpu.memref_squeeze %dma_wait3A_656 : memref<2560x1x16xf32, #tpu.memory_space<hbm>> -> memref<2560x16xf32, #tpu.memory_space<hbm>>
    %dma_wait3A_658 = arith.constant 0 : i32
    %dma_wait3A_659 = tpu.memref_slice %arg4[%mul3A_2, %dma_wait3A_654, %dma_wait3A_658] : memref<81920x26x16xf32, #tpu.memory_space<hbm>> -> memref<2560x1x16xf32, #tpu.memory_space<hbm>>
    %dma_wait3A_660 = tpu.memref_squeeze %dma_wait3A_659 : memref<2560x1x16xf32, #tpu.memory_space<hbm>> -> memref<2560x16xf32, #tpu.memory_space<hbm>>
    tpu.wait_dma2 semaphore(%arg11 : memref<!tpu.dma_semaphore, #tpu.memory_space<semaphore_mem>>) src(%arg7 : memref<2560x16xf32, #tpu.memory_space<vmem>>) dst(%dma_wait3A_660 : memref<2560x16xf32, #tpu.memory_space<hbm>>)
    %dma_start3A_661 = arith.constant 22 : i32
    %dma_start3A_662 = arith.constant 0 : i32
    %dma_start3A_663 = arith.constant 0 : i32
    %dma_start3A_664 = tpu.memref_slice %arg3[%dma_start3A_661, %dma_start3A_662, %dma_start3A_663] : memref<26x100000x16xf32, #tpu.memory_space<hbm>> -> memref<1x100000x16xf32, #tpu.memory_space<hbm>>
    %dma_start3A_665 = tpu.memref_squeeze %dma_start3A_664 : memref<1x100000x16xf32, #tpu.memory_space<hbm>> -> memref<100000x16xf32, #tpu.memory_space<hbm>>
    %dma_start3A_666 = arith.constant 0 : i32
    %dma_start3A_667 = arith.constant 0 : i32
    %dma_start3A_668 = tpu.memref_slice %dma_start3A_665[%dma_start3A_666, %dma_start3A_667] : memref<100000x16xf32, #tpu.memory_space<hbm>> -> memref<100000x16xf32, #tpu.memory_space<hbm>>
    tpu.enqueue_indirect_dma source(%dma_start3A_668 : memref<100000x16xf32, #tpu.memory_space<hbm>>) target(%arg7 : memref<2560x16xf32, #tpu.memory_space<vmem>>) offsets(%arg5 : memref<2560xi32, #tpu.memory_space<vmem>>) semaphore(%arg9 : memref<!tpu.dma_semaphore, #tpu.memory_space<semaphore_mem>>)
    %dma_wait3A_669 = arith.constant 21 : i32
    %dma_wait3A_670 = arith.constant 0 : i32
    %dma_wait3A_671 = arith.constant 0 : i32
    %dma_wait3A_672 = tpu.memref_slice %arg3[%dma_wait3A_669, %dma_wait3A_670, %dma_wait3A_671] : memref<26x100000x16xf32, #tpu.memory_space<hbm>> -> memref<1x100000x16xf32, #tpu.memory_space<hbm>>
    %dma_wait3A_673 = tpu.memref_squeeze %dma_wait3A_672 : memref<1x100000x16xf32, #tpu.memory_space<hbm>> -> memref<100000x16xf32, #tpu.memory_space<hbm>>
    %dma_wait3A_674 = arith.constant 0 : i32
    %dma_wait3A_675 = arith.constant 0 : i32
    %dma_wait3A_676 = tpu.memref_slice %dma_wait3A_673[%dma_wait3A_674, %dma_wait3A_675] : memref<100000x16xf32, #tpu.memory_space<hbm>> -> memref<100000x16xf32, #tpu.memory_space<hbm>>
    tpu.wait_indirect_dma semaphore(%arg10 : memref<!tpu.dma_semaphore, #tpu.memory_space<semaphore_mem>>) src(%dma_wait3A_676 : memref<100000x16xf32, #tpu.memory_space<hbm>>) dst(%arg8 : memref<2560x16xf32, #tpu.memory_space<vmem>>)
    %dma_start3A_677 = arith.constant 21 : i32
    %dma_start3A_678 = arith.constant 0 : i32
    %dma_start3A_679 = tpu.memref_slice %arg4[%mul3A_2, %dma_start3A_677, %dma_start3A_678] : memref<81920x26x16xf32, #tpu.memory_space<hbm>> -> memref<2560x1x16xf32, #tpu.memory_space<hbm>>
    %dma_start3A_680 = tpu.memref_squeeze %dma_start3A_679 : memref<2560x1x16xf32, #tpu.memory_space<hbm>> -> memref<2560x16xf32, #tpu.memory_space<hbm>>
    %dma_start3A_681 = arith.constant 0 : i32
    %dma_start3A_682 = tpu.memref_slice %arg4[%mul3A_2, %dma_start3A_677, %dma_start3A_681] : memref<81920x26x16xf32, #tpu.memory_space<hbm>> -> memref<2560x1x16xf32, #tpu.memory_space<hbm>>
    %dma_start3A_683 = tpu.memref_squeeze %dma_start3A_682 : memref<2560x1x16xf32, #tpu.memory_space<hbm>> -> memref<2560x16xf32, #tpu.memory_space<hbm>>
    tpu.enqueue_dma source(%arg8 : memref<2560x16xf32, #tpu.memory_space<vmem>>) target(%dma_start3A_683 : memref<2560x16xf32, #tpu.memory_space<hbm>>) target_semaphore(%arg11 : memref<!tpu.dma_semaphore, #tpu.memory_space<semaphore_mem>>)
    %run_scoped3A_684 = arith.constant 23 : i32
    "tpu.region"() ({
      %run_scoped3A_806 = tpu.sem_alloc : memref<!tpu.dma_semaphore, #tpu.memory_space<semaphore_mem>>
      %dma_start3A_807 = tpu.memref_slice %arg2[%run_scoped3A_684, %mul3A_2] : memref<26x81920xi32, #tpu.memory_space<hbm>> -> memref<1x2560xi32, #tpu.memory_space<hbm>>
      %dma_start3A_808 = tpu.memref_squeeze %dma_start3A_807 : memref<1x2560xi32, #tpu.memory_space<hbm>> -> memref<2560xi32, #tpu.memory_space<hbm>>
      %dma_start3A_809 = tpu.memref_slice %arg2[%run_scoped3A_684, %mul3A_2] : memref<26x81920xi32, #tpu.memory_space<hbm>> -> memref<1x2560xi32, #tpu.memory_space<hbm>>
      %dma_start3A_810 = tpu.memref_squeeze %dma_start3A_809 : memref<1x2560xi32, #tpu.memory_space<hbm>> -> memref<2560xi32, #tpu.memory_space<hbm>>
      tpu.enqueue_dma source(%dma_start3A_810 : memref<2560xi32, #tpu.memory_space<hbm>>) target(%arg6 : memref<2560xi32, #tpu.memory_space<vmem>>) target_semaphore(%run_scoped3A_806 : memref<!tpu.dma_semaphore, #tpu.memory_space<semaphore_mem>>)
      %dma_wait3A_811 = tpu.memref_slice %arg2[%run_scoped3A_684, %mul3A_2] : memref<26x81920xi32, #tpu.memory_space<hbm>> -> memref<1x2560xi32, #tpu.memory_space<hbm>>
      %dma_wait3A_812 = tpu.memref_squeeze %dma_wait3A_811 : memref<1x2560xi32, #tpu.memory_space<hbm>> -> memref<2560xi32, #tpu.memory_space<hbm>>
      %dma_wait3A_813 = tpu.memref_slice %arg2[%run_scoped3A_684, %mul3A_2] : memref<26x81920xi32, #tpu.memory_space<hbm>> -> memref<1x2560xi32, #tpu.memory_space<hbm>>
      %dma_wait3A_814 = tpu.memref_squeeze %dma_wait3A_813 : memref<1x2560xi32, #tpu.memory_space<hbm>> -> memref<2560xi32, #tpu.memory_space<hbm>>
      tpu.wait_dma2 semaphore(%run_scoped3A_806 : memref<!tpu.dma_semaphore, #tpu.memory_space<semaphore_mem>>) src(%dma_wait3A_814 : memref<2560xi32, #tpu.memory_space<hbm>>) dst(%arg6 : memref<2560xi32, #tpu.memory_space<vmem>>)
      tpu.yield
    }) : () -> ()
    %dma_wait3A_685 = arith.constant 21 : i32
    %dma_wait3A_686 = arith.constant 0 : i32
    %dma_wait3A_687 = tpu.memref_slice %arg4[%mul3A_2, %dma_wait3A_685, %dma_wait3A_686] : memref<81920x26x16xf32, #tpu.memory_space<hbm>> -> memref<2560x1x16xf32, #tpu.memory_space<hbm>>
    %dma_wait3A_688 = tpu.memref_squeeze %dma_wait3A_687 : memref<2560x1x16xf32, #tpu.memory_space<hbm>> -> memref<2560x16xf32, #tpu.memory_space<hbm>>
    %dma_wait3A_689 = arith.constant 0 : i32
    %dma_wait3A_690 = tpu.memref_slice %arg4[%mul3A_2, %dma_wait3A_685, %dma_wait3A_689] : memref<81920x26x16xf32, #tpu.memory_space<hbm>> -> memref<2560x1x16xf32, #tpu.memory_space<hbm>>
    %dma_wait3A_691 = tpu.memref_squeeze %dma_wait3A_690 : memref<2560x1x16xf32, #tpu.memory_space<hbm>> -> memref<2560x16xf32, #tpu.memory_space<hbm>>
    tpu.wait_dma2 semaphore(%arg11 : memref<!tpu.dma_semaphore, #tpu.memory_space<semaphore_mem>>) src(%arg8 : memref<2560x16xf32, #tpu.memory_space<vmem>>) dst(%dma_wait3A_691 : memref<2560x16xf32, #tpu.memory_space<hbm>>)
    %dma_start3A_692 = arith.constant 23 : i32
    %dma_start3A_693 = arith.constant 0 : i32
    %dma_start3A_694 = arith.constant 0 : i32
    %dma_start3A_695 = tpu.memref_slice %arg3[%dma_start3A_692, %dma_start3A_693, %dma_start3A_694] : memref<26x100000x16xf32, #tpu.memory_space<hbm>> -> memref<1x100000x16xf32, #tpu.memory_space<hbm>>
    %dma_start3A_696 = tpu.memref_squeeze %dma_start3A_695 : memref<1x100000x16xf32, #tpu.memory_space<hbm>> -> memref<100000x16xf32, #tpu.memory_space<hbm>>
    %dma_start3A_697 = arith.constant 0 : i32
    %dma_start3A_698 = arith.constant 0 : i32
    %dma_start3A_699 = tpu.memref_slice %dma_start3A_696[%dma_start3A_697, %dma_start3A_698] : memref<100000x16xf32, #tpu.memory_space<hbm>> -> memref<100000x16xf32, #tpu.memory_space<hbm>>
    tpu.enqueue_indirect_dma source(%dma_start3A_699 : memref<100000x16xf32, #tpu.memory_space<hbm>>) target(%arg8 : memref<2560x16xf32, #tpu.memory_space<vmem>>) offsets(%arg6 : memref<2560xi32, #tpu.memory_space<vmem>>) semaphore(%arg10 : memref<!tpu.dma_semaphore, #tpu.memory_space<semaphore_mem>>)
    %dma_wait3A_700 = arith.constant 22 : i32
    %dma_wait3A_701 = arith.constant 0 : i32
    %dma_wait3A_702 = arith.constant 0 : i32
    %dma_wait3A_703 = tpu.memref_slice %arg3[%dma_wait3A_700, %dma_wait3A_701, %dma_wait3A_702] : memref<26x100000x16xf32, #tpu.memory_space<hbm>> -> memref<1x100000x16xf32, #tpu.memory_space<hbm>>
    %dma_wait3A_704 = tpu.memref_squeeze %dma_wait3A_703 : memref<1x100000x16xf32, #tpu.memory_space<hbm>> -> memref<100000x16xf32, #tpu.memory_space<hbm>>
    %dma_wait3A_705 = arith.constant 0 : i32
    %dma_wait3A_706 = arith.constant 0 : i32
    %dma_wait3A_707 = tpu.memref_slice %dma_wait3A_704[%dma_wait3A_705, %dma_wait3A_706] : memref<100000x16xf32, #tpu.memory_space<hbm>> -> memref<100000x16xf32, #tpu.memory_space<hbm>>
    tpu.wait_indirect_dma semaphore(%arg9 : memref<!tpu.dma_semaphore, #tpu.memory_space<semaphore_mem>>) src(%dma_wait3A_707 : memref<100000x16xf32, #tpu.memory_space<hbm>>) dst(%arg7 : memref<2560x16xf32, #tpu.memory_space<vmem>>)
    %dma_start3A_708 = arith.constant 22 : i32
    %dma_start3A_709 = arith.constant 0 : i32
    %dma_start3A_710 = tpu.memref_slice %arg4[%mul3A_2, %dma_start3A_708, %dma_start3A_709] : memref<81920x26x16xf32, #tpu.memory_space<hbm>> -> memref<2560x1x16xf32, #tpu.memory_space<hbm>>
    %dma_start3A_711 = tpu.memref_squeeze %dma_start3A_710 : memref<2560x1x16xf32, #tpu.memory_space<hbm>> -> memref<2560x16xf32, #tpu.memory_space<hbm>>
    %dma_start3A_712 = arith.constant 0 : i32
    %dma_start3A_713 = tpu.memref_slice %arg4[%mul3A_2, %dma_start3A_708, %dma_start3A_712] : memref<81920x26x16xf32, #tpu.memory_space<hbm>> -> memref<2560x1x16xf32, #tpu.memory_space<hbm>>
    %dma_start3A_714 = tpu.memref_squeeze %dma_start3A_713 : memref<2560x1x16xf32, #tpu.memory_space<hbm>> -> memref<2560x16xf32, #tpu.memory_space<hbm>>
    tpu.enqueue_dma source(%arg7 : memref<2560x16xf32, #tpu.memory_space<vmem>>) target(%dma_start3A_714 : memref<2560x16xf32, #tpu.memory_space<hbm>>) target_semaphore(%arg11 : memref<!tpu.dma_semaphore, #tpu.memory_space<semaphore_mem>>)
    %run_scoped3A_715 = arith.constant 24 : i32
    "tpu.region"() ({
      %run_scoped3A_806 = tpu.sem_alloc : memref<!tpu.dma_semaphore, #tpu.memory_space<semaphore_mem>>
      %dma_start3A_807 = tpu.memref_slice %arg2[%run_scoped3A_715, %mul3A_2] : memref<26x81920xi32, #tpu.memory_space<hbm>> -> memref<1x2560xi32, #tpu.memory_space<hbm>>
      %dma_start3A_808 = tpu.memref_squeeze %dma_start3A_807 : memref<1x2560xi32, #tpu.memory_space<hbm>> -> memref<2560xi32, #tpu.memory_space<hbm>>
      %dma_start3A_809 = tpu.memref_slice %arg2[%run_scoped3A_715, %mul3A_2] : memref<26x81920xi32, #tpu.memory_space<hbm>> -> memref<1x2560xi32, #tpu.memory_space<hbm>>
      %dma_start3A_810 = tpu.memref_squeeze %dma_start3A_809 : memref<1x2560xi32, #tpu.memory_space<hbm>> -> memref<2560xi32, #tpu.memory_space<hbm>>
      tpu.enqueue_dma source(%dma_start3A_810 : memref<2560xi32, #tpu.memory_space<hbm>>) target(%arg5 : memref<2560xi32, #tpu.memory_space<vmem>>) target_semaphore(%run_scoped3A_806 : memref<!tpu.dma_semaphore, #tpu.memory_space<semaphore_mem>>)
      %dma_wait3A_811 = tpu.memref_slice %arg2[%run_scoped3A_715, %mul3A_2] : memref<26x81920xi32, #tpu.memory_space<hbm>> -> memref<1x2560xi32, #tpu.memory_space<hbm>>
      %dma_wait3A_812 = tpu.memref_squeeze %dma_wait3A_811 : memref<1x2560xi32, #tpu.memory_space<hbm>> -> memref<2560xi32, #tpu.memory_space<hbm>>
      %dma_wait3A_813 = tpu.memref_slice %arg2[%run_scoped3A_715, %mul3A_2] : memref<26x81920xi32, #tpu.memory_space<hbm>> -> memref<1x2560xi32, #tpu.memory_space<hbm>>
      %dma_wait3A_814 = tpu.memref_squeeze %dma_wait3A_813 : memref<1x2560xi32, #tpu.memory_space<hbm>> -> memref<2560xi32, #tpu.memory_space<hbm>>
      tpu.wait_dma2 semaphore(%run_scoped3A_806 : memref<!tpu.dma_semaphore, #tpu.memory_space<semaphore_mem>>) src(%dma_wait3A_814 : memref<2560xi32, #tpu.memory_space<hbm>>) dst(%arg5 : memref<2560xi32, #tpu.memory_space<vmem>>)
      tpu.yield
    }) : () -> ()
    %dma_wait3A_716 = arith.constant 22 : i32
    %dma_wait3A_717 = arith.constant 0 : i32
    %dma_wait3A_718 = tpu.memref_slice %arg4[%mul3A_2, %dma_wait3A_716, %dma_wait3A_717] : memref<81920x26x16xf32, #tpu.memory_space<hbm>> -> memref<2560x1x16xf32, #tpu.memory_space<hbm>>
    %dma_wait3A_719 = tpu.memref_squeeze %dma_wait3A_718 : memref<2560x1x16xf32, #tpu.memory_space<hbm>> -> memref<2560x16xf32, #tpu.memory_space<hbm>>
    %dma_wait3A_720 = arith.constant 0 : i32
    %dma_wait3A_721 = tpu.memref_slice %arg4[%mul3A_2, %dma_wait3A_716, %dma_wait3A_720] : memref<81920x26x16xf32, #tpu.memory_space<hbm>> -> memref<2560x1x16xf32, #tpu.memory_space<hbm>>
    %dma_wait3A_722 = tpu.memref_squeeze %dma_wait3A_721 : memref<2560x1x16xf32, #tpu.memory_space<hbm>> -> memref<2560x16xf32, #tpu.memory_space<hbm>>
    tpu.wait_dma2 semaphore(%arg11 : memref<!tpu.dma_semaphore, #tpu.memory_space<semaphore_mem>>) src(%arg7 : memref<2560x16xf32, #tpu.memory_space<vmem>>) dst(%dma_wait3A_722 : memref<2560x16xf32, #tpu.memory_space<hbm>>)
    %dma_start3A_723 = arith.constant 24 : i32
    %dma_start3A_724 = arith.constant 0 : i32
    %dma_start3A_725 = arith.constant 0 : i32
    %dma_start3A_726 = tpu.memref_slice %arg3[%dma_start3A_723, %dma_start3A_724, %dma_start3A_725] : memref<26x100000x16xf32, #tpu.memory_space<hbm>> -> memref<1x100000x16xf32, #tpu.memory_space<hbm>>
    %dma_start3A_727 = tpu.memref_squeeze %dma_start3A_726 : memref<1x100000x16xf32, #tpu.memory_space<hbm>> -> memref<100000x16xf32, #tpu.memory_space<hbm>>
    %dma_start3A_728 = arith.constant 0 : i32
    %dma_start3A_729 = arith.constant 0 : i32
    %dma_start3A_730 = tpu.memref_slice %dma_start3A_727[%dma_start3A_728, %dma_start3A_729] : memref<100000x16xf32, #tpu.memory_space<hbm>> -> memref<100000x16xf32, #tpu.memory_space<hbm>>
    tpu.enqueue_indirect_dma source(%dma_start3A_730 : memref<100000x16xf32, #tpu.memory_space<hbm>>) target(%arg7 : memref<2560x16xf32, #tpu.memory_space<vmem>>) offsets(%arg5 : memref<2560xi32, #tpu.memory_space<vmem>>) semaphore(%arg9 : memref<!tpu.dma_semaphore, #tpu.memory_space<semaphore_mem>>)
    %dma_wait3A_731 = arith.constant 23 : i32
    %dma_wait3A_732 = arith.constant 0 : i32
    %dma_wait3A_733 = arith.constant 0 : i32
    %dma_wait3A_734 = tpu.memref_slice %arg3[%dma_wait3A_731, %dma_wait3A_732, %dma_wait3A_733] : memref<26x100000x16xf32, #tpu.memory_space<hbm>> -> memref<1x100000x16xf32, #tpu.memory_space<hbm>>
    %dma_wait3A_735 = tpu.memref_squeeze %dma_wait3A_734 : memref<1x100000x16xf32, #tpu.memory_space<hbm>> -> memref<100000x16xf32, #tpu.memory_space<hbm>>
    %dma_wait3A_736 = arith.constant 0 : i32
    %dma_wait3A_737 = arith.constant 0 : i32
    %dma_wait3A_738 = tpu.memref_slice %dma_wait3A_735[%dma_wait3A_736, %dma_wait3A_737] : memref<100000x16xf32, #tpu.memory_space<hbm>> -> memref<100000x16xf32, #tpu.memory_space<hbm>>
    tpu.wait_indirect_dma semaphore(%arg10 : memref<!tpu.dma_semaphore, #tpu.memory_space<semaphore_mem>>) src(%dma_wait3A_738 : memref<100000x16xf32, #tpu.memory_space<hbm>>) dst(%arg8 : memref<2560x16xf32, #tpu.memory_space<vmem>>)
    %dma_start3A_739 = arith.constant 23 : i32
    %dma_start3A_740 = arith.constant 0 : i32
    %dma_start3A_741 = tpu.memref_slice %arg4[%mul3A_2, %dma_start3A_739, %dma_start3A_740] : memref<81920x26x16xf32, #tpu.memory_space<hbm>> -> memref<2560x1x16xf32, #tpu.memory_space<hbm>>
    %dma_start3A_742 = tpu.memref_squeeze %dma_start3A_741 : memref<2560x1x16xf32, #tpu.memory_space<hbm>> -> memref<2560x16xf32, #tpu.memory_space<hbm>>
    %dma_start3A_743 = arith.constant 0 : i32
    %dma_start3A_744 = tpu.memref_slice %arg4[%mul3A_2, %dma_start3A_739, %dma_start3A_743] : memref<81920x26x16xf32, #tpu.memory_space<hbm>> -> memref<2560x1x16xf32, #tpu.memory_space<hbm>>
    %dma_start3A_745 = tpu.memref_squeeze %dma_start3A_744 : memref<2560x1x16xf32, #tpu.memory_space<hbm>> -> memref<2560x16xf32, #tpu.memory_space<hbm>>
    tpu.enqueue_dma source(%arg8 : memref<2560x16xf32, #tpu.memory_space<vmem>>) target(%dma_start3A_745 : memref<2560x16xf32, #tpu.memory_space<hbm>>) target_semaphore(%arg11 : memref<!tpu.dma_semaphore, #tpu.memory_space<semaphore_mem>>)
    %run_scoped3A_746 = arith.constant 25 : i32
    "tpu.region"() ({
      %run_scoped3A_806 = tpu.sem_alloc : memref<!tpu.dma_semaphore, #tpu.memory_space<semaphore_mem>>
      %dma_start3A_807 = tpu.memref_slice %arg2[%run_scoped3A_746, %mul3A_2] : memref<26x81920xi32, #tpu.memory_space<hbm>> -> memref<1x2560xi32, #tpu.memory_space<hbm>>
      %dma_start3A_808 = tpu.memref_squeeze %dma_start3A_807 : memref<1x2560xi32, #tpu.memory_space<hbm>> -> memref<2560xi32, #tpu.memory_space<hbm>>
      %dma_start3A_809 = tpu.memref_slice %arg2[%run_scoped3A_746, %mul3A_2] : memref<26x81920xi32, #tpu.memory_space<hbm>> -> memref<1x2560xi32, #tpu.memory_space<hbm>>
      %dma_start3A_810 = tpu.memref_squeeze %dma_start3A_809 : memref<1x2560xi32, #tpu.memory_space<hbm>> -> memref<2560xi32, #tpu.memory_space<hbm>>
      tpu.enqueue_dma source(%dma_start3A_810 : memref<2560xi32, #tpu.memory_space<hbm>>) target(%arg6 : memref<2560xi32, #tpu.memory_space<vmem>>) target_semaphore(%run_scoped3A_806 : memref<!tpu.dma_semaphore, #tpu.memory_space<semaphore_mem>>)
      %dma_wait3A_811 = tpu.memref_slice %arg2[%run_scoped3A_746, %mul3A_2] : memref<26x81920xi32, #tpu.memory_space<hbm>> -> memref<1x2560xi32, #tpu.memory_space<hbm>>
      %dma_wait3A_812 = tpu.memref_squeeze %dma_wait3A_811 : memref<1x2560xi32, #tpu.memory_space<hbm>> -> memref<2560xi32, #tpu.memory_space<hbm>>
      %dma_wait3A_813 = tpu.memref_slice %arg2[%run_scoped3A_746, %mul3A_2] : memref<26x81920xi32, #tpu.memory_space<hbm>> -> memref<1x2560xi32, #tpu.memory_space<hbm>>
      %dma_wait3A_814 = tpu.memref_squeeze %dma_wait3A_813 : memref<1x2560xi32, #tpu.memory_space<hbm>> -> memref<2560xi32, #tpu.memory_space<hbm>>
      tpu.wait_dma2 semaphore(%run_scoped3A_806 : memref<!tpu.dma_semaphore, #tpu.memory_space<semaphore_mem>>) src(%dma_wait3A_814 : memref<2560xi32, #tpu.memory_space<hbm>>) dst(%arg6 : memref<2560xi32, #tpu.memory_space<vmem>>)
      tpu.yield
    }) : () -> ()
    %dma_wait3A_747 = arith.constant 23 : i32
    %dma_wait3A_748 = arith.constant 0 : i32
    %dma_wait3A_749 = tpu.memref_slice %arg4[%mul3A_2, %dma_wait3A_747, %dma_wait3A_748] : memref<81920x26x16xf32, #tpu.memory_space<hbm>> -> memref<2560x1x16xf32, #tpu.memory_space<hbm>>
    %dma_wait3A_750 = tpu.memref_squeeze %dma_wait3A_749 : memref<2560x1x16xf32, #tpu.memory_space<hbm>> -> memref<2560x16xf32, #tpu.memory_space<hbm>>
    %dma_wait3A_751 = arith.constant 0 : i32
    %dma_wait3A_752 = tpu.memref_slice %arg4[%mul3A_2, %dma_wait3A_747, %dma_wait3A_751] : memref<81920x26x16xf32, #tpu.memory_space<hbm>> -> memref<2560x1x16xf32, #tpu.memory_space<hbm>>
    %dma_wait3A_753 = tpu.memref_squeeze %dma_wait3A_752 : memref<2560x1x16xf32, #tpu.memory_space<hbm>> -> memref<2560x16xf32, #tpu.memory_space<hbm>>
    tpu.wait_dma2 semaphore(%arg11 : memref<!tpu.dma_semaphore, #tpu.memory_space<semaphore_mem>>) src(%arg8 : memref<2560x16xf32, #tpu.memory_space<vmem>>) dst(%dma_wait3A_753 : memref<2560x16xf32, #tpu.memory_space<hbm>>)
    %dma_start3A_754 = arith.constant 25 : i32
    %dma_start3A_755 = arith.constant 0 : i32
    %dma_start3A_756 = arith.constant 0 : i32
    %dma_start3A_757 = tpu.memref_slice %arg3[%dma_start3A_754, %dma_start3A_755, %dma_start3A_756] : memref<26x100000x16xf32, #tpu.memory_space<hbm>> -> memref<1x100000x16xf32, #tpu.memory_space<hbm>>
    %dma_start3A_758 = tpu.memref_squeeze %dma_start3A_757 : memref<1x100000x16xf32, #tpu.memory_space<hbm>> -> memref<100000x16xf32, #tpu.memory_space<hbm>>
    %dma_start3A_759 = arith.constant 0 : i32
    %dma_start3A_760 = arith.constant 0 : i32
    %dma_start3A_761 = tpu.memref_slice %dma_start3A_758[%dma_start3A_759, %dma_start3A_760] : memref<100000x16xf32, #tpu.memory_space<hbm>> -> memref<100000x16xf32, #tpu.memory_space<hbm>>
    tpu.enqueue_indirect_dma source(%dma_start3A_761 : memref<100000x16xf32, #tpu.memory_space<hbm>>) target(%arg8 : memref<2560x16xf32, #tpu.memory_space<vmem>>) offsets(%arg6 : memref<2560xi32, #tpu.memory_space<vmem>>) semaphore(%arg10 : memref<!tpu.dma_semaphore, #tpu.memory_space<semaphore_mem>>)
    %dma_wait3A_762 = arith.constant 24 : i32
    %dma_wait3A_763 = arith.constant 0 : i32
    %dma_wait3A_764 = arith.constant 0 : i32
    %dma_wait3A_765 = tpu.memref_slice %arg3[%dma_wait3A_762, %dma_wait3A_763, %dma_wait3A_764] : memref<26x100000x16xf32, #tpu.memory_space<hbm>> -> memref<1x100000x16xf32, #tpu.memory_space<hbm>>
    %dma_wait3A_766 = tpu.memref_squeeze %dma_wait3A_765 : memref<1x100000x16xf32, #tpu.memory_space<hbm>> -> memref<100000x16xf32, #tpu.memory_space<hbm>>
    %dma_wait3A_767 = arith.constant 0 : i32
    %dma_wait3A_768 = arith.constant 0 : i32
    %dma_wait3A_769 = tpu.memref_slice %dma_wait3A_766[%dma_wait3A_767, %dma_wait3A_768] : memref<100000x16xf32, #tpu.memory_space<hbm>> -> memref<100000x16xf32, #tpu.memory_space<hbm>>
    tpu.wait_indirect_dma semaphore(%arg9 : memref<!tpu.dma_semaphore, #tpu.memory_space<semaphore_mem>>) src(%dma_wait3A_769 : memref<100000x16xf32, #tpu.memory_space<hbm>>) dst(%arg7 : memref<2560x16xf32, #tpu.memory_space<vmem>>)
    %dma_start3A_770 = arith.constant 24 : i32
    %dma_start3A_771 = arith.constant 0 : i32
    %dma_start3A_772 = tpu.memref_slice %arg4[%mul3A_2, %dma_start3A_770, %dma_start3A_771] : memref<81920x26x16xf32, #tpu.memory_space<hbm>> -> memref<2560x1x16xf32, #tpu.memory_space<hbm>>
    %dma_start3A_773 = tpu.memref_squeeze %dma_start3A_772 : memref<2560x1x16xf32, #tpu.memory_space<hbm>> -> memref<2560x16xf32, #tpu.memory_space<hbm>>
    %dma_start3A_774 = arith.constant 0 : i32
    %dma_start3A_775 = tpu.memref_slice %arg4[%mul3A_2, %dma_start3A_770, %dma_start3A_774] : memref<81920x26x16xf32, #tpu.memory_space<hbm>> -> memref<2560x1x16xf32, #tpu.memory_space<hbm>>
    %dma_start3A_776 = tpu.memref_squeeze %dma_start3A_775 : memref<2560x1x16xf32, #tpu.memory_space<hbm>> -> memref<2560x16xf32, #tpu.memory_space<hbm>>
    tpu.enqueue_dma source(%arg7 : memref<2560x16xf32, #tpu.memory_space<vmem>>) target(%dma_start3A_776 : memref<2560x16xf32, #tpu.memory_space<hbm>>) target_semaphore(%arg11 : memref<!tpu.dma_semaphore, #tpu.memory_space<semaphore_mem>>)
    %dma_wait3A_777 = arith.constant 25 : i32
    %dma_wait3A_778 = arith.constant 0 : i32
    %dma_wait3A_779 = arith.constant 0 : i32
    %dma_wait3A_780 = tpu.memref_slice %arg3[%dma_wait3A_777, %dma_wait3A_778, %dma_wait3A_779] : memref<26x100000x16xf32, #tpu.memory_space<hbm>> -> memref<1x100000x16xf32, #tpu.memory_space<hbm>>
    %dma_wait3A_781 = tpu.memref_squeeze %dma_wait3A_780 : memref<1x100000x16xf32, #tpu.memory_space<hbm>> -> memref<100000x16xf32, #tpu.memory_space<hbm>>
    %dma_wait3A_782 = arith.constant 0 : i32
    %dma_wait3A_783 = arith.constant 0 : i32
    %dma_wait3A_784 = tpu.memref_slice %dma_wait3A_781[%dma_wait3A_782, %dma_wait3A_783] : memref<100000x16xf32, #tpu.memory_space<hbm>> -> memref<100000x16xf32, #tpu.memory_space<hbm>>
    tpu.wait_indirect_dma semaphore(%arg10 : memref<!tpu.dma_semaphore, #tpu.memory_space<semaphore_mem>>) src(%dma_wait3A_784 : memref<100000x16xf32, #tpu.memory_space<hbm>>) dst(%arg8 : memref<2560x16xf32, #tpu.memory_space<vmem>>)
    %dma_wait3A_785 = arith.constant 24 : i32
    %dma_wait3A_786 = arith.constant 0 : i32
    %dma_wait3A_787 = tpu.memref_slice %arg4[%mul3A_2, %dma_wait3A_785, %dma_wait3A_786] : memref<81920x26x16xf32, #tpu.memory_space<hbm>> -> memref<2560x1x16xf32, #tpu.memory_space<hbm>>
    %dma_wait3A_788 = tpu.memref_squeeze %dma_wait3A_787 : memref<2560x1x16xf32, #tpu.memory_space<hbm>> -> memref<2560x16xf32, #tpu.memory_space<hbm>>
    %dma_wait3A_789 = arith.constant 0 : i32
    %dma_wait3A_790 = tpu.memref_slice %arg4[%mul3A_2, %dma_wait3A_785, %dma_wait3A_789] : memref<81920x26x16xf32, #tpu.memory_space<hbm>> -> memref<2560x1x16xf32, #tpu.memory_space<hbm>>
    %dma_wait3A_791 = tpu.memref_squeeze %dma_wait3A_790 : memref<2560x1x16xf32, #tpu.memory_space<hbm>> -> memref<2560x16xf32, #tpu.memory_space<hbm>>
    tpu.wait_dma2 semaphore(%arg11 : memref<!tpu.dma_semaphore, #tpu.memory_space<semaphore_mem>>) src(%arg7 : memref<2560x16xf32, #tpu.memory_space<vmem>>) dst(%dma_wait3A_791 : memref<2560x16xf32, #tpu.memory_space<hbm>>)
    %dma_start3A_792 = arith.constant 25 : i32
    %dma_start3A_793 = arith.constant 0 : i32
    %dma_start3A_794 = tpu.memref_slice %arg4[%mul3A_2, %dma_start3A_792, %dma_start3A_793] : memref<81920x26x16xf32, #tpu.memory_space<hbm>> -> memref<2560x1x16xf32, #tpu.memory_space<hbm>>
    %dma_start3A_795 = tpu.memref_squeeze %dma_start3A_794 : memref<2560x1x16xf32, #tpu.memory_space<hbm>> -> memref<2560x16xf32, #tpu.memory_space<hbm>>
    %dma_start3A_796 = arith.constant 0 : i32
    %dma_start3A_797 = tpu.memref_slice %arg4[%mul3A_2, %dma_start3A_792, %dma_start3A_796] : memref<81920x26x16xf32, #tpu.memory_space<hbm>> -> memref<2560x1x16xf32, #tpu.memory_space<hbm>>
    %dma_start3A_798 = tpu.memref_squeeze %dma_start3A_797 : memref<2560x1x16xf32, #tpu.memory_space<hbm>> -> memref<2560x16xf32, #tpu.memory_space<hbm>>
    tpu.enqueue_dma source(%arg8 : memref<2560x16xf32, #tpu.memory_space<vmem>>) target(%dma_start3A_798 : memref<2560x16xf32, #tpu.memory_space<hbm>>) target_semaphore(%arg11 : memref<!tpu.dma_semaphore, #tpu.memory_space<semaphore_mem>>)
    %dma_wait3A_799 = arith.constant 25 : i32
    %dma_wait3A_800 = arith.constant 0 : i32
    %dma_wait3A_801 = tpu.memref_slice %arg4[%mul3A_2, %dma_wait3A_799, %dma_wait3A_800] : memref<81920x26x16xf32, #tpu.memory_space<hbm>> -> memref<2560x1x16xf32, #tpu.memory_space<hbm>>
    %dma_wait3A_802 = tpu.memref_squeeze %dma_wait3A_801 : memref<2560x1x16xf32, #tpu.memory_space<hbm>> -> memref<2560x16xf32, #tpu.memory_space<hbm>>
    %dma_wait3A_803 = arith.constant 0 : i32
    %dma_wait3A_804 = tpu.memref_slice %arg4[%mul3A_2, %dma_wait3A_799, %dma_wait3A_803] : memref<81920x26x16xf32, #tpu.memory_space<hbm>> -> memref<2560x1x16xf32, #tpu.memory_space<hbm>>
    %dma_wait3A_805 = tpu.memref_squeeze %dma_wait3A_804 : memref<2560x1x16xf32, #tpu.memory_space<hbm>> -> memref<2560x16xf32, #tpu.memory_space<hbm>>
    tpu.wait_dma2 semaphore(%arg11 : memref<!tpu.dma_semaphore, #tpu.memory_space<semaphore_mem>>) src(%arg8 : memref<2560x16xf32, #tpu.memory_space<vmem>>) dst(%dma_wait3A_805 : memref<2560x16xf32, #tpu.memory_space<hbm>>)
    return
  }
}

</mosaic_0001>

<sc_bundles>
// kernel: kernel.3.cloned.1.call-start
scs
__scs_entry_jumppad:
0x0: {  	(pc) =	sbr.rel $0x88, $3  }
0x1: {  	(tag) =	ssettag $0x0;
	lr =	simm.s32 $0x1  }
0x2: {  	[smem:$0x3F86] =	sst lr;
	_ =	strace $0xD0000000  }
0x3: {  	_ = 	snop  }
0x4: {  	_ = 	snop  }
0x5: {  	_ = 	snop  }
0x6: {  	_ = 	snop  }
0x7: {  	_ = 	snop  }
__scs_overlays_trampoline_lowered:
0x8: {  	[smem:$0x3F95] =	sst s0  }
0x9: {  	[smem:$0x3F96] =	sst s1  }
0xa: {  	[smem:$0x3F97] =	sst s2  }
0xb: {  	[smem:$0x3F98] =	sst s3  }
0xc: {  	[smem:$0x3F99] =	sst s4  }
0xd: {  	[smem:$0x3F9A] =	sst s5  }
0xe: {  	[smem:$0x3F9B] =	sst s6  }
0xf: {  	[smem:$0x3F9C] =	sst s7  }
0x10: {  	[smem:$0x3F9D] =	sst s8  }
0x11: {  	[smem:$0x3F9E] =	sst s9;
	s0 =	simm.s32 @!p0 $0x0  }
0x12: {  	s1 =	sld [smem:$0x3F84];
	s0 =	simm.s32 @p0 $0x1  }
0x13: {  	[smem:$0x3F9F] =	sst s0;
	s0 =	simm.s32 @!p1 $0x0  }
0x14: {  	s2 =	sld [smem:$0x3F83];
	s0 =	simm.s32 @p1 $0x1  }
0x15: {  	[smem:$0x3FA0] =	sst s0;
	s0 =	simm.s32 @!p2 $0x0  }
0x16: {  	s3 =	sld [smem:$0x3FDB];
	s0 =	simm.s32 @p2 $0x1  }
0x17: {  	s4 =	simm.s32 $0x1BF5;
	[smem:$0x3FA2] =	sst s0  }
0x18: {  	s0 =	sld [smem:$0x3F85];
	_ =	swait.ge [sflag:s4], $0x0  }
0x19: {  	s7 =	sld [smem:$0x3F86]  }
0x1a: {  	s8 =	sadd.s32 $0xFFFFE003, lr  }
0x1b: {  	s9 =	sadd.s32 $0xFFFFFEF7, lr;
	s5 =	simm.s32 $0xFFFFFFFF;
	p2 =	slt.u32 s8, $0xFFFFF086  }
0x1c: {  	p1 =	slt.u32 s9, $0xF7A;
	s5 =	simm.s32 @!p2 $0x0  }
0x1d: {  	s5 =	simm.s32 @p1 $0x1;
	p0 =	seq.s32 s7, s2  }
0x1e: {  	s7 =	smul.u32 @!p0 $0xF7A, s2;
	p2 =	seq.s32 @!p0 s5, $0x0  }
0x1f: {  	s9 =	smul.u32 $0xF7A, s1;
	s8 =	simm.s32 @!p0 $0x1BF5;
	p2 =	por !p2, p0  }
0x20: {  	[sflag:s8] =	ssyncset.s32 @!p0 $0xFFFFF086;
	s6 =	sadd.s32 @!p0 s3, s7;
	s7 =	simm.s32 @!p0 $0x108  }
0x21: {  	s3 =	sadd.s32 s3, s9;
	s6 =	sadd.s32 @!p0 $0x88, s6;
	s7 =	simm.s32 @p2 $0x1082  }
0x22: {  	[simem:s7], [sflag:s8] =	dma.local @!p0 [hbm:s6], $0xF7A  }
0x23: {  	s9 =	sor.u32 $0xD0000000, s2;
	s6 =	simm.s32 $0x108;
	_ =	swait.ge @!p0 [sflag:s8], $0x0  }
0x24: {  	s3 =	sadd.s32 $0x88, s3;
	s6 =	simm.s32 @!p1 $0x1082;
	[sflag:s4] =	ssyncset.s32 $0xFFFFF086  }
0x25: {  	[simem:s6], [sflag:s4] =	dma.local [hbm:s3], $0xF7A  }
0x26: {  	[smem:$0x3F86] =	sst s1;
	(tag) =	ssettag s2;
	_ =	strace s9  }
0x27: {  	s1 =	sld [smem:$0x3F96]  }
0x28: {  	s2 =	sld [smem:$0x3F97]  }
0x29: {  	s4 =	sld [smem:$0x3F99]  }
0x2a: {  	p0 =	seq.s32 s5, $0x0;
	s5 =	sld [smem:$0x3F9A]  }
0x2b: {  	s6 =	sld [smem:$0x3F9B]  }
0x2c: {  	s7 =	sld [smem:$0x3F9C]  }
0x2d: {  	s3 =	simm.s32 $0x108;
	s8 =	sld [smem:$0x3F9D]  }
0x2e: {  	s3 =	simm.s32 @!p0 $0x1082;
	s9 =	sld [smem:$0x3F9E]  }
0x2f: {  	lr =	sadd.s32 s0, s3;
	s0 =	sld [smem:$0x3F95]  }
0x30: {  	s3 =	sld [smem:$0x3F98]  }
0x31: {  	[smem:$0x3FA1] =	sst s10  }
0x32: {  	s10 =	sld [smem:$0x3F9F];
	_ =	sdelay $0x3  }
0x33: {  	p0 =	seq.s32 s10, $0x1;
	s10 =	sld [smem:$0x3FA1];
	_ =	sdelay $0x3  }
0x34: {  	[smem:$0x3FA1] =	sst s10  }
0x35: {  	s10 =	sld [smem:$0x3FA0];
	_ =	sdelay $0x3  }
0x36: {  	p1 =	seq.s32 s10, $0x1;
	s10 =	sld [smem:$0x3FA1];
	_ =	sdelay $0x3  }
0x37: {  	[smem:$0x3FA1] =	sst s10  }
0x38: {  	s10 =	sld [smem:$0x3FA2]  }
0x39: {  	_ = 	snop;
	(pc) =	sbr.ind lr, $3  }
0x3a: {  	_ = 	snop  }
0x3b: {  	_ = 	snop  }
0x3c: {  	p2 =	seq.s32 s10, $0x1;
	s10 =	sld [smem:$0x3FA1]  }
0x3d: {  	_ =	shalt  }
0x3e: {  	_ =	shalt  }
0x3f: {  	_ =	shalt  }
0x40: {  	_ =	shalt  }
0x41: {  	_ =	shalt  }
0x42: {  	_ =	shalt  }
0x43: {  	_ =	shalt  }
0x44: {  	_ =	shalt  }
0x45: {  	_ =	shalt  }
0x46: {  	_ =	shalt  }
0x47: {  	_ =	shalt  }
0x48: {  	_ =	shalt  }
0x49: {  	_ =	shalt  }
0x4a: {  	_ =	shalt  }
0x4b: {  	_ =	shalt  }
0x4c: {  	_ =	shalt  }
0x4d: {  	_ =	shalt  }
0x4e: {  	_ =	shalt  }
0x4f: {  	_ =	shalt  }
0x50: {  	_ =	shalt  }
0x51: {  	_ =	shalt  }
0x52: {  	_ =	shalt  }
0x53: {  	_ =	shalt  }
0x54: {  	_ =	shalt  }
0x55: {  	_ =	shalt  }
0x56: {  	_ =	shalt  }
0x57: {  	_ =	shalt  }
0x58: {  	_ =	shalt  }
0x59: {  	_ =	shalt  }
0x5a: {  	_ =	shalt  }
0x5b: {  	_ =	shalt  }
0x5c: {  	_ =	shalt  }
0x5d: {  	_ =	shalt  }
0x5e: {  	_ =	shalt  }
0x5f: {  	_ =	shalt  }
0x60: {  	_ =	shalt  }
0x61: {  	_ =	shalt  }
0x62: {  	_ =	shalt  }
0x63: {  	_ =	shalt  }
0x64: {  	_ =	shalt  }
0x65: {  	_ =	shalt  }
0x66: {  	_ =	shalt  }
0x67: {  	_ =	shalt  }
0x68: {  	_ =	shalt  }
0x69: {  	_ =	shalt  }
0x6a: {  	_ =	shalt  }
0x6b: {  	_ =	shalt  }
0x6c: {  	_ =	shalt  }
0x6d: {  	_ =	shalt  }
0x6e: {  	_ =	shalt  }
0x6f: {  	_ =	shalt  }
0x70: {  	_ =	shalt  }
0x71: {  	_ =	shalt  }
0x72: {  	_ =	shalt  }
0x73: {  	_ =	shalt  }
0x74: {  	_ =	shalt  }
0x75: {  	_ =	shalt  }
0x76: {  	_ =	shalt  }
0x77: {  	_ =	shalt  }
0x78: {  	_ =	shalt  }
0x79: {  	_ =	shalt  }
0x7a: {  	_ =	shalt  }
0x7b: {  	_ =	shalt  }
0x7c: {  	_ =	shalt  }
0x7d: {  	_ =	shalt  }
0x7e: {  	_ =	shalt  }
0x7f: {  	_ =	shalt  }
0x80: {  	_ =	shalt  }
0x81: {  	_ =	shalt  }
0x82: {  	_ =	shalt  }
0x83: {  	_ =	shalt  }
0x84: {  	_ =	shalt  }
0x85: {  	_ =	shalt  }
0x86: {  	_ =	shalt  }
0x87: {  	_ =	shalt  }
.Lfunc_end0:
.L_simem_size_0:
called_computation.2_lowered:
.L_overlay_start_0:
0x88: {  	s2 =	sld [smem:$0x3FD9]  }
0x89: {  	s3 =	sld [smem:$0x3FFE];
	_ =	sdelay $0x1  }
0x8a: {  	s1 =	srdreg.scid  }
0x8b: {  	s0 =	sand.u32 $0x1, s1  }
0x8c: {  	s17 =	sshll.u32 s0, $0xA;
	s2 =	sadd.s32 s3, s2  }
0x8d: {  	s2 =	sadd.s32 s2, s17  }
0x8e: {  	[smem:$0x3FAD] =	sst s2  }
0x8f: {  	_ = 	snop  }
0x90: {  	s2 =	sld [smem:$0x3FD0];
	(tm) =	ssettm $0x1  }
0x91: {  	s18 =	sld [smem:$0x3FFB];
	_ =	sdelay $0x3  }
0x92: {  	_ =	strace s18  }
0x93: {  	s3 =	sld [smem:$0x3FFC];
	_ =	sdelay $0x3  }
0x94: {  	_ =	strace s3  }
0x95: {  	s3 =	sld [smem:$0x3FFD];
	_ =	sdelay $0x3  }
0x96: {  	_ =	strace s3  }
0x97: {  	_ =	strace $0x8FFFFFFF  }
0x98: {  	s19 =	sld [smem:$0x3FDB];
	_ =	sdelay $0x1  }
0x99: {  	s4 =	simm.s32 $_scs_section_size  }
0x9a: {  	s5 =	simm.s32 $_size__tile_overlayer_lowered;
	s6 =	simm.s32 $_tile_overlayer_lowered  }
0x9b: {  	s22 =	simm.s32 $0x1BFF;
	s21 =	sshll.u32 s6, $0x1;
	s3 =	sadd.s32 s4, s19  }
0x9c: {  	s7 =	simm.s32 $0x0;
	s20 =	sshll.u32 s5, $0x1;
	s5 =	sadd.s32 s21, s3  }
0x9d: {  	[timem:s7], [sflag:s22] =	dma.local [hbm:s5], s20  }
0x9e: {  	_ =	swait.ge [sflag:s22], s20  }
0x9f: {  	s4 =	ssub.s32 $0x0, s20;
	[sflag:s22] =	ssyncset.done $0x0  }
0xa0: {  	[sflag:s22] =	ssyncadd.s32 s4;
	_ =	sdelay $0x1  }
0xa1: {  	s23 =	simm.s32 $0x1B8B  }
0xa2: {  	_ =	swait.ge [sflag:s23], $0x1  }
0xa3: {  	[sflag:s23] =	ssyncset.done $0x0  }
0xa4: {  	s25 =	simm.s32 $0x1B8E;
	s24 =	sld [smem:$0x3FFE];
	[sflag:s23] =	ssyncadd.s32 $0xFFFFFFFF  }
0xa5: {  	s26 =	simm.s32 $execute0_lowered;
	[smem:$0x3FD2] =	sst s25  }
0xa6: {  	s5 =	sshll.u32 s26, $0x1;
	_ =	strace $0x80000049;
	[dreg:$0x1] =	wrdreg $0xFFFFFFFF  }
0xa7: {  	s28 =	simm.s32 $_size_execute0_lowered;
	s3 =	sadd.s32 s3, s5;
	[dreg:$0x0] =	wrdreg $0x0  }
0xa8: {  	s5 =	sshll.u32 s28, $0x1;
	[dreg:$0x2] =	wrdreg s3  }
0xa9: {  	[dreg:$0x3] =	wrdreg s5  }
0xaa: {  	[dreg:$0x4] =	wrdreg $0xC0  }
0xab: {  	_ =	task [dreg:s7], $0x5FFFF  }
0xac: {  	[dreg:$0x1] =	wrdreg $0xFFFFFFFF  }
0xad: {  	[dreg:$0x0] =	wrdreg $0x60  }
0xae: {  	[dreg:$0x2] =	wrdreg s24  }
0xaf: {  	[dreg:$0x3] =	wrdreg s2  }
0xb0: {  	[dreg:$0x4] =	wrdreg $0x9  }
0xb1: {  	_ =	task.clear_ibuf [dreg:s7], $0x5FFFF;
	_ =	strace $0x90000049  }
0xb2: {  	s29 =	simm.s32 $0x9;
	_ =	strace $0x8000004B  }
0xb3: {  	_ =	swait.ge [sflag:s29], $0x1  }
0xb4: {  	[sflag:s29] =	ssyncadd.s32 $0xFFFFFFFF  }
0xb5: {  	_ =	strace $0x9000004B  }
0xb6: {  	_ =	sfence  }
0xb7: {  	s30 =	sld [smem:$0x0];
	_ =	sdelay $0x2  }
0xb8: {  	s31 =	sshll.u32 s1, $0xD;
	s1 =	sshrl.u32 s1, $0x2  }
0xb9: {  	s3 =	sand.u32 $0x4000, s31;
	s1 =	sadd.s32 s1, s30  }
0xba: {  	s0 =	sor.u32 s3, s0;
	s1 =	sshll.u32 s1, $0x11  }
0xbb: {  	s0 =	sor.u32 s1, s0  }
0xbc: {  	s0 =	sadd.s32 $0x8F2B, s0  }
0xbd: {  	[sflag:s0] =	ssyncadd.remote.s32 $0x1  }
0xbe: {  	_ =	sfence.sel $0xFFFF  }
0xbf: {  	[dreg:$0x0] =	wrdreg $0xFFFFFFFF;
	(pc) =	sbr.abs _section_cstart, $3  }
0xc0: {  	[dreg:$0x1] =	wrdreg $0xFFFFFFFF  }
0xc1: {  	_ =	task.clear_ibuf [dreg:s7], $0x2FFFF;
	_ =	strace $0x9FFFFFFF  }
0xc2: {  	(tm) =	ssettm $0x7FFFFFFF  }
0xc3: {  	_ =	shalt  }
tec
execute0_lowered:
.L_overlay_start_1:
0x0: {  	(tag) =	ssettag $0x1  }
0x1: {  	s1 =	stileid.u32;
	s5 =	rddreg [dreg:$0x1]  }
0x2: {  	s2 =	simm.s32 $0x0;
	s22 =	sshll.u32 s1, $0x1;
	s1 =	rddreg [dreg:$0x0]  }
0x3: {  	s0 =	srdreg.scid;
	[smem:$0x7FF] =	sst s2;
	s6 =	sadd.s32 $0x3600, s1  }
0x4: {  	_ =	strace $0x8000004A;
	s25 =	sadd.s32 $0x34340, s1;
	[dreg:$0x3] =	wrdreg s6  }
0x5: {  	s4 =	sand.u32 $0x1, s0;
	s8 =	sadd.s32 $0x95DC0, s1;
	[dreg:$0x6] =	wrdreg s25  }
0x6: {  	s0 =	sor.u32 s4, s22;
	s11 =	sadd.s32 $0xC6B00, s1;
	[dreg:$0xb] =	wrdreg s8  }
0x7: {  	s14 =	sadd.s32 $0xF7840, s1;
	s3 =	smul.u32 $0xA00, s0;
	[dreg:$0xe] =	wrdreg s11  }
0x8: {  	s17 =	sadd.s32 $0x128580, s1;
	s0 =	smul.u32 $0x20800, s0;
	[dreg:$0x11] =	wrdreg s14  }
0x9: {  	s20 =	sadd.s32 $0x1592C0, s1;
	[dreg:$0x14] =	wrdreg s17  }
0xa: {  	[dreg:$0x17] =	wrdreg s20;
	s31 =	sadd.s32 s5, s0;
	s5 =	sadd.s32 $0x65080, s1  }
0xb: {  	[dreg:$0x8] =	wrdreg s5;
	s6 =	sadd.s32 $0x2, s31  }
0xc: {  	s9 =	sadd.s32 $0x4, s31;
	[dreg:$0x9] =	wrdreg s6  }
0xd: {  	s12 =	sadd.s32 $0x6, s31;
	[dreg:$0xc] =	wrdreg s9  }
0xe: {  	s15 =	sadd.s32 $0x8, s31;
	[dreg:$0xf] =	wrdreg s12  }
0xf: {  	s18 =	sadd.s32 $0xA, s31;
	[dreg:$0x12] =	wrdreg s15  }
0x10: {  	s21 =	sadd.s32 $0xC, s31;
	[dreg:$0x15] =	wrdreg s18  }
0x11: {  	s5 =	sadd.s32 $0x10, s31;
	[dreg:$0x18] =	wrdreg s21  }
0x12: {  	s8 =	sadd.s32 $0x12, s31;
	[dreg:$0x1e] =	wrdreg s5  }
0x13: {  	s11 =	sadd.s32 $0x14, s31;
	[smem:$0x7E1] =	sst s8  }
0x14: {  	s14 =	sadd.s32 $0x16, s31;
	[smem:$0x7E4] =	sst s11  }
0x15: {  	s3 =	sshrl.u32 s3, $0x3;
	s17 =	sadd.s32 $0x18, s31;
	[smem:$0x7E7] =	sst s14  }
0x16: {  	s3 =	sadd.s32 s3, s1;
	s20 =	sadd.s32 $0x1A, s31;
	[smem:$0x7EA] =	sst s17  }
0x17: {  	s23 =	sadd.s32 $0x2CA6600, s3;
	[smem:$0x7ED] =	sst s20  }
0x18: {  	s24 =	sadd.s32 $0x2CA8E00, s3;
	[dreg:$0x4] =	wrdreg s23  }
0x19: {  	s26 =	sadd.s32 $0x2CAB600, s3;
	[dreg:$0x5] =	wrdreg s24  }
0x1a: {  	s7 =	sadd.s32 $0x2CADE00, s3;
	[dreg:$0x7] =	wrdreg s26  }
0x1b: {  	s10 =	sadd.s32 $0x2CB0600, s3;
	[dreg:$0xa] =	wrdreg s7  }
0x1c: {  	s13 =	sadd.s32 $0x2CB2E00, s3;
	[dreg:$0xd] =	wrdreg s10  }
0x1d: {  	s16 =	sadd.s32 $0x2CB5600, s3;
	[dreg:$0x10] =	wrdreg s13  }
0x1e: {  	s19 =	sadd.s32 $0x2CB7E00, s3;
	[dreg:$0x13] =	wrdreg s16  }
0x1f: {  	s22 =	sadd.s32 $0x2CBA600, s3;
	[dreg:$0x16] =	wrdreg s19  }
0x20: {  	s30 =	sadd.s32 $0x3D3F00, s1;
	s25 =	sadd.s32 $0x2CBCE00, s3;
	[dreg:$0x19] =	wrdreg s22  }
0x21: {  	s6 =	sadd.s32 $0x2CBF600, s3;
	s9 =	sadd.s32 $0x2CC1E00, s3;
	[dreg:$0x1c] =	wrdreg s25  }
0x22: {  	s12 =	sadd.s32 $0x2CC4600, s3;
	s15 =	sadd.s32 $0x2CC6E00, s3;
	[dreg:$0x1f] =	wrdreg s6  }
0x23: {  	s18 =	sadd.s32 $0x2CC9600, s3;
	[smem:$0x7E2] =	sst s9  }
0x24: {  	s21 =	sadd.s32 $0x2CCBE00, s3;
	[smem:$0x7E5] =	sst s12  }
0x25: {  	s5 =	sadd.s32 $0x2CD0E00, s3;
	[smem:$0x7E8] =	sst s15  }
0x26: {  	s8 =	sadd.s32 $0x2CD3600, s3;
	[smem:$0x7EB] =	sst s18  }
0x27: {  	s14 =	sadd.s32 $0x2CD8600, s3;
	[smem:$0x7EE] =	sst s21  }
0x28: {  	s29 =	sadd.s32 $0x2CDAE00, s3;
	[smem:$0x7F4] =	sst s5  }
0x29: {  	s11 =	sadd.s32 $0x22, s31;
	s20 =	sadd.s32 $0x4666C0, s1;
	[smem:$0x7F7] =	sst s8  }
0x2a: {  	s17 =	sadd.s32 $0x497400, s1;
	[smem:$0x7F9] =	sst s11  }
0x2b: {  	s23 =	sadd.s32 $0x18A000, s1;
	s24 =	sadd.s32 $0xE, s31;
	[smem:$0x7FD] =	sst s14  }
0x2c: {  	s26 =	sadd.s32 $0x1BAD40, s1;
	s7 =	sadd.s32 $0x1EBA80, s1;
	[dreg:$0x1a] =	wrdreg s23  }
0x2d: {  	s10 =	sadd.s32 $0x21C7C0, s1;
	s13 =	sadd.s32 $0x24D500, s1;
	[dreg:$0x1b] =	wrdreg s24  }
0x2e: {  	s16 =	sadd.s32 $0x27E240, s1;
	s19 =	sadd.s32 $0x2AEF80, s1;
	[dreg:$0x1d] =	wrdreg s26  }
0x2f: {  	s22 =	sadd.s32 $0x2DFCC0, s1;
	[smem:$0x7E0] =	sst s7  }
0x30: {  	p0 =	por $0x0, $0x0;
	s25 =	sadd.s32 $0x310A00, s1;
	[smem:$0x7E3] =	sst s10  }
0x31: {  	s4 =	ssub.s32 $0x2, s4;
	s6 =	sadd.s32 $0x341740, s1;
	[smem:$0x7E6] =	sst s13  }
0x32: {  	s28 =	sadd.s32 $0x26, s31;
	s9 =	sadd.s32 $0x372480, s1;
	[smem:$0x7E9] =	sst s16  }
0x33: {  	s12 =	sadd.s32 $0x2CD5E00, s3;
	s15 =	sadd.s32 $0x24, s31;
	[smem:$0x7EC] =	sst s19  }
0x34: {  	s21 =	sadd.s32 $0x2A, s31;
	s18 =	sadd.s32 $0x2CE2600, s3;
	[smem:$0x7EF] =	sst s22  }
0x35: {  	s14 =	simm.s32 $0x4;
	s11 =	simm.s32 $0xA00;
	[smem:$0x7F2] =	sst s25  }
0x36: {  	s8 =	simm.s32 $0x10;
	s23 =	sadd.s32 $0x1C, s31;
	[smem:$0x7F5] =	sst s6  }
0x37: {  	s24 =	sadd.s32 $0x2CCE600, s3;
	s26 =	sadd.s32 $0x1E, s31;
	[smem:$0x7F8] =	sst s9  }
0x38: {  	s7 =	sadd.s32 $0x20, s31;
	[smem:$0x7FA] =	sst s12;
	s13 =	sadd.s32 $0x3A31C0, s1  }
0x39: {  	s10 =	sshrl.u32 s4, $0x1;
	s25 =	sadd.s32 $0x404C40, s1;
	[smem:$0x7FC] =	sst s15  }
0x3a: {  	s22 =	sadd.s32 $0x2CDFE00, s3;
	s19 =	sadd.s32 $0x2C, s31;
	[smem:$0x7F0] =	sst s23  }
0x3b: {  	s12 =	sadd.s32 $0x2E, s31;
	[smem:$0x7F1] =	sst s24;
	s5 =	ssub.s32 s4, s10  }
0x3c: {  	s6 =	sadd.s32 $0x4C8140, s1;
	[smem:$0x7F3] =	sst s26;
	s16 =	smax.u32 s5, $0x1  }
0x3d: {  	s9 =	simm.s32 $0x1400;
	[smem:$0x7F6] =	sst s7;
	p1 =	sne.s32 s16, $0x1  }
.Ltmp0:
0x3e: {  	s15 =	simm.s32 $0x1;
	[smem:$0x7FB] =	sst s13;
	(pc) =	sbr.rel @!p1 .LBB2_5-.Ltmp0, $4  }
0x3f: {  	s0 =	rddreg [dreg:$0x4];
	s24 =	sadd.s32 $0x2CDD600, s3;
	s23 =	sadd.s32 $0x435980, s1  }
0x40: {  	s26 =	sadd.s32 $0x28, s31;
	s13 =	sadd.s32 $0x2CE4E00, s3;
	s4 =	sadd.s32 $0x30, s31  }
0x41: {  	s3 =	sadd.s32 $0x32, s31;
	s10 =	simm.s32 $0x1A0;
	s7 =	simm.s32 $0x3  }
0x42: {  	s5 =	simm.s32 $0xB400;
	s1 =	sadd.s32 $0xFFFFFFFF, s16;
	s16 =	simm.s32 $0x2  }
0x43: {  	[tilespmem:s2], [sflag:$0x4] =	stream.linear.gather [hbm4b:s0+s2], $0xA00, $0x38;
	[tilespmem:$0x15400] =	vst v63  }
0x44: {  	_ =	swait.ge [sflag:s14], $0xA00  }
0x45: {  	s0 =	rddreg [dreg:$0x3];
	[sflag:s14] =	ssyncset.done $0x0  }
0x46: {  	[smem:$0x7DE] =	sst s1;
	[sflag:s14] =	ssyncadd.s32 $0xFFFFF600  }
0x47: {  	[tilespmem:s9], [sflag:$0x1] =	stream.indirect.gather [hbm4b:s0+s11], $0x10, s2, s11, $0xb8;
	[tilespmem:$0x15400] =	vst v63  }
0x48: {  	s1 =	rddreg [dreg:$0x5]  }
0x49: {  	[tilespmem:s11], [sflag:$0x4] =	stream.linear.gather [hbm4b:s1+s2], $0xA00, $0x38;
	[tilespmem:$0x15400] =	vst v63  }
0x4a: {  	_ =	swait.ge [sflag:s14], $0xA00  }
0x4b: {  	[sflag:s14] =	ssyncset.done $0x0  }
0x4c: {  	s1 =	rddreg [dreg:$0x6];
	[sflag:s14] =	ssyncadd.s32 $0xFFFFF600  }
0x4d: {  	[tilespmem:s5], [sflag:$0x2] =	stream.indirect.gather [hbm4b:s1+s11], $0x10, s11, s11, $0xb8;
	[tilespmem:$0x15400] =	vst v63  }
0x4e: {  	_ =	swait.ge [sflag:s15], $0xA000  }
0x4f: {  	[sflag:s15] =	ssyncset.done $0x0  }
0x50: {  	[sflag:s15] =	ssyncadd.s32 $0xFFFF6000  }
0x51: {  	[hbm4b:s31+s8] =	stream.strided.scatter [tilespmem:s9], [sflag:$0x3], $0xA000, s10, s8, $0x38;
	[tilespmem:$0x15400] =	vst v63  }
0x52: {  	s1 =	rddreg [dreg:$0x7]  }
0x53: {  	[tilespmem:s2], [sflag:$0x4] =	stream.linear.gather [hbm4b:s1+s2], $0xA00, $0x38;
	[tilespmem:$0x15400] =	vst v63  }
0x54: {  	_ =	swait.ge [sflag:s14], $0xA00  }
0x55: {  	[sflag:s14] =	ssyncset.done $0x0  }
0x56: {  	[sflag:s14] =	ssyncadd.s32 $0xFFFFF600  }
0x57: {  	_ =	swait.ge [sflag:s7], $0xA000  }
0x58: {  	[sflag:s7] =	ssyncset.done $0x0  }
0x59: {  	s1 =	rddreg [dreg:$0x8];
	[sflag:s7] =	ssyncadd.s32 $0xFFFF6000  }
0x5a: {  	[tilespmem:s9], [sflag:$0x1] =	stream.indirect.gather [hbm4b:s1+s11], $0x10, s2, s11, $0xb8;
	[tilespmem:$0x15400] =	vst v63  }
0x5b: {  	_ =	swait.ge [sflag:s16], $0xA000  }
0x5c: {  	[sflag:s16] =	ssyncset.done $0x0  }
0x5d: {  	s0 =	rddreg [dreg:$0x9];
	[sflag:s16] =	ssyncadd.s32 $0xFFFF6000  }
0x5e: {  	[hbm4b:s0+s8] =	stream.strided.scatter [tilespmem:s5], [sflag:$0x3], $0xA000, s10, s8, $0x38;
	[tilespmem:$0x15400] =	vst v63  }
0x5f: {  	s1 =	rddreg [dreg:$0xa]  }
0x60: {  	[tilespmem:s11], [sflag:$0x4] =	stream.linear.gather [hbm4b:s1+s2], $0xA00, $0x38;
	[tilespmem:$0x15400] =	vst v63  }
0x61: {  	_ =	swait.ge [sflag:s14], $0xA00  }
0x62: {  	[sflag:s14] =	ssyncset.done $0x0  }
0x63: {  	[sflag:s14] =	ssyncadd.s32 $0xFFFFF600  }
0x64: {  	_ =	swait.ge [sflag:s7], $0xA000  }
0x65: {  	[sflag:s7] =	ssyncset.done $0x0  }
0x66: {  	s1 =	rddreg [dreg:$0xb];
	[sflag:s7] =	ssyncadd.s32 $0xFFFF6000  }
0x67: {  	[tilespmem:s5], [sflag:$0x2] =	stream.indirect.gather [hbm4b:s1+s11], $0x10, s11, s11, $0xb8;
	[tilespmem:$0x15400] =	vst v63  }
0x68: {  	_ =	swait.ge [sflag:s15], $0xA000  }
0x69: {  	[sflag:s15] =	ssyncset.done $0x0  }
0x6a: {  	s0 =	rddreg [dreg:$0xc];
	[sflag:s15] =	ssyncadd.s32 $0xFFFF6000  }
0x6b: {  	[hbm4b:s0+s8] =	stream.strided.scatter [tilespmem:s9], [sflag:$0x3], $0xA000, s10, s8, $0x38;
	[tilespmem:$0x15400] =	vst v63  }
0x6c: {  	s1 =	rddreg [dreg:$0xd]  }
0x6d: {  	[tilespmem:s2], [sflag:$0x4] =	stream.linear.gather [hbm4b:s1+s2], $0xA00, $0x38;
	[tilespmem:$0x15400] =	vst v63  }
0x6e: {  	_ =	swait.ge [sflag:s14], $0xA00  }
0x6f: {  	[sflag:s14] =	ssyncset.done $0x0  }
0x70: {  	[sflag:s14] =	ssyncadd.s32 $0xFFFFF600  }
0x71: {  	_ =	swait.ge [sflag:s7], $0xA000  }
0x72: {  	[sflag:s7] =	ssyncset.done $0x0  }
0x73: {  	s1 =	rddreg [dreg:$0xe];
	[sflag:s7] =	ssyncadd.s32 $0xFFFF6000  }
0x74: {  	[tilespmem:s9], [sflag:$0x1] =	stream.indirect.gather [hbm4b:s1+s11], $0x10, s2, s11, $0xb8;
	[tilespmem:$0x15400] =	vst v63  }
0x75: {  	_ =	swait.ge [sflag:s16], $0xA000  }
0x76: {  	[sflag:s16] =	ssyncset.done $0x0  }
0x77: {  	s0 =	rddreg [dreg:$0xf];
	[sflag:s16] =	ssyncadd.s32 $0xFFFF6000  }
0x78: {  	[hbm4b:s0+s8] =	stream.strided.scatter [tilespmem:s5], [sflag:$0x3], $0xA000, s10, s8, $0x38;
	[tilespmem:$0x15400] =	vst v63  }
0x79: {  	s1 =	rddreg [dreg:$0x10]  }
0x7a: {  	[tilespmem:s11], [sflag:$0x4] =	stream.linear.gather [hbm4b:s1+s2], $0xA00, $0x38;
	[tilespmem:$0x15400] =	vst v63  }
0x7b: {  	_ =	swait.ge [sflag:s14], $0xA00  }
0x7c: {  	[sflag:s14] =	ssyncset.done $0x0  }
0x7d: {  	[sflag:s14] =	ssyncadd.s32 $0xFFFFF600  }
0x7e: {  	_ =	swait.ge [sflag:s7], $0xA000  }
0x7f: {  	[sflag:s7] =	ssyncset.done $0x0  }
0x80: {  	s1 =	rddreg [dreg:$0x11];
	[sflag:s7] =	ssyncadd.s32 $0xFFFF6000  }
0x81: {  	[tilespmem:s5], [sflag:$0x2] =	stream.indirect.gather [hbm4b:s1+s11], $0x10, s11, s11, $0xb8;
	[tilespmem:$0x15400] =	vst v63  }
0x82: {  	_ =	swait.ge [sflag:s15], $0xA000  }
0x83: {  	[sflag:s15] =	ssyncset.done $0x0  }
0x84: {  	s0 =	rddreg [dreg:$0x12];
	[sflag:s15] =	ssyncadd.s32 $0xFFFF6000  }
0x85: {  	[hbm4b:s0+s8] =	stream.strided.scatter [tilespmem:s9], [sflag:$0x3], $0xA000, s10, s8, $0x38;
	[tilespmem:$0x15400] =	vst v63  }
0x86: {  	s1 =	rddreg [dreg:$0x13]  }
0x87: {  	[tilespmem:s2], [sflag:$0x4] =	stream.linear.gather [hbm4b:s1+s2], $0xA00, $0x38;
	[tilespmem:$0x15400] =	vst v63  }
0x88: {  	_ =	swait.ge [sflag:s14], $0xA00  }
0x89: {  	[sflag:s14] =	ssyncset.done $0x0  }
0x8a: {  	[sflag:s14] =	ssyncadd.s32 $0xFFFFF600  }
0x8b: {  	_ =	swait.ge [sflag:s7], $0xA000  }
0x8c: {  	[sflag:s7] =	ssyncset.done $0x0  }
0x8d: {  	s1 =	rddreg [dreg:$0x14];
	[sflag:s7] =	ssyncadd.s32 $0xFFFF6000  }
0x8e: {  	[tilespmem:s9], [sflag:$0x1] =	stream.indirect.gather [hbm4b:s1+s11], $0x10, s2, s11, $0xb8;
	[tilespmem:$0x15400] =	vst v63  }
0x8f: {  	_ =	swait.ge [sflag:s16], $0xA000  }
0x90: {  	[sflag:s16] =	ssyncset.done $0x0  }
0x91: {  	s0 =	rddreg [dreg:$0x15];
	[sflag:s16] =	ssyncadd.s32 $0xFFFF6000  }
0x92: {  	[hbm4b:s0+s8] =	stream.strided.scatter [tilespmem:s5], [sflag:$0x3], $0xA000, s10, s8, $0x38;
	[tilespmem:$0x15400] =	vst v63  }
0x93: {  	s1 =	rddreg [dreg:$0x16]  }
0x94: {  	[tilespmem:s11], [sflag:$0x4] =	stream.linear.gather [hbm4b:s1+s2], $0xA00, $0x38;
	[tilespmem:$0x15400] =	vst v63  }
0x95: {  	_ =	swait.ge [sflag:s14], $0xA00  }
0x96: {  	[sflag:s14] =	ssyncset.done $0x0  }
0x97: {  	[sflag:s14] =	ssyncadd.s32 $0xFFFFF600  }
0x98: {  	_ =	swait.ge [sflag:s7], $0xA000  }
0x99: {  	[sflag:s7] =	ssyncset.done $0x0  }
0x9a: {  	s1 =	rddreg [dreg:$0x17];
	[sflag:s7] =	ssyncadd.s32 $0xFFFF6000  }
0x9b: {  	[tilespmem:s5], [sflag:$0x2] =	stream.indirect.gather [hbm4b:s1+s11], $0x10, s11, s11, $0xb8;
	[tilespmem:$0x15400] =	vst v63  }
0x9c: {  	_ =	swait.ge [sflag:s15], $0xA000  }
0x9d: {  	[sflag:s15] =	ssyncset.done $0x0  }
0x9e: {  	s0 =	rddreg [dreg:$0x18];
	[sflag:s15] =	ssyncadd.s32 $0xFFFF6000  }
0x9f: {  	[hbm4b:s0+s8] =	stream.strided.scatter [tilespmem:s9], [sflag:$0x3], $0xA000, s10, s8, $0x38;
	[tilespmem:$0x15400] =	vst v63  }
0xa0: {  	s1 =	rddreg [dreg:$0x19]  }
0xa1: {  	[tilespmem:s2], [sflag:$0x4] =	stream.linear.gather [hbm4b:s1+s2], $0xA00, $0x38;
	[tilespmem:$0x15400] =	vst v63  }
0xa2: {  	_ =	swait.ge [sflag:s14], $0xA00  }
0xa3: {  	[sflag:s14] =	ssyncset.done $0x0  }
0xa4: {  	[sflag:s14] =	ssyncadd.s32 $0xFFFFF600  }
0xa5: {  	_ =	swait.ge [sflag:s7], $0xA000  }
0xa6: {  	[sflag:s7] =	ssyncset.done $0x0  }
0xa7: {  	s1 =	rddreg [dreg:$0x1a];
	[sflag:s7] =	ssyncadd.s32 $0xFFFF6000  }
0xa8: {  	[tilespmem:s9], [sflag:$0x1] =	stream.indirect.gather [hbm4b:s1+s11], $0x10, s2, s11, $0xb8;
	[tilespmem:$0x15400] =	vst v63  }
0xa9: {  	_ =	swait.ge [sflag:s16], $0xA000  }
0xaa: {  	[sflag:s16] =	ssyncset.done $0x0  }
0xab: {  	s0 =	rddreg [dreg:$0x1b];
	[sflag:s16] =	ssyncadd.s32 $0xFFFF6000  }
0xac: {  	[hbm4b:s0+s8] =	stream.strided.scatter [tilespmem:s5], [sflag:$0x3], $0xA000, s10, s8, $0x38;
	[tilespmem:$0x15400] =	vst v63  }
0xad: {  	s1 =	rddreg [dreg:$0x1c]  }
0xae: {  	[tilespmem:s11], [sflag:$0x4] =	stream.linear.gather [hbm4b:s1+s2], $0xA00, $0x38;
	[tilespmem:$0x15400] =	vst v63  }
0xaf: {  	_ =	swait.ge [sflag:s14], $0xA00  }
0xb0: {  	[sflag:s14] =	ssyncset.done $0x0  }
0xb1: {  	[sflag:s14] =	ssyncadd.s32 $0xFFFFF600  }
0xb2: {  	_ =	swait.ge [sflag:s7], $0xA000  }
0xb3: {  	[sflag:s7] =	ssyncset.done $0x0  }
0xb4: {  	s1 =	rddreg [dreg:$0x1d];
	[sflag:s7] =	ssyncadd.s32 $0xFFFF6000  }
0xb5: {  	[tilespmem:s5], [sflag:$0x2] =	stream.indirect.gather [hbm4b:s1+s11], $0x10, s11, s11, $0xb8;
	[tilespmem:$0x15400] =	vst v63  }
0xb6: {  	_ =	swait.ge [sflag:s15], $0xA000  }
0xb7: {  	[sflag:s15] =	ssyncset.done $0x0  }
0xb8: {  	s0 =	rddreg [dreg:$0x1e];
	[sflag:s15] =	ssyncadd.s32 $0xFFFF6000  }
0xb9: {  	[hbm4b:s0+s8] =	stream.strided.scatter [tilespmem:s9], [sflag:$0x3], $0xA000, s10, s8, $0x38;
	[tilespmem:$0x15400] =	vst v63  }
0xba: {  	s1 =	rddreg [dreg:$0x1f]  }
0xbb: {  	[tilespmem:s2], [sflag:$0x4] =	stream.linear.gather [hbm4b:s1+s2], $0xA00, $0x38;
	[tilespmem:$0x15400] =	vst v63  }
0xbc: {  	_ =	swait.ge [sflag:s14], $0xA00  }
0xbd: {  	[sflag:s14] =	ssyncset.done $0x0  }
0xbe: {  	[sflag:s14] =	ssyncadd.s32 $0xFFFFF600  }
0xbf: {  	_ =	swait.ge [sflag:s7], $0xA000  }
0xc0: {  	s1 =	sld [smem:$0x7E0]  }
0xc1: {  	[sflag:s7] =	ssyncset.done $0x0  }
0xc2: {  	[sflag:s7] =	ssyncadd.s32 $0xFFFF6000  }
0xc3: {  	[tilespmem:s9], [sflag:$0x1] =	stream.indirect.gather [hbm4b:s1+s11], $0x10, s2, s11, $0xb8;
	[tilespmem:$0x15400] =	vst v63  }
0xc4: {  	_ =	swait.ge [sflag:s16], $0xA000  }
0xc5: {  	s0 =	sld [smem:$0x7E1]  }
0xc6: {  	[sflag:s16] =	ssyncset.done $0x0  }
0xc7: {  	s1 =	sld [smem:$0x7E2];
	[sflag:s16] =	ssyncadd.s32 $0xFFFF6000  }
0xc8: {  	[hbm4b:s0+s8] =	stream.strided.scatter [tilespmem:s5], [sflag:$0x3], $0xA000, s10, s8, $0x38;
	[tilespmem:$0x15400] =	vst v63  }
0xc9: {  	_ = 	snop  }
0xca: {  	[tilespmem:s11], [sflag:$0x4] =	stream.linear.gather [hbm4b:s1+s2], $0xA00, $0x38;
	[tilespmem:$0x15400] =	vst v63  }
0xcb: {  	_ =	swait.ge [sflag:s14], $0xA00  }
0xcc: {  	[sflag:s14] =	ssyncset.done $0x0  }
0xcd: {  	[sflag:s14] =	ssyncadd.s32 $0xFFFFF600  }
0xce: {  	_ =	swait.ge [sflag:s7], $0xA000  }
0xcf: {  	s1 =	sld [smem:$0x7E3]  }
0xd0: {  	[sflag:s7] =	ssyncset.done $0x0  }
0xd1: {  	[sflag:s7] =	ssyncadd.s32 $0xFFFF6000  }
0xd2: {  	[tilespmem:s5], [sflag:$0x2] =	stream.indirect.gather [hbm4b:s1+s11], $0x10, s11, s11, $0xb8;
	[tilespmem:$0x15400] =	vst v63  }
0xd3: {  	_ =	swait.ge [sflag:s15], $0xA000  }
0xd4: {  	s0 =	sld [smem:$0x7E4]  }
0xd5: {  	[sflag:s15] =	ssyncset.done $0x0  }
0xd6: {  	s1 =	sld [smem:$0x7E5];
	[sflag:s15] =	ssyncadd.s32 $0xFFFF6000  }
0xd7: {  	[hbm4b:s0+s8] =	stream.strided.scatter [tilespmem:s9], [sflag:$0x3], $0xA000, s10, s8, $0x38;
	[tilespmem:$0x15400] =	vst v63  }
0xd8: {  	_ = 	snop  }
0xd9: {  	[tilespmem:s2], [sflag:$0x4] =	stream.linear.gather [hbm4b:s1+s2], $0xA00, $0x38;
	[tilespmem:$0x15400] =	vst v63  }
0xda: {  	_ =	swait.ge [sflag:s14], $0xA00  }
0xdb: {  	[sflag:s14] =	ssyncset.done $0x0  }
0xdc: {  	[sflag:s14] =	ssyncadd.s32 $0xFFFFF600  }
0xdd: {  	_ =	swait.ge [sflag:s7], $0xA000  }
0xde: {  	s1 =	sld [smem:$0x7E6]  }
0xdf: {  	[sflag:s7] =	ssyncset.done $0x0  }
0xe0: {  	[sflag:s7] =	ssyncadd.s32 $0xFFFF6000  }
0xe1: {  	[tilespmem:s9], [sflag:$0x1] =	stream.indirect.gather [hbm4b:s1+s11], $0x10, s2, s11, $0xb8;
	[tilespmem:$0x15400] =	vst v63  }
0xe2: {  	_ =	swait.ge [sflag:s16], $0xA000  }
0xe3: {  	s0 =	sld [smem:$0x7E7]  }
0xe4: {  	[sflag:s16] =	ssyncset.done $0x0  }
0xe5: {  	s1 =	sld [smem:$0x7E8];
	[sflag:s16] =	ssyncadd.s32 $0xFFFF6000  }
0xe6: {  	[hbm4b:s0+s8] =	stream.strided.scatter [tilespmem:s5], [sflag:$0x3], $0xA000, s10, s8, $0x38;
	[tilespmem:$0x15400] =	vst v63  }
0xe7: {  	_ = 	snop  }
0xe8: {  	[tilespmem:s11], [sflag:$0x4] =	stream.linear.gather [hbm4b:s1+s2], $0xA00, $0x38;
	[tilespmem:$0x15400] =	vst v63  }
0xe9: {  	_ =	swait.ge [sflag:s14], $0xA00  }
0xea: {  	[sflag:s14] =	ssyncset.done $0x0  }
0xeb: {  	[sflag:s14] =	ssyncadd.s32 $0xFFFFF600  }
0xec: {  	_ =	swait.ge [sflag:s7], $0xA000  }
0xed: {  	s1 =	sld [smem:$0x7E9]  }
0xee: {  	[sflag:s7] =	ssyncset.done $0x0  }
0xef: {  	[sflag:s7] =	ssyncadd.s32 $0xFFFF6000  }
0xf0: {  	[tilespmem:s5], [sflag:$0x2] =	stream.indirect.gather [hbm4b:s1+s11], $0x10, s11, s11, $0xb8;
	[tilespmem:$0x15400] =	vst v63  }
0xf1: {  	_ =	swait.ge [sflag:s15], $0xA000  }
0xf2: {  	s0 =	sld [smem:$0x7EA]  }
0xf3: {  	[sflag:s15] =	ssyncset.done $0x0  }
0xf4: {  	s1 =	sld [smem:$0x7EB];
	[sflag:s15] =	ssyncadd.s32 $0xFFFF6000  }
0xf5: {  	[hbm4b:s0+s8] =	stream.strided.scatter [tilespmem:s9], [sflag:$0x3], $0xA000, s10, s8, $0x38;
	[tilespmem:$0x15400] =	vst v63  }
0xf6: {  	_ = 	snop  }
0xf7: {  	[tilespmem:s2], [sflag:$0x4] =	stream.linear.gather [hbm4b:s1+s2], $0xA00, $0x38;
	[tilespmem:$0x15400] =	vst v63  }
0xf8: {  	_ =	swait.ge [sflag:s14], $0xA00  }
0xf9: {  	[sflag:s14] =	ssyncset.done $0x0  }
0xfa: {  	[sflag:s14] =	ssyncadd.s32 $0xFFFFF600  }
0xfb: {  	_ =	swait.ge [sflag:s7], $0xA000  }
0xfc: {  	s1 =	sld [smem:$0x7EC]  }
0xfd: {  	[sflag:s7] =	ssyncset.done $0x0  }
0xfe: {  	[sflag:s7] =	ssyncadd.s32 $0xFFFF6000  }
0xff: {  	[tilespmem:s9], [sflag:$0x1] =	stream.indirect.gather [hbm4b:s1+s11], $0x10, s2, s11, $0xb8;
	[tilespmem:$0x15400] =	vst v63  }
0x100: {  	_ =	swait.ge [sflag:s16], $0xA000  }
0x101: {  	s0 =	sld [smem:$0x7ED]  }
0x102: {  	[sflag:s16] =	ssyncset.done $0x0  }
0x103: {  	s1 =	sld [smem:$0x7EE];
	[sflag:s16] =	ssyncadd.s32 $0xFFFF6000  }
0x104: {  	[hbm4b:s0+s8] =	stream.strided.scatter [tilespmem:s5], [sflag:$0x3], $0xA000, s10, s8, $0x38;
	[tilespmem:$0x15400] =	vst v63  }
0x105: {  	_ = 	snop  }
0x106: {  	[tilespmem:s11], [sflag:$0x4] =	stream.linear.gather [hbm4b:s1+s2], $0xA00, $0x38;
	[tilespmem:$0x15400] =	vst v63  }
0x107: {  	_ =	swait.ge [sflag:s14], $0xA00  }
0x108: {  	[sflag:s14] =	ssyncset.done $0x0  }
0x109: {  	[sflag:s14] =	ssyncadd.s32 $0xFFFFF600  }
0x10a: {  	_ =	swait.ge [sflag:s7], $0xA000  }
0x10b: {  	s1 =	sld [smem:$0x7EF]  }
0x10c: {  	[sflag:s7] =	ssyncset.done $0x0  }
0x10d: {  	[sflag:s7] =	ssyncadd.s32 $0xFFFF6000  }
0x10e: {  	[tilespmem:s5], [sflag:$0x2] =	stream.indirect.gather [hbm4b:s1+s11], $0x10, s11, s11, $0xb8;
	[tilespmem:$0x15400] =	vst v63  }
0x10f: {  	_ =	swait.ge [sflag:s15], $0xA000  }
0x110: {  	s0 =	sld [smem:$0x7F0]  }
0x111: {  	[sflag:s15] =	ssyncset.done $0x0  }
0x112: {  	s1 =	sld [smem:$0x7F1];
	[sflag:s15] =	ssyncadd.s32 $0xFFFF6000  }
0x113: {  	[hbm4b:s0+s8] =	stream.strided.scatter [tilespmem:s9], [sflag:$0x3], $0xA000, s10, s8, $0x38;
	[tilespmem:$0x15400] =	vst v63  }
0x114: {  	_ = 	snop  }
0x115: {  	[tilespmem:s2], [sflag:$0x4] =	stream.linear.gather [hbm4b:s1+s2], $0xA00, $0x38;
	[tilespmem:$0x15400] =	vst v63  }
0x116: {  	_ =	swait.ge [sflag:s14], $0xA00  }
0x117: {  	[sflag:s14] =	ssyncset.done $0x0  }
0x118: {  	[sflag:s14] =	ssyncadd.s32 $0xFFFFF600  }
0x119: {  	_ =	swait.ge [sflag:s7], $0xA000  }
0x11a: {  	s1 =	sld [smem:$0x7F2]  }
0x11b: {  	[sflag:s7] =	ssyncset.done $0x0  }
0x11c: {  	[sflag:s7] =	ssyncadd.s32 $0xFFFF6000  }
0x11d: {  	[tilespmem:s9], [sflag:$0x1] =	stream.indirect.gather [hbm4b:s1+s11], $0x10, s2, s11, $0xb8;
	[tilespmem:$0x15400] =	vst v63  }
0x11e: {  	_ =	swait.ge [sflag:s16], $0xA000  }
0x11f: {  	s0 =	sld [smem:$0x7F3]  }
0x120: {  	[sflag:s16] =	ssyncset.done $0x0  }
0x121: {  	s1 =	sld [smem:$0x7F4];
	[sflag:s16] =	ssyncadd.s32 $0xFFFF6000  }
0x122: {  	[hbm4b:s0+s8] =	stream.strided.scatter [tilespmem:s5], [sflag:$0x3], $0xA000, s10, s8, $0x38;
	[tilespmem:$0x15400] =	vst v63  }
0x123: {  	_ = 	snop  }
0x124: {  	[tilespmem:s11], [sflag:$0x4] =	stream.linear.gather [hbm4b:s1+s2], $0xA00, $0x38;
	[tilespmem:$0x15400] =	vst v63  }
0x125: {  	_ =	swait.ge [sflag:s14], $0xA00  }
0x126: {  	[sflag:s14] =	ssyncset.done $0x0  }
0x127: {  	[sflag:s14] =	ssyncadd.s32 $0xFFFFF600  }
0x128: {  	_ =	swait.ge [sflag:s7], $0xA000  }
0x129: {  	s1 =	sld [smem:$0x7F5]  }
0x12a: {  	[sflag:s7] =	ssyncset.done $0x0  }
0x12b: {  	[sflag:s7] =	ssyncadd.s32 $0xFFFF6000  }
0x12c: {  	[tilespmem:s5], [sflag:$0x2] =	stream.indirect.gather [hbm4b:s1+s11], $0x10, s11, s11, $0xb8;
	[tilespmem:$0x15400] =	vst v63  }
0x12d: {  	_ =	swait.ge [sflag:s15], $0xA000  }
0x12e: {  	s0 =	sld [smem:$0x7F6]  }
0x12f: {  	[sflag:s15] =	ssyncset.done $0x0  }
0x130: {  	s1 =	sld [smem:$0x7F7];
	[sflag:s15] =	ssyncadd.s32 $0xFFFF6000  }
0x131: {  	[hbm4b:s0+s8] =	stream.strided.scatter [tilespmem:s9], [sflag:$0x3], $0xA000, s10, s8, $0x38;
	[tilespmem:$0x15400] =	vst v63  }
0x132: {  	_ = 	snop  }
0x133: {  	[tilespmem:s2], [sflag:$0x4] =	stream.linear.gather [hbm4b:s1+s2], $0xA00, $0x38;
	[tilespmem:$0x15400] =	vst v63  }
0x134: {  	_ =	swait.ge [sflag:s14], $0xA00  }
0x135: {  	[sflag:s14] =	ssyncset.done $0x0  }
0x136: {  	[sflag:s14] =	ssyncadd.s32 $0xFFFFF600  }
0x137: {  	_ =	swait.ge [sflag:s7], $0xA000  }
0x138: {  	s1 =	sld [smem:$0x7F8]  }
0x139: {  	[sflag:s7] =	ssyncset.done $0x0  }
0x13a: {  	[sflag:s7] =	ssyncadd.s32 $0xFFFF6000  }
0x13b: {  	[tilespmem:s9], [sflag:$0x1] =	stream.indirect.gather [hbm4b:s1+s11], $0x10, s2, s11, $0xb8;
	[tilespmem:$0x15400] =	vst v63  }
0x13c: {  	_ =	swait.ge [sflag:s16], $0xA000  }
0x13d: {  	s0 =	sld [smem:$0x7F9]  }
0x13e: {  	[sflag:s16] =	ssyncset.done $0x0  }
0x13f: {  	s1 =	sld [smem:$0x7FA];
	[sflag:s16] =	ssyncadd.s32 $0xFFFF6000  }
0x140: {  	[hbm4b:s0+s8] =	stream.strided.scatter [tilespmem:s5], [sflag:$0x3], $0xA000, s10, s8, $0x38;
	[tilespmem:$0x15400] =	vst v63  }
0x141: {  	_ = 	snop  }
0x142: {  	[tilespmem:s11], [sflag:$0x4] =	stream.linear.gather [hbm4b:s1+s2], $0xA00, $0x38;
	[tilespmem:$0x15400] =	vst v63  }
0x143: {  	_ =	swait.ge [sflag:s14], $0xA00  }
0x144: {  	[sflag:s14] =	ssyncset.done $0x0  }
0x145: {  	[sflag:s14] =	ssyncadd.s32 $0xFFFFF600  }
0x146: {  	_ =	swait.ge [sflag:s7], $0xA000  }
0x147: {  	s1 =	sld [smem:$0x7FB]  }
0x148: {  	[sflag:s7] =	ssyncset.done $0x0  }
0x149: {  	[sflag:s7] =	ssyncadd.s32 $0xFFFF6000  }
0x14a: {  	[tilespmem:s5], [sflag:$0x2] =	stream.indirect.gather [hbm4b:s1+s11], $0x10, s11, s11, $0xb8;
	[tilespmem:$0x15400] =	vst v63  }
0x14b: {  	_ =	swait.ge [sflag:s15], $0xA000  }
0x14c: {  	s0 =	sld [smem:$0x7FC]  }
0x14d: {  	[sflag:s15] =	ssyncset.done $0x0  }
0x14e: {  	s1 =	sld [smem:$0x7FD];
	[sflag:s15] =	ssyncadd.s32 $0xFFFF6000  }
0x14f: {  	[hbm4b:s0+s8] =	stream.strided.scatter [tilespmem:s9], [sflag:$0x3], $0xA000, s10, s8, $0x38;
	[tilespmem:$0x15400] =	vst v63  }
0x150: {  	_ = 	snop  }
0x151: {  	[tilespmem:s2], [sflag:$0x4] =	stream.linear.gather [hbm4b:s1+s2], $0xA00, $0x38;
	[tilespmem:$0x15400] =	vst v63  }
0x152: {  	_ =	swait.ge [sflag:s14], $0xA00  }
0x153: {  	[sflag:s14] =	ssyncset.done $0x0  }
0x154: {  	[sflag:s14] =	ssyncadd.s32 $0xFFFFF600  }
0x155: {  	_ =	swait.ge [sflag:s7], $0xA000  }
0x156: {  	[sflag:s7] =	ssyncset.done $0x0  }
0x157: {  	[sflag:s7] =	ssyncadd.s32 $0xFFFF6000  }
0x158: {  	[tilespmem:s9], [sflag:$0x1] =	stream.indirect.gather [hbm4b:s30+s11], $0x10, s2, s11, $0xb8;
	[tilespmem:$0x15400] =	vst v63  }
0x159: {  	_ =	swait.ge [sflag:s16], $0xA000  }
0x15a: {  	[sflag:s16] =	ssyncset.done $0x0  }
0x15b: {  	[sflag:s16] =	ssyncadd.s32 $0xFFFF6000  }
0x15c: {  	[hbm4b:s28+s8] =	stream.strided.scatter [tilespmem:s5], [sflag:$0x3], $0xA000, s10, s8, $0x38;
	[tilespmem:$0x15400] =	vst v63  }
0x15d: {  	_ = 	snop  }
0x15e: {  	[tilespmem:s11], [sflag:$0x4] =	stream.linear.gather [hbm4b:s29+s2], $0xA00, $0x38;
	[tilespmem:$0x15400] =	vst v63  }
0x15f: {  	_ =	swait.ge [sflag:s14], $0xA00  }
0x160: {  	[sflag:s14] =	ssyncset.done $0x0  }
0x161: {  	[sflag:s14] =	ssyncadd.s32 $0xFFFFF600  }
0x162: {  	_ =	swait.ge [sflag:s7], $0xA000  }
0x163: {  	[sflag:s7] =	ssyncset.done $0x0  }
0x164: {  	[sflag:s7] =	ssyncadd.s32 $0xFFFF6000  }
0x165: {  	[tilespmem:s5], [sflag:$0x2] =	stream.indirect.gather [hbm4b:s25+s11], $0x10, s11, s11, $0xb8;
	[tilespmem:$0x15400] =	vst v63  }
0x166: {  	_ =	swait.ge [sflag:s15], $0xA000  }
0x167: {  	[sflag:s15] =	ssyncset.done $0x0  }
0x168: {  	[sflag:s15] =	ssyncadd.s32 $0xFFFF6000  }
0x169: {  	[hbm4b:s26+s8] =	stream.strided.scatter [tilespmem:s9], [sflag:$0x3], $0xA000, s10, s8, $0x38;
	[tilespmem:$0x15400] =	vst v63  }
0x16a: {  	_ = 	snop  }
0x16b: {  	[tilespmem:s2], [sflag:$0x4] =	stream.linear.gather [hbm4b:s24+s2], $0xA00, $0x38;
	[tilespmem:$0x15400] =	vst v63  }
0x16c: {  	_ =	swait.ge [sflag:s14], $0xA00  }
0x16d: {  	[sflag:s14] =	ssyncset.done $0x0  }
0x16e: {  	[sflag:s14] =	ssyncadd.s32 $0xFFFFF600  }
0x16f: {  	_ =	swait.ge [sflag:s7], $0xA000  }
0x170: {  	[sflag:s7] =	ssyncset.done $0x0  }
0x171: {  	[sflag:s7] =	ssyncadd.s32 $0xFFFF6000  }
0x172: {  	[tilespmem:s9], [sflag:$0x1] =	stream.indirect.gather [hbm4b:s23+s11], $0x10, s2, s11, $0xb8;
	[tilespmem:$0x15400] =	vst v63  }
0x173: {  	_ =	swait.ge [sflag:s16], $0xA000  }
0x174: {  	[sflag:s16] =	ssyncset.done $0x0  }
0x175: {  	[sflag:s16] =	ssyncadd.s32 $0xFFFF6000  }
0x176: {  	[hbm4b:s21+s8] =	stream.strided.scatter [tilespmem:s5], [sflag:$0x3], $0xA000, s10, s8, $0x38;
	[tilespmem:$0x15400] =	vst v63  }
0x177: {  	_ = 	snop  }
0x178: {  	[tilespmem:s11], [sflag:$0x4] =	stream.linear.gather [hbm4b:s22+s2], $0xA00, $0x38;
	[tilespmem:$0x15400] =	vst v63  }
0x179: {  	_ =	swait.ge [sflag:s14], $0xA00  }
0x17a: {  	[sflag:s14] =	ssyncset.done $0x0  }
0x17b: {  	[sflag:s14] =	ssyncadd.s32 $0xFFFFF600  }
0x17c: {  	_ =	swait.ge [sflag:s7], $0xA000  }
0x17d: {  	[sflag:s7] =	ssyncset.done $0x0  }
0x17e: {  	[sflag:s7] =	ssyncadd.s32 $0xFFFF6000  }
0x17f: {  	[tilespmem:s5], [sflag:$0x2] =	stream.indirect.gather [hbm4b:s20+s11], $0x10, s11, s11, $0xb8;
	[tilespmem:$0x15400] =	vst v63  }
0x180: {  	_ =	swait.ge [sflag:s15], $0xA000  }
0x181: {  	[sflag:s15] =	ssyncset.done $0x0  }
0x182: {  	[sflag:s15] =	ssyncadd.s32 $0xFFFF6000  }
0x183: {  	[hbm4b:s19+s8] =	stream.strided.scatter [tilespmem:s9], [sflag:$0x3], $0xA000, s10, s8, $0x38;
	[tilespmem:$0x15400] =	vst v63  }
0x184: {  	_ = 	snop  }
0x185: {  	[tilespmem:s2], [sflag:$0x4] =	stream.linear.gather [hbm4b:s18+s2], $0xA00, $0x38;
	[tilespmem:$0x15400] =	vst v63  }
0x186: {  	_ =	swait.ge [sflag:s14], $0xA00  }
0x187: {  	[sflag:s14] =	ssyncset.done $0x0  }
0x188: {  	[sflag:s14] =	ssyncadd.s32 $0xFFFFF600  }
0x189: {  	_ =	swait.ge [sflag:s7], $0xA000  }
0x18a: {  	[sflag:s7] =	ssyncset.done $0x0  }
0x18b: {  	[sflag:s7] =	ssyncadd.s32 $0xFFFF6000  }
0x18c: {  	[tilespmem:s9], [sflag:$0x1] =	stream.indirect.gather [hbm4b:s17+s11], $0x10, s2, s11, $0xb8;
	[tilespmem:$0x15400] =	vst v63  }
0x18d: {  	_ =	swait.ge [sflag:s16], $0xA000  }
0x18e: {  	[sflag:s16] =	ssyncset.done $0x0  }
0x18f: {  	[sflag:s16] =	ssyncadd.s32 $0xFFFF6000  }
0x190: {  	[hbm4b:s12+s8] =	stream.strided.scatter [tilespmem:s5], [sflag:$0x3], $0xA000, s10, s8, $0x38;
	[tilespmem:$0x15400] =	vst v63  }
0x191: {  	_ = 	snop  }
0x192: {  	[tilespmem:s11], [sflag:$0x4] =	stream.linear.gather [hbm4b:s13+s2], $0xA00, $0x38;
	[tilespmem:$0x15400] =	vst v63  }
0x193: {  	_ =	swait.ge [sflag:s14], $0xA00  }
0x194: {  	[sflag:s14] =	ssyncset.done $0x0  }
0x195: {  	[sflag:s14] =	ssyncadd.s32 $0xFFFFF600  }
0x196: {  	_ =	swait.ge [sflag:s7], $0xA000  }
0x197: {  	[sflag:s7] =	ssyncset.done $0x0  }
0x198: {  	[sflag:s7] =	ssyncadd.s32 $0xFFFF6000  }
0x199: {  	[tilespmem:s5], [sflag:$0x2] =	stream.indirect.gather [hbm4b:s6+s11], $0x10, s11, s11, $0xb8;
	[tilespmem:$0x15400] =	vst v63  }
0x19a: {  	_ =	swait.ge [sflag:s15], $0xA000  }
0x19b: {  	[sflag:s15] =	ssyncset.done $0x0  }
0x19c: {  	[sflag:s15] =	ssyncadd.s32 $0xFFFF6000  }
0x19d: {  	[hbm4b:s4+s8] =	stream.strided.scatter [tilespmem:s9], [sflag:$0x3], $0xA000, s10, s8, $0x38;
	[tilespmem:$0x15400] =	vst v63  }
0x19e: {  	_ =	swait.ge [sflag:s16], $0xA000  }
0x19f: {  	[sflag:s16] =	ssyncset.done $0x0  }
0x1a0: {  	[sflag:s16] =	ssyncadd.s32 $0xFFFF6000  }
0x1a1: {  	_ =	swait.ge [sflag:s7], $0xA000  }
0x1a2: {  	s1 =	sld [smem:$0x7DE];
	_ =	sdelay $0x2  }
0x1a3: {  	[sflag:s7] =	ssyncset.done $0x0;
	p1 =	sne.s32 s1, $0x1  }
.Ltmp1:
0x1a4: {  	[sflag:s7] =	ssyncadd.s32 $0xFFFF6000;
	(pc) =	sbr.rel @!p1 .LBB2_2-.Ltmp1, $4  }
0x1a5: {  	[hbm4b:s3+s8] =	stream.strided.scatter [tilespmem:s5], [sflag:$0x3], $0xA000, s10, s8, $0x38;
	[tilespmem:$0x15400] =	vst v63  }
0x1a6: {  	_ =	swait.ge [sflag:s7], $0xA000  }
0x1a7: {  	p0 =	por $0x1, $0x1;
	s0 =	rddreg [dreg:$0x4]  }
0x1a8: {  	s1 =	sadd.s32 $0xFFFFFFFF, s1;
	[sflag:s7] =	ssyncset.done $0x0;
	[smem:$0x7DF] =	sst s31  }
.LBB2_3:
0x1a9: {  	[sflag:s7] =	ssyncadd.s32 $0xFFFF6000;
	s31 =	smov.u32 s30;
	s30 =	smov.u32 s29  }
0x1aa: {  	s29 =	smov.u32 s28;
	s28 =	smov.u32 s26;
	s26 =	smov.u32 s25  }
0x1ab: {  	s25 =	smov.u32 s24;
	s24 =	smov.u32 s23;
	s23 =	smov.u32 s22  }
0x1ac: {  	s22 =	smov.u32 s21;
	s21 =	smov.u32 s20;
	s20 =	smov.u32 s19  }
0x1ad: {  	[tilespmem:s2], [sflag:$0x4] =	stream.linear.gather [hbm4b:s0+s2], $0xA00, $0x38;
	[tilespmem:$0x15400] =	vst v63  }
0x1ae: {  	s19 =	smov.u32 s18;
	s18 =	smov.u32 s17;
	_ =	swait.ge [sflag:s14], $0xA00  }
0x1af: {  	s17 =	smov.u32 s13;
	s13 =	smov.u32 s12;
	[sflag:s14] =	ssyncset.done $0x0  }
0x1b0: {  	s12 =	smov.u32 s6;
	s0 =	rddreg [dreg:$0x3];
	[sflag:s14] =	ssyncadd.s32 $0xFFFFF600  }
0x1b1: {  	[tilespmem:s9], [sflag:$0x1] =	stream.indirect.gather [hbm4b:s0+s11], $0x10, s2, s11, $0xb8;
	[tilespmem:$0x15400] =	vst v63  }
0x1b2: {  	s6 =	smov.u32 s4;
	s4 =	smov.u32 s3;
	s3 =	rddreg [dreg:$0x5]  }
0x1b3: {  	[tilespmem:s11], [sflag:$0x4] =	stream.linear.gather [hbm4b:s3+s2], $0xA00, $0x38;
	[tilespmem:$0x15400] =	vst v63  }
0x1b4: {  	_ =	swait.ge [sflag:s14], $0xA00  }
0x1b5: {  	[sflag:s14] =	ssyncset.done $0x0  }
0x1b6: {  	s3 =	rddreg [dreg:$0x6];
	[sflag:s14] =	ssyncadd.s32 $0xFFFFF600  }
0x1b7: {  	[tilespmem:s5], [sflag:$0x2] =	stream.indirect.gather [hbm4b:s3+s11], $0x10, s11, s11, $0xb8;
	[tilespmem:$0x15400] =	vst v63  }
0x1b8: {  	_ =	swait.ge [sflag:s15], $0xA000  }
0x1b9: {  	s3 =	sld [smem:$0x7DF]  }
0x1ba: {  	[sflag:s15] =	ssyncset.done $0x0  }
0x1bb: {  	[sflag:s15] =	ssyncadd.s32 $0xFFFF6000  }
0x1bc: {  	[hbm4b:s3+s8] =	stream.strided.scatter [tilespmem:s9], [sflag:$0x3], $0xA000, s10, s8, $0x38;
	[tilespmem:$0x15400] =	vst v63  }
0x1bd: {  	s0 =	rddreg [dreg:$0x7]  }
0x1be: {  	[tilespmem:s2], [sflag:$0x4] =	stream.linear.gather [hbm4b:s0+s2], $0xA00, $0x38;
	[tilespmem:$0x15400] =	vst v63  }
0x1bf: {  	_ =	swait.ge [sflag:s14], $0xA00  }
0x1c0: {  	[sflag:s14] =	ssyncset.done $0x0  }
0x1c1: {  	[sflag:s14] =	ssyncadd.s32 $0xFFFFF600  }
0x1c2: {  	_ =	swait.ge [sflag:s7], $0xA000  }
0x1c3: {  	[sflag:s7] =	ssyncset.done $0x0  }
0x1c4: {  	s3 =	rddreg [dreg:$0x8];
	[sflag:s7] =	ssyncadd.s32 $0xFFFF6000  }
0x1c5: {  	[tilespmem:s9], [sflag:$0x1] =	stream.indirect.gather [hbm4b:s3+s11], $0x10, s2, s11, $0xb8;
	[tilespmem:$0x15400] =	vst v63  }
0x1c6: {  	_ =	swait.ge [sflag:s16], $0xA000  }
0x1c7: {  	[sflag:s16] =	ssyncset.done $0x0  }
0x1c8: {  	s0 =	rddreg [dreg:$0x9];
	[sflag:s16] =	ssyncadd.s32 $0xFFFF6000  }
0x1c9: {  	[hbm4b:s0+s8] =	stream.strided.scatter [tilespmem:s5], [sflag:$0x3], $0xA000, s10, s8, $0x38;
	[tilespmem:$0x15400] =	vst v63  }
0x1ca: {  	s3 =	rddreg [dreg:$0xa]  }
0x1cb: {  	[tilespmem:s11], [sflag:$0x4] =	stream.linear.gather [hbm4b:s3+s2], $0xA00, $0x38;
	[tilespmem:$0x15400] =	vst v63  }
0x1cc: {  	_ =	swait.ge [sflag:s14], $0xA00  }
0x1cd: {  	[sflag:s14] =	ssyncset.done $0x0  }
0x1ce: {  	[sflag:s14] =	ssyncadd.s32 $0xFFFFF600  }
0x1cf: {  	_ =	swait.ge [sflag:s7], $0xA000  }
0x1d0: {  	[sflag:s7] =	ssyncset.done $0x0  }
0x1d1: {  	s3 =	rddreg [dreg:$0xb];
	[sflag:s7] =	ssyncadd.s32 $0xFFFF6000  }
0x1d2: {  	[tilespmem:s5], [sflag:$0x2] =	stream.indirect.gather [hbm4b:s3+s11], $0x10, s11, s11, $0xb8;
	[tilespmem:$0x15400] =	vst v63  }
0x1d3: {  	_ =	swait.ge [sflag:s15], $0xA000  }
0x1d4: {  	[sflag:s15] =	ssyncset.done $0x0  }
0x1d5: {  	s0 =	rddreg [dreg:$0xc];
	[sflag:s15] =	ssyncadd.s32 $0xFFFF6000  }
0x1d6: {  	[hbm4b:s0+s8] =	stream.strided.scatter [tilespmem:s9], [sflag:$0x3], $0xA000, s10, s8, $0x38;
	[tilespmem:$0x15400] =	vst v63  }
0x1d7: {  	s3 =	rddreg [dreg:$0xd]  }
0x1d8: {  	[tilespmem:s2], [sflag:$0x4] =	stream.linear.gather [hbm4b:s3+s2], $0xA00, $0x38;
	[tilespmem:$0x15400] =	vst v63  }
0x1d9: {  	_ =	swait.ge [sflag:s14], $0xA00  }
0x1da: {  	[sflag:s14] =	ssyncset.done $0x0  }
0x1db: {  	[sflag:s14] =	ssyncadd.s32 $0xFFFFF600  }
0x1dc: {  	_ =	swait.ge [sflag:s7], $0xA000  }
0x1dd: {  	[sflag:s7] =	ssyncset.done $0x0  }
0x1de: {  	s3 =	rddreg [dreg:$0xe];
	[sflag:s7] =	ssyncadd.s32 $0xFFFF6000  }
0x1df: {  	[tilespmem:s9], [sflag:$0x1] =	stream.indirect.gather [hbm4b:s3+s11], $0x10, s2, s11, $0xb8;
	[tilespmem:$0x15400] =	vst v63  }
0x1e0: {  	_ =	swait.ge [sflag:s16], $0xA000  }
0x1e1: {  	[sflag:s16] =	ssyncset.done $0x0  }
0x1e2: {  	s0 =	rddreg [dreg:$0xf];
	[sflag:s16] =	ssyncadd.s32 $0xFFFF6000  }
0x1e3: {  	[hbm4b:s0+s8] =	stream.strided.scatter [tilespmem:s5], [sflag:$0x3], $0xA000, s10, s8, $0x38;
	[tilespmem:$0x15400] =	vst v63  }
0x1e4: {  	s3 =	rddreg [dreg:$0x10]  }
0x1e5: {  	[tilespmem:s11], [sflag:$0x4] =	stream.linear.gather [hbm4b:s3+s2], $0xA00, $0x38;
	[tilespmem:$0x15400] =	vst v63  }
0x1e6: {  	_ =	swait.ge [sflag:s14], $0xA00  }
0x1e7: {  	[sflag:s14] =	ssyncset.done $0x0  }
0x1e8: {  	[sflag:s14] =	ssyncadd.s32 $0xFFFFF600  }
0x1e9: {  	_ =	swait.ge [sflag:s7], $0xA000  }
0x1ea: {  	[sflag:s7] =	ssyncset.done $0x0  }
0x1eb: {  	s3 =	rddreg [dreg:$0x11];
	[sflag:s7] =	ssyncadd.s32 $0xFFFF6000  }
0x1ec: {  	[tilespmem:s5], [sflag:$0x2] =	stream.indirect.gather [hbm4b:s3+s11], $0x10, s11, s11, $0xb8;
	[tilespmem:$0x15400] =	vst v63  }
0x1ed: {  	_ =	swait.ge [sflag:s15], $0xA000  }
0x1ee: {  	[sflag:s15] =	ssyncset.done $0x0  }
0x1ef: {  	s0 =	rddreg [dreg:$0x12];
	[sflag:s15] =	ssyncadd.s32 $0xFFFF6000  }
0x1f0: {  	[hbm4b:s0+s8] =	stream.strided.scatter [tilespmem:s9], [sflag:$0x3], $0xA000, s10, s8, $0x38;
	[tilespmem:$0x15400] =	vst v63  }
0x1f1: {  	s3 =	rddreg [dreg:$0x13]  }
0x1f2: {  	[tilespmem:s2], [sflag:$0x4] =	stream.linear.gather [hbm4b:s3+s2], $0xA00, $0x38;
	[tilespmem:$0x15400] =	vst v63  }
0x1f3: {  	_ =	swait.ge [sflag:s14], $0xA00  }
0x1f4: {  	[sflag:s14] =	ssyncset.done $0x0  }
0x1f5: {  	[sflag:s14] =	ssyncadd.s32 $0xFFFFF600  }
0x1f6: {  	_ =	swait.ge [sflag:s7], $0xA000  }
0x1f7: {  	[sflag:s7] =	ssyncset.done $0x0  }
0x1f8: {  	s3 =	rddreg [dreg:$0x14];
	[sflag:s7] =	ssyncadd.s32 $0xFFFF6000  }
0x1f9: {  	[tilespmem:s9], [sflag:$0x1] =	stream.indirect.gather [hbm4b:s3+s11], $0x10, s2, s11, $0xb8;
	[tilespmem:$0x15400] =	vst v63  }
0x1fa: {  	_ =	swait.ge [sflag:s16], $0xA000  }
0x1fb: {  	[sflag:s16] =	ssyncset.done $0x0  }
0x1fc: {  	s0 =	rddreg [dreg:$0x15];
	[sflag:s16] =	ssyncadd.s32 $0xFFFF6000  }
0x1fd: {  	[hbm4b:s0+s8] =	stream.strided.scatter [tilespmem:s5], [sflag:$0x3], $0xA000, s10, s8, $0x38;
	[tilespmem:$0x15400] =	vst v63  }
0x1fe: {  	s3 =	rddreg [dreg:$0x16]  }
0x1ff: {  	[tilespmem:s11], [sflag:$0x4] =	stream.linear.gather [hbm4b:s3+s2], $0xA00, $0x38;
	[tilespmem:$0x15400] =	vst v63  }
0x200: {  	_ =	swait.ge [sflag:s14], $0xA00  }
0x201: {  	[sflag:s14] =	ssyncset.done $0x0  }
0x202: {  	[sflag:s14] =	ssyncadd.s32 $0xFFFFF600  }
0x203: {  	_ =	swait.ge [sflag:s7], $0xA000  }
0x204: {  	[sflag:s7] =	ssyncset.done $0x0  }
0x205: {  	s3 =	rddreg [dreg:$0x17];
	[sflag:s7] =	ssyncadd.s32 $0xFFFF6000  }
0x206: {  	[tilespmem:s5], [sflag:$0x2] =	stream.indirect.gather [hbm4b:s3+s11], $0x10, s11, s11, $0xb8;
	[tilespmem:$0x15400] =	vst v63  }
0x207: {  	_ =	swait.ge [sflag:s15], $0xA000  }
0x208: {  	[sflag:s15] =	ssyncset.done $0x0  }
0x209: {  	s0 =	rddreg [dreg:$0x18];
	[sflag:s15] =	ssyncadd.s32 $0xFFFF6000  }
0x20a: {  	[hbm4b:s0+s8] =	stream.strided.scatter [tilespmem:s9], [sflag:$0x3], $0xA000, s10, s8, $0x38;
	[tilespmem:$0x15400] =	vst v63  }
0x20b: {  	s3 =	rddreg [dreg:$0x19]  }
0x20c: {  	[tilespmem:s2], [sflag:$0x4] =	stream.linear.gather [hbm4b:s3+s2], $0xA00, $0x38;
	[tilespmem:$0x15400] =	vst v63  }
0x20d: {  	_ =	swait.ge [sflag:s14], $0xA00  }
0x20e: {  	[sflag:s14] =	ssyncset.done $0x0  }
0x20f: {  	[sflag:s14] =	ssyncadd.s32 $0xFFFFF600  }
0x210: {  	_ =	swait.ge [sflag:s7], $0xA000  }
0x211: {  	[sflag:s7] =	ssyncset.done $0x0  }
0x212: {  	s3 =	rddreg [dreg:$0x1a];
	[sflag:s7] =	ssyncadd.s32 $0xFFFF6000  }
0x213: {  	[tilespmem:s9], [sflag:$0x1] =	stream.indirect.gather [hbm4b:s3+s11], $0x10, s2, s11, $0xb8;
	[tilespmem:$0x15400] =	vst v63  }
0x214: {  	_ =	swait.ge [sflag:s16], $0xA000  }
0x215: {  	[sflag:s16] =	ssyncset.done $0x0  }
0x216: {  	s0 =	rddreg [dreg:$0x1b];
	[sflag:s16] =	ssyncadd.s32 $0xFFFF6000  }
0x217: {  	[hbm4b:s0+s8] =	stream.strided.scatter [tilespmem:s5], [sflag:$0x3], $0xA000, s10, s8, $0x38;
	[tilespmem:$0x15400] =	vst v63  }
0x218: {  	s3 =	rddreg [dreg:$0x1c]  }
0x219: {  	[tilespmem:s11], [sflag:$0x4] =	stream.linear.gather [hbm4b:s3+s2], $0xA00, $0x38;
	[tilespmem:$0x15400] =	vst v63  }
0x21a: {  	_ =	swait.ge [sflag:s14], $0xA00  }
0x21b: {  	[sflag:s14] =	ssyncset.done $0x0  }
0x21c: {  	[sflag:s14] =	ssyncadd.s32 $0xFFFFF600  }
0x21d: {  	_ =	swait.ge [sflag:s7], $0xA000  }
0x21e: {  	[sflag:s7] =	ssyncset.done $0x0  }
0x21f: {  	s3 =	rddreg [dreg:$0x1d];
	[sflag:s7] =	ssyncadd.s32 $0xFFFF6000  }
0x220: {  	[tilespmem:s5], [sflag:$0x2] =	stream.indirect.gather [hbm4b:s3+s11], $0x10, s11, s11, $0xb8;
	[tilespmem:$0x15400] =	vst v63  }
0x221: {  	_ =	swait.ge [sflag:s15], $0xA000  }
0x222: {  	[sflag:s15] =	ssyncset.done $0x0  }
0x223: {  	s0 =	rddreg [dreg:$0x1e];
	[sflag:s15] =	ssyncadd.s32 $0xFFFF6000  }
0x224: {  	[hbm4b:s0+s8] =	stream.strided.scatter [tilespmem:s9], [sflag:$0x3], $0xA000, s10, s8, $0x38;
	[tilespmem:$0x15400] =	vst v63  }
0x225: {  	s3 =	rddreg [dreg:$0x1f]  }
0x226: {  	[tilespmem:s2], [sflag:$0x4] =	stream.linear.gather [hbm4b:s3+s2], $0xA00, $0x38;
	[tilespmem:$0x15400] =	vst v63  }
0x227: {  	_ =	swait.ge [sflag:s14], $0xA00  }
0x228: {  	[sflag:s14] =	ssyncset.done $0x0  }
0x229: {  	[sflag:s14] =	ssyncadd.s32 $0xFFFFF600  }
0x22a: {  	_ =	swait.ge [sflag:s7], $0xA000  }
0x22b: {  	s3 =	sld [smem:$0x7E0]  }
0x22c: {  	[sflag:s7] =	ssyncset.done $0x0  }
0x22d: {  	[sflag:s7] =	ssyncadd.s32 $0xFFFF6000  }
0x22e: {  	[tilespmem:s9], [sflag:$0x1] =	stream.indirect.gather [hbm4b:s3+s11], $0x10, s2, s11, $0xb8;
	[tilespmem:$0x15400] =	vst v63  }
0x22f: {  	_ =	swait.ge [sflag:s16], $0xA000  }
0x230: {  	s0 =	sld [smem:$0x7E1]  }
0x231: {  	[sflag:s16] =	ssyncset.done $0x0  }
0x232: {  	s3 =	sld [smem:$0x7E2];
	[sflag:s16] =	ssyncadd.s32 $0xFFFF6000  }
0x233: {  	[hbm4b:s0+s8] =	stream.strided.scatter [tilespmem:s5], [sflag:$0x3], $0xA000, s10, s8, $0x38;
	[tilespmem:$0x15400] =	vst v63  }
0x234: {  	_ = 	snop  }
0x235: {  	[tilespmem:s11], [sflag:$0x4] =	stream.linear.gather [hbm4b:s3+s2], $0xA00, $0x38;
	[tilespmem:$0x15400] =	vst v63  }
0x236: {  	_ =	swait.ge [sflag:s14], $0xA00  }
0x237: {  	[sflag:s14] =	ssyncset.done $0x0  }
0x238: {  	[sflag:s14] =	ssyncadd.s32 $0xFFFFF600  }
0x239: {  	_ =	swait.ge [sflag:s7], $0xA000  }
0x23a: {  	s3 =	sld [smem:$0x7E3]  }
0x23b: {  	[sflag:s7] =	ssyncset.done $0x0  }
0x23c: {  	[sflag:s7] =	ssyncadd.s32 $0xFFFF6000  }
0x23d: {  	[tilespmem:s5], [sflag:$0x2] =	stream.indirect.gather [hbm4b:s3+s11], $0x10, s11, s11, $0xb8;
	[tilespmem:$0x15400] =	vst v63  }
0x23e: {  	_ =	swait.ge [sflag:s15], $0xA000  }
0x23f: {  	s0 =	sld [smem:$0x7E4]  }
0x240: {  	[sflag:s15] =	ssyncset.done $0x0  }
0x241: {  	s3 =	sld [smem:$0x7E5];
	[sflag:s15] =	ssyncadd.s32 $0xFFFF6000  }
0x242: {  	[hbm4b:s0+s8] =	stream.strided.scatter [tilespmem:s9], [sflag:$0x3], $0xA000, s10, s8, $0x38;
	[tilespmem:$0x15400] =	vst v63  }
0x243: {  	_ = 	snop  }
0x244: {  	[tilespmem:s2], [sflag:$0x4] =	stream.linear.gather [hbm4b:s3+s2], $0xA00, $0x38;
	[tilespmem:$0x15400] =	vst v63  }
0x245: {  	_ =	swait.ge [sflag:s14], $0xA00  }
0x246: {  	[sflag:s14] =	ssyncset.done $0x0  }
0x247: {  	[sflag:s14] =	ssyncadd.s32 $0xFFFFF600  }
0x248: {  	_ =	swait.ge [sflag:s7], $0xA000  }
0x249: {  	s3 =	sld [smem:$0x7E6]  }
0x24a: {  	[sflag:s7] =	ssyncset.done $0x0  }
0x24b: {  	[sflag:s7] =	ssyncadd.s32 $0xFFFF6000  }
0x24c: {  	[tilespmem:s9], [sflag:$0x1] =	stream.indirect.gather [hbm4b:s3+s11], $0x10, s2, s11, $0xb8;
	[tilespmem:$0x15400] =	vst v63  }
0x24d: {  	_ =	swait.ge [sflag:s16], $0xA000  }
0x24e: {  	s0 =	sld [smem:$0x7E7]  }
0x24f: {  	[sflag:s16] =	ssyncset.done $0x0  }
0x250: {  	s3 =	sld [smem:$0x7E8];
	[sflag:s16] =	ssyncadd.s32 $0xFFFF6000  }
0x251: {  	[hbm4b:s0+s8] =	stream.strided.scatter [tilespmem:s5], [sflag:$0x3], $0xA000, s10, s8, $0x38;
	[tilespmem:$0x15400] =	vst v63  }
0x252: {  	_ = 	snop  }
0x253: {  	[tilespmem:s11], [sflag:$0x4] =	stream.linear.gather [hbm4b:s3+s2], $0xA00, $0x38;
	[tilespmem:$0x15400] =	vst v63  }
0x254: {  	_ =	swait.ge [sflag:s14], $0xA00  }
0x255: {  	[sflag:s14] =	ssyncset.done $0x0  }
0x256: {  	[sflag:s14] =	ssyncadd.s32 $0xFFFFF600  }
0x257: {  	_ =	swait.ge [sflag:s7], $0xA000  }
0x258: {  	s3 =	sld [smem:$0x7E9]  }
0x259: {  	[sflag:s7] =	ssyncset.done $0x0  }
0x25a: {  	[sflag:s7] =	ssyncadd.s32 $0xFFFF6000  }
0x25b: {  	[tilespmem:s5], [sflag:$0x2] =	stream.indirect.gather [hbm4b:s3+s11], $0x10, s11, s11, $0xb8;
	[tilespmem:$0x15400] =	vst v63  }
0x25c: {  	_ =	swait.ge [sflag:s15], $0xA000  }
0x25d: {  	s0 =	sld [smem:$0x7EA]  }
0x25e: {  	[sflag:s15] =	ssyncset.done $0x0  }
0x25f: {  	s3 =	sld [smem:$0x7EB];
	[sflag:s15] =	ssyncadd.s32 $0xFFFF6000  }
0x260: {  	[hbm4b:s0+s8] =	stream.strided.scatter [tilespmem:s9], [sflag:$0x3], $0xA000, s10, s8, $0x38;
	[tilespmem:$0x15400] =	vst v63  }
0x261: {  	_ = 	snop  }
0x262: {  	[tilespmem:s2], [sflag:$0x4] =	stream.linear.gather [hbm4b:s3+s2], $0xA00, $0x38;
	[tilespmem:$0x15400] =	vst v63  }
0x263: {  	_ =	swait.ge [sflag:s14], $0xA00  }
0x264: {  	[sflag:s14] =	ssyncset.done $0x0  }
0x265: {  	[sflag:s14] =	ssyncadd.s32 $0xFFFFF600  }
0x266: {  	_ =	swait.ge [sflag:s7], $0xA000  }
0x267: {  	s3 =	sld [smem:$0x7EC]  }
0x268: {  	[sflag:s7] =	ssyncset.done $0x0  }
0x269: {  	[sflag:s7] =	ssyncadd.s32 $0xFFFF6000  }
0x26a: {  	[tilespmem:s9], [sflag:$0x1] =	stream.indirect.gather [hbm4b:s3+s11], $0x10, s2, s11, $0xb8;
	[tilespmem:$0x15400] =	vst v63  }
0x26b: {  	_ =	swait.ge [sflag:s16], $0xA000  }
0x26c: {  	s0 =	sld [smem:$0x7ED]  }
0x26d: {  	[sflag:s16] =	ssyncset.done $0x0  }
0x26e: {  	s3 =	sld [smem:$0x7EE];
	[sflag:s16] =	ssyncadd.s32 $0xFFFF6000  }
0x26f: {  	[hbm4b:s0+s8] =	stream.strided.scatter [tilespmem:s5], [sflag:$0x3], $0xA000, s10, s8, $0x38;
	[tilespmem:$0x15400] =	vst v63  }
0x270: {  	_ = 	snop  }
0x271: {  	[tilespmem:s11], [sflag:$0x4] =	stream.linear.gather [hbm4b:s3+s2], $0xA00, $0x38;
	[tilespmem:$0x15400] =	vst v63  }
0x272: {  	_ =	swait.ge [sflag:s14], $0xA00  }
0x273: {  	[sflag:s14] =	ssyncset.done $0x0  }
0x274: {  	[sflag:s14] =	ssyncadd.s32 $0xFFFFF600  }
0x275: {  	_ =	swait.ge [sflag:s7], $0xA000  }
0x276: {  	s3 =	sld [smem:$0x7EF]  }
0x277: {  	[sflag:s7] =	ssyncset.done $0x0  }
0x278: {  	[sflag:s7] =	ssyncadd.s32 $0xFFFF6000  }
0x279: {  	[tilespmem:s5], [sflag:$0x2] =	stream.indirect.gather [hbm4b:s3+s11], $0x10, s11, s11, $0xb8;
	[tilespmem:$0x15400] =	vst v63  }
0x27a: {  	_ =	swait.ge [sflag:s15], $0xA000  }
0x27b: {  	s0 =	sld [smem:$0x7F0]  }
0x27c: {  	[sflag:s15] =	ssyncset.done $0x0  }
0x27d: {  	s3 =	sld [smem:$0x7F1];
	[sflag:s15] =	ssyncadd.s32 $0xFFFF6000  }
0x27e: {  	[hbm4b:s0+s8] =	stream.strided.scatter [tilespmem:s9], [sflag:$0x3], $0xA000, s10, s8, $0x38;
	[tilespmem:$0x15400] =	vst v63  }
0x27f: {  	_ = 	snop  }
0x280: {  	[tilespmem:s2], [sflag:$0x4] =	stream.linear.gather [hbm4b:s3+s2], $0xA00, $0x38;
	[tilespmem:$0x15400] =	vst v63  }
0x281: {  	_ =	swait.ge [sflag:s14], $0xA00  }
0x282: {  	[sflag:s14] =	ssyncset.done $0x0  }
0x283: {  	[sflag:s14] =	ssyncadd.s32 $0xFFFFF600  }
0x284: {  	_ =	swait.ge [sflag:s7], $0xA000  }
0x285: {  	s3 =	sld [smem:$0x7F2]  }
0x286: {  	[sflag:s7] =	ssyncset.done $0x0  }
0x287: {  	[sflag:s7] =	ssyncadd.s32 $0xFFFF6000  }
0x288: {  	[tilespmem:s9], [sflag:$0x1] =	stream.indirect.gather [hbm4b:s3+s11], $0x10, s2, s11, $0xb8;
	[tilespmem:$0x15400] =	vst v63  }
0x289: {  	_ =	swait.ge [sflag:s16], $0xA000  }
0x28a: {  	s0 =	sld [smem:$0x7F3]  }
0x28b: {  	[sflag:s16] =	ssyncset.done $0x0  }
0x28c: {  	s3 =	sld [smem:$0x7F4];
	[sflag:s16] =	ssyncadd.s32 $0xFFFF6000  }
0x28d: {  	[hbm4b:s0+s8] =	stream.strided.scatter [tilespmem:s5], [sflag:$0x3], $0xA000, s10, s8, $0x38;
	[tilespmem:$0x15400] =	vst v63  }
0x28e: {  	_ = 	snop  }
0x28f: {  	[tilespmem:s11], [sflag:$0x4] =	stream.linear.gather [hbm4b:s3+s2], $0xA00, $0x38;
	[tilespmem:$0x15400] =	vst v63  }
0x290: {  	_ =	swait.ge [sflag:s14], $0xA00  }
0x291: {  	[sflag:s14] =	ssyncset.done $0x0  }
0x292: {  	[sflag:s14] =	ssyncadd.s32 $0xFFFFF600  }
0x293: {  	_ =	swait.ge [sflag:s7], $0xA000  }
0x294: {  	s3 =	sld [smem:$0x7F5]  }
0x295: {  	[sflag:s7] =	ssyncset.done $0x0  }
0x296: {  	[sflag:s7] =	ssyncadd.s32 $0xFFFF6000  }
0x297: {  	[tilespmem:s5], [sflag:$0x2] =	stream.indirect.gather [hbm4b:s3+s11], $0x10, s11, s11, $0xb8;
	[tilespmem:$0x15400] =	vst v63  }
0x298: {  	_ =	swait.ge [sflag:s15], $0xA000  }
0x299: {  	s0 =	sld [smem:$0x7F6]  }
0x29a: {  	[sflag:s15] =	ssyncset.done $0x0  }
0x29b: {  	s3 =	sld [smem:$0x7F7];
	[sflag:s15] =	ssyncadd.s32 $0xFFFF6000  }
0x29c: {  	[hbm4b:s0+s8] =	stream.strided.scatter [tilespmem:s9], [sflag:$0x3], $0xA000, s10, s8, $0x38;
	[tilespmem:$0x15400] =	vst v63  }
0x29d: {  	_ = 	snop  }
0x29e: {  	[tilespmem:s2], [sflag:$0x4] =	stream.linear.gather [hbm4b:s3+s2], $0xA00, $0x38;
	[tilespmem:$0x15400] =	vst v63  }
0x29f: {  	_ =	swait.ge [sflag:s14], $0xA00  }
0x2a0: {  	[sflag:s14] =	ssyncset.done $0x0  }
0x2a1: {  	[sflag:s14] =	ssyncadd.s32 $0xFFFFF600  }
0x2a2: {  	_ =	swait.ge [sflag:s7], $0xA000  }
0x2a3: {  	s3 =	sld [smem:$0x7F8]  }
0x2a4: {  	[sflag:s7] =	ssyncset.done $0x0  }
0x2a5: {  	[sflag:s7] =	ssyncadd.s32 $0xFFFF6000  }
0x2a6: {  	[tilespmem:s9], [sflag:$0x1] =	stream.indirect.gather [hbm4b:s3+s11], $0x10, s2, s11, $0xb8;
	[tilespmem:$0x15400] =	vst v63  }
0x2a7: {  	_ =	swait.ge [sflag:s16], $0xA000  }
0x2a8: {  	s0 =	sld [smem:$0x7F9]  }
0x2a9: {  	[sflag:s16] =	ssyncset.done $0x0  }
0x2aa: {  	s3 =	sld [smem:$0x7FA];
	[sflag:s16] =	ssyncadd.s32 $0xFFFF6000  }
0x2ab: {  	[hbm4b:s0+s8] =	stream.strided.scatter [tilespmem:s5], [sflag:$0x3], $0xA000, s10, s8, $0x38;
	[tilespmem:$0x15400] =	vst v63  }
0x2ac: {  	_ = 	snop  }
0x2ad: {  	[tilespmem:s11], [sflag:$0x4] =	stream.linear.gather [hbm4b:s3+s2], $0xA00, $0x38;
	[tilespmem:$0x15400] =	vst v63  }
0x2ae: {  	_ =	swait.ge [sflag:s14], $0xA00  }
0x2af: {  	[sflag:s14] =	ssyncset.done $0x0  }
0x2b0: {  	[sflag:s14] =	ssyncadd.s32 $0xFFFFF600  }
0x2b1: {  	_ =	swait.ge [sflag:s7], $0xA000  }
0x2b2: {  	s3 =	sld [smem:$0x7FB]  }
0x2b3: {  	[sflag:s7] =	ssyncset.done $0x0  }
0x2b4: {  	[sflag:s7] =	ssyncadd.s32 $0xFFFF6000  }
0x2b5: {  	[tilespmem:s5], [sflag:$0x2] =	stream.indirect.gather [hbm4b:s3+s11], $0x10, s11, s11, $0xb8;
	[tilespmem:$0x15400] =	vst v63  }
0x2b6: {  	_ =	swait.ge [sflag:s15], $0xA000  }
0x2b7: {  	s0 =	sld [smem:$0x7FC]  }
0x2b8: {  	[sflag:s15] =	ssyncset.done $0x0  }
0x2b9: {  	s3 =	sld [smem:$0x7FD];
	[sflag:s15] =	ssyncadd.s32 $0xFFFF6000  }
0x2ba: {  	[hbm4b:s0+s8] =	stream.strided.scatter [tilespmem:s9], [sflag:$0x3], $0xA000, s10, s8, $0x38;
	[tilespmem:$0x15400] =	vst v63  }
0x2bb: {  	_ = 	snop  }
0x2bc: {  	[tilespmem:s2], [sflag:$0x4] =	stream.linear.gather [hbm4b:s3+s2], $0xA00, $0x38;
	[tilespmem:$0x15400] =	vst v63  }
0x2bd: {  	_ =	swait.ge [sflag:s14], $0xA00  }
0x2be: {  	s3 =	smov.u32 s4;
	s4 =	smov.u32 s6;
	[sflag:s14] =	ssyncset.done $0x0  }
0x2bf: {  	s6 =	smov.u32 s12;
	s12 =	smov.u32 s13;
	[sflag:s14] =	ssyncadd.s32 $0xFFFFF600  }
0x2c0: {  	s13 =	smov.u32 s17;
	s17 =	smov.u32 s18;
	_ =	swait.ge [sflag:s7], $0xA000  }
0x2c1: {  	s18 =	smov.u32 s19;
	s19 =	smov.u32 s20;
	[sflag:s7] =	ssyncset.done $0x0  }
0x2c2: {  	s20 =	smov.u32 s21;
	s21 =	smov.u32 s22;
	[sflag:s7] =	ssyncadd.s32 $0xFFFF6000  }
0x2c3: {  	[tilespmem:s9], [sflag:$0x1] =	stream.indirect.gather [hbm4b:s31+s11], $0x10, s2, s11, $0xb8;
	[tilespmem:$0x15400] =	vst v63  }
0x2c4: {  	s22 =	smov.u32 s23;
	s23 =	smov.u32 s24;
	_ =	swait.ge [sflag:s16], $0xA000  }
0x2c5: {  	s24 =	smov.u32 s25;
	s25 =	smov.u32 s26;
	[sflag:s16] =	ssyncset.done $0x0  }
0x2c6: {  	s26 =	smov.u32 s28;
	s28 =	smov.u32 s29;
	[sflag:s16] =	ssyncadd.s32 $0xFFFF6000  }
0x2c7: {  	[hbm4b:s28+s8] =	stream.strided.scatter [tilespmem:s5], [sflag:$0x3], $0xA000, s10, s8, $0x38;
	[tilespmem:$0x15400] =	vst v63  }
0x2c8: {  	s29 =	smov.u32 s30  }
0x2c9: {  	[tilespmem:s11], [sflag:$0x4] =	stream.linear.gather [hbm4b:s29+s2], $0xA00, $0x38;
	[tilespmem:$0x15400] =	vst v63  }
0x2ca: {  	_ =	swait.ge [sflag:s14], $0xA00  }
0x2cb: {  	[sflag:s14] =	ssyncset.done $0x0  }
0x2cc: {  	[sflag:s14] =	ssyncadd.s32 $0xFFFFF600  }
0x2cd: {  	_ =	swait.ge [sflag:s7], $0xA000  }
0x2ce: {  	[sflag:s7] =	ssyncset.done $0x0  }
0x2cf: {  	[sflag:s7] =	ssyncadd.s32 $0xFFFF6000  }
0x2d0: {  	[tilespmem:s5], [sflag:$0x2] =	stream.indirect.gather [hbm4b:s25+s11], $0x10, s11, s11, $0xb8;
	[tilespmem:$0x15400] =	vst v63  }
0x2d1: {  	_ =	swait.ge [sflag:s15], $0xA000  }
0x2d2: {  	[sflag:s15] =	ssyncset.done $0x0  }
0x2d3: {  	[sflag:s15] =	ssyncadd.s32 $0xFFFF6000  }
0x2d4: {  	[hbm4b:s26+s8] =	stream.strided.scatter [tilespmem:s9], [sflag:$0x3], $0xA000, s10, s8, $0x38;
	[tilespmem:$0x15400] =	vst v63  }
0x2d5: {  	_ = 	snop  }
0x2d6: {  	[tilespmem:s2], [sflag:$0x4] =	stream.linear.gather [hbm4b:s24+s2], $0xA00, $0x38;
	[tilespmem:$0x15400] =	vst v63  }
0x2d7: {  	_ =	swait.ge [sflag:s14], $0xA00  }
0x2d8: {  	[sflag:s14] =	ssyncset.done $0x0  }
0x2d9: {  	[sflag:s14] =	ssyncadd.s32 $0xFFFFF600  }
0x2da: {  	_ =	swait.ge [sflag:s7], $0xA000  }
0x2db: {  	[sflag:s7] =	ssyncset.done $0x0  }
0x2dc: {  	[sflag:s7] =	ssyncadd.s32 $0xFFFF6000  }
0x2dd: {  	[tilespmem:s9], [sflag:$0x1] =	stream.indirect.gather [hbm4b:s23+s11], $0x10, s2, s11, $0xb8;
	[tilespmem:$0x15400] =	vst v63  }
0x2de: {  	_ =	swait.ge [sflag:s16], $0xA000  }
0x2df: {  	[sflag:s16] =	ssyncset.done $0x0  }
0x2e0: {  	[sflag:s16] =	ssyncadd.s32 $0xFFFF6000  }
0x2e1: {  	[hbm4b:s21+s8] =	stream.strided.scatter [tilespmem:s5], [sflag:$0x3], $0xA000, s10, s8, $0x38;
	[tilespmem:$0x15400] =	vst v63  }
0x2e2: {  	_ = 	snop  }
0x2e3: {  	[tilespmem:s11], [sflag:$0x4] =	stream.linear.gather [hbm4b:s22+s2], $0xA00, $0x38;
	[tilespmem:$0x15400] =	vst v63  }
0x2e4: {  	_ =	swait.ge [sflag:s14], $0xA00  }
0x2e5: {  	[sflag:s14] =	ssyncset.done $0x0  }
0x2e6: {  	[sflag:s14] =	ssyncadd.s32 $0xFFFFF600  }
0x2e7: {  	_ =	swait.ge [sflag:s7], $0xA000  }
0x2e8: {  	[sflag:s7] =	ssyncset.done $0x0  }
0x2e9: {  	[sflag:s7] =	ssyncadd.s32 $0xFFFF6000  }
0x2ea: {  	[tilespmem:s5], [sflag:$0x2] =	stream.indirect.gather [hbm4b:s20+s11], $0x10, s11, s11, $0xb8;
	[tilespmem:$0x15400] =	vst v63  }
0x2eb: {  	_ =	swait.ge [sflag:s15], $0xA000  }
0x2ec: {  	[sflag:s15] =	ssyncset.done $0x0  }
0x2ed: {  	[sflag:s15] =	ssyncadd.s32 $0xFFFF6000  }
0x2ee: {  	[hbm4b:s19+s8] =	stream.strided.scatter [tilespmem:s9], [sflag:$0x3], $0xA000, s10, s8, $0x38;
	[tilespmem:$0x15400] =	vst v63  }
0x2ef: {  	_ = 	snop  }
0x2f0: {  	[tilespmem:s2], [sflag:$0x4] =	stream.linear.gather [hbm4b:s18+s2], $0xA00, $0x38;
	[tilespmem:$0x15400] =	vst v63  }
0x2f1: {  	_ =	swait.ge [sflag:s14], $0xA00  }
0x2f2: {  	[sflag:s14] =	ssyncset.done $0x0  }
0x2f3: {  	[sflag:s14] =	ssyncadd.s32 $0xFFFFF600  }
0x2f4: {  	_ =	swait.ge [sflag:s7], $0xA000  }
0x2f5: {  	[sflag:s7] =	ssyncset.done $0x0  }
0x2f6: {  	[sflag:s7] =	ssyncadd.s32 $0xFFFF6000  }
0x2f7: {  	[tilespmem:s9], [sflag:$0x1] =	stream.indirect.gather [hbm4b:s17+s11], $0x10, s2, s11, $0xb8;
	[tilespmem:$0x15400] =	vst v63  }
0x2f8: {  	_ =	swait.ge [sflag:s16], $0xA000  }
0x2f9: {  	[sflag:s16] =	ssyncset.done $0x0  }
0x2fa: {  	[sflag:s16] =	ssyncadd.s32 $0xFFFF6000  }
0x2fb: {  	[hbm4b:s12+s8] =	stream.strided.scatter [tilespmem:s5], [sflag:$0x3], $0xA000, s10, s8, $0x38;
	[tilespmem:$0x15400] =	vst v63  }
0x2fc: {  	_ = 	snop  }
0x2fd: {  	[tilespmem:s11], [sflag:$0x4] =	stream.linear.gather [hbm4b:s13+s2], $0xA00, $0x38;
	[tilespmem:$0x15400] =	vst v63  }
0x2fe: {  	_ =	swait.ge [sflag:s14], $0xA00  }
0x2ff: {  	[sflag:s14] =	ssyncset.done $0x0  }
0x300: {  	[sflag:s14] =	ssyncadd.s32 $0xFFFFF600  }
0x301: {  	_ =	swait.ge [sflag:s7], $0xA000  }
0x302: {  	[sflag:s7] =	ssyncset.done $0x0  }
0x303: {  	[sflag:s7] =	ssyncadd.s32 $0xFFFF6000  }
0x304: {  	[tilespmem:s5], [sflag:$0x2] =	stream.indirect.gather [hbm4b:s6+s11], $0x10, s11, s11, $0xb8;
	[tilespmem:$0x15400] =	vst v63  }
0x305: {  	_ =	swait.ge [sflag:s15], $0xA000  }
0x306: {  	[sflag:s15] =	ssyncset.done $0x0  }
0x307: {  	[sflag:s15] =	ssyncadd.s32 $0xFFFF6000  }
0x308: {  	[hbm4b:s4+s8] =	stream.strided.scatter [tilespmem:s9], [sflag:$0x3], $0xA000, s10, s8, $0x38;
	[tilespmem:$0x15400] =	vst v63  }
0x309: {  	_ =	swait.ge [sflag:s16], $0xA000  }
0x30a: {  	[sflag:s16] =	ssyncset.done $0x0  }
0x30b: {  	[sflag:s16] =	ssyncadd.s32 $0xFFFF6000  }
0x30c: {  	p1 =	sne.s32 s1, $0x1;
	_ =	swait.ge [sflag:s7], $0xA000  }
.Ltmp2:
0x30d: {  	[sflag:s7] =	ssyncset.done $0x0;
	(pc) =	sbr.rel @p1 .LBB2_3-.Ltmp2, $4  }
0x30e: {  	[sflag:s7] =	ssyncadd.s32 $0xFFFF6000  }
0x30f: {  	[hbm4b:s3+s8] =	stream.strided.scatter [tilespmem:s5], [sflag:$0x3], $0xA000, s10, s8, $0x38;
	[tilespmem:$0x15400] =	vst v63  }
0x310: {  	s1 =	sadd.s32 $0xFFFFFFFF, s1;
	_ =	swait.ge [sflag:s7], $0xA000  }
0x311: {  	s30 =	smov.u32 s31;
	s0 =	rddreg [dreg:$0x4];
	[sflag:s7] =	ssyncset.done $0x0  }
0x312: {  	s31 =	sld [smem:$0x7DF]  }
.LBB2_5:
0x313: {  	[sflag:s7] =	ssyncadd.s32 @p0 $0xFFFF6000  }
0x314: {  	[tilespmem:s2], [sflag:$0x4] =	stream.linear.gather [hbm4b:s0+s2], $0xA00, $0x38;
	[tilespmem:$0x15400] =	vst v63  }
0x315: {  	_ =	swait.ge [sflag:s14], $0xA00  }
0x316: {  	[sflag:s14] =	ssyncset.done $0x0  }
0x317: {  	s0 =	rddreg [dreg:$0x3];
	[sflag:s14] =	ssyncadd.s32 $0xFFFFF600  }
0x318: {  	[tilespmem:s9], [sflag:$0x1] =	stream.indirect.gather [hbm4b:s0+s11], $0x10, s2, s11, $0xb8;
	[tilespmem:$0x15400] =	vst v63  }
0x319: {  	s1 =	rddreg [dreg:$0x5]  }
0x31a: {  	[tilespmem:s11], [sflag:$0x4] =	stream.linear.gather [hbm4b:s1+s2], $0xA00, $0x38;
	[tilespmem:$0x15400] =	vst v63  }
0x31b: {  	_ =	swait.ge [sflag:s14], $0xA00  }
0x31c: {  	[sflag:s14] =	ssyncset.done $0x0  }
0x31d: {  	s1 =	rddreg [dreg:$0x6];
	[sflag:s14] =	ssyncadd.s32 $0xFFFFF600  }
0x31e: {  	[tilespmem:s5], [sflag:$0x2] =	stream.indirect.gather [hbm4b:s1+s11], $0x10, s11, s11, $0xb8;
	[tilespmem:$0x15400] =	vst v63  }
0x31f: {  	_ =	swait.ge [sflag:s15], $0xA000  }
0x320: {  	[sflag:s15] =	ssyncset.done $0x0  }
0x321: {  	[sflag:s15] =	ssyncadd.s32 $0xFFFF6000  }
0x322: {  	[hbm4b:s31+s8] =	stream.strided.scatter [tilespmem:s9], [sflag:$0x3], $0xA000, s10, s8, $0x38;
	[tilespmem:$0x15400] =	vst v63  }
0x323: {  	s1 =	rddreg [dreg:$0x7]  }
0x324: {  	[tilespmem:s2], [sflag:$0x4] =	stream.linear.gather [hbm4b:s1+s2], $0xA00, $0x38;
	[tilespmem:$0x15400] =	vst v63  }
0x325: {  	_ =	swait.ge [sflag:s14], $0xA00  }
0x326: {  	[sflag:s14] =	ssyncset.done $0x0  }
0x327: {  	[sflag:s14] =	ssyncadd.s32 $0xFFFFF600  }
0x328: {  	_ =	swait.ge [sflag:s7], $0xA000  }
0x329: {  	[sflag:s7] =	ssyncset.done $0x0  }
0x32a: {  	s31 =	rddreg [dreg:$0x8];
	[sflag:s7] =	ssyncadd.s32 $0xFFFF6000  }
0x32b: {  	[tilespmem:s9], [sflag:$0x1] =	stream.indirect.gather [hbm4b:s31+s11], $0x10, s2, s11, $0xb8;
	[tilespmem:$0x15400] =	vst v63  }
0x32c: {  	_ =	swait.ge [sflag:s16], $0xA000  }
0x32d: {  	[sflag:s16] =	ssyncset.done $0x0  }
0x32e: {  	s1 =	rddreg [dreg:$0x9];
	[sflag:s16] =	ssyncadd.s32 $0xFFFF6000  }
0x32f: {  	[hbm4b:s1+s8] =	stream.strided.scatter [tilespmem:s5], [sflag:$0x3], $0xA000, s10, s8, $0x38;
	[tilespmem:$0x15400] =	vst v63  }
0x330: {  	s31 =	rddreg [dreg:$0xa]  }
0x331: {  	[tilespmem:s11], [sflag:$0x4] =	stream.linear.gather [hbm4b:s31+s2], $0xA00, $0x38;
	[tilespmem:$0x15400] =	vst v63  }
0x332: {  	_ =	swait.ge [sflag:s14], $0xA00  }
0x333: {  	[sflag:s14] =	ssyncset.done $0x0  }
0x334: {  	[sflag:s14] =	ssyncadd.s32 $0xFFFFF600  }
0x335: {  	_ =	swait.ge [sflag:s7], $0xA000  }
0x336: {  	[sflag:s7] =	ssyncset.done $0x0  }
0x337: {  	s31 =	rddreg [dreg:$0xb];
	[sflag:s7] =	ssyncadd.s32 $0xFFFF6000  }
0x338: {  	[tilespmem:s5], [sflag:$0x2] =	stream.indirect.gather [hbm4b:s31+s11], $0x10, s11, s11, $0xb8;
	[tilespmem:$0x15400] =	vst v63  }
0x339: {  	_ =	swait.ge [sflag:s15], $0xA000  }
0x33a: {  	[sflag:s15] =	ssyncset.done $0x0  }
0x33b: {  	s1 =	rddreg [dreg:$0xc];
	[sflag:s15] =	ssyncadd.s32 $0xFFFF6000  }
0x33c: {  	[hbm4b:s1+s8] =	stream.strided.scatter [tilespmem:s9], [sflag:$0x3], $0xA000, s10, s8, $0x38;
	[tilespmem:$0x15400] =	vst v63  }
0x33d: {  	s31 =	rddreg [dreg:$0xd]  }
0x33e: {  	[tilespmem:s2], [sflag:$0x4] =	stream.linear.gather [hbm4b:s31+s2], $0xA00, $0x38;
	[tilespmem:$0x15400] =	vst v63  }
0x33f: {  	_ =	swait.ge [sflag:s14], $0xA00  }
0x340: {  	[sflag:s14] =	ssyncset.done $0x0  }
0x341: {  	[sflag:s14] =	ssyncadd.s32 $0xFFFFF600  }
0x342: {  	_ =	swait.ge [sflag:s7], $0xA000  }
0x343: {  	[sflag:s7] =	ssyncset.done $0x0  }
0x344: {  	s31 =	rddreg [dreg:$0xe];
	[sflag:s7] =	ssyncadd.s32 $0xFFFF6000  }
0x345: {  	[tilespmem:s9], [sflag:$0x1] =	stream.indirect.gather [hbm4b:s31+s11], $0x10, s2, s11, $0xb8;
	[tilespmem:$0x15400] =	vst v63  }
0x346: {  	_ =	swait.ge [sflag:s16], $0xA000  }
0x347: {  	[sflag:s16] =	ssyncset.done $0x0  }
0x348: {  	s1 =	rddreg [dreg:$0xf];
	[sflag:s16] =	ssyncadd.s32 $0xFFFF6000  }
0x349: {  	[hbm4b:s1+s8] =	stream.strided.scatter [tilespmem:s5], [sflag:$0x3], $0xA000, s10, s8, $0x38;
	[tilespmem:$0x15400] =	vst v63  }
0x34a: {  	s31 =	rddreg [dreg:$0x10]  }
0x34b: {  	[tilespmem:s11], [sflag:$0x4] =	stream.linear.gather [hbm4b:s31+s2], $0xA00, $0x38;
	[tilespmem:$0x15400] =	vst v63  }
0x34c: {  	_ =	swait.ge [sflag:s14], $0xA00  }
0x34d: {  	[sflag:s14] =	ssyncset.done $0x0  }
0x34e: {  	[sflag:s14] =	ssyncadd.s32 $0xFFFFF600  }
0x34f: {  	_ =	swait.ge [sflag:s7], $0xA000  }
0x350: {  	[sflag:s7] =	ssyncset.done $0x0  }
0x351: {  	s31 =	rddreg [dreg:$0x11];
	[sflag:s7] =	ssyncadd.s32 $0xFFFF6000  }
0x352: {  	[tilespmem:s5], [sflag:$0x2] =	stream.indirect.gather [hbm4b:s31+s11], $0x10, s11, s11, $0xb8;
	[tilespmem:$0x15400] =	vst v63  }
0x353: {  	_ =	swait.ge [sflag:s15], $0xA000  }
0x354: {  	[sflag:s15] =	ssyncset.done $0x0  }
0x355: {  	s1 =	rddreg [dreg:$0x12];
	[sflag:s15] =	ssyncadd.s32 $0xFFFF6000  }
0x356: {  	[hbm4b:s1+s8] =	stream.strided.scatter [tilespmem:s9], [sflag:$0x3], $0xA000, s10, s8, $0x38;
	[tilespmem:$0x15400] =	vst v63  }
0x357: {  	s31 =	rddreg [dreg:$0x13]  }
0x358: {  	[tilespmem:s2], [sflag:$0x4] =	stream.linear.gather [hbm4b:s31+s2], $0xA00, $0x38;
	[tilespmem:$0x15400] =	vst v63  }
0x359: {  	_ =	swait.ge [sflag:s14], $0xA00  }
0x35a: {  	[sflag:s14] =	ssyncset.done $0x0  }
0x35b: {  	[sflag:s14] =	ssyncadd.s32 $0xFFFFF600  }
0x35c: {  	_ =	swait.ge [sflag:s7], $0xA000  }
0x35d: {  	[sflag:s7] =	ssyncset.done $0x0  }
0x35e: {  	s31 =	rddreg [dreg:$0x14];
	[sflag:s7] =	ssyncadd.s32 $0xFFFF6000  }
0x35f: {  	[tilespmem:s9], [sflag:$0x1] =	stream.indirect.gather [hbm4b:s31+s11], $0x10, s2, s11, $0xb8;
	[tilespmem:$0x15400] =	vst v63  }
0x360: {  	_ =	swait.ge [sflag:s16], $0xA000  }
0x361: {  	[sflag:s16] =	ssyncset.done $0x0  }
0x362: {  	s1 =	rddreg [dreg:$0x15];
	[sflag:s16] =	ssyncadd.s32 $0xFFFF6000  }
0x363: {  	[hbm4b:s1+s8] =	stream.strided.scatter [tilespmem:s5], [sflag:$0x3], $0xA000, s10, s8, $0x38;
	[tilespmem:$0x15400] =	vst v63  }
0x364: {  	s31 =	rddreg [dreg:$0x16]  }
0x365: {  	[tilespmem:s11], [sflag:$0x4] =	stream.linear.gather [hbm4b:s31+s2], $0xA00, $0x38;
	[tilespmem:$0x15400] =	vst v63  }
0x366: {  	_ =	swait.ge [sflag:s14], $0xA00  }
0x367: {  	[sflag:s14] =	ssyncset.done $0x0  }
0x368: {  	[sflag:s14] =	ssyncadd.s32 $0xFFFFF600  }
0x369: {  	_ =	swait.ge [sflag:s7], $0xA000  }
0x36a: {  	[sflag:s7] =	ssyncset.done $0x0  }
0x36b: {  	s31 =	rddreg [dreg:$0x17];
	[sflag:s7] =	ssyncadd.s32 $0xFFFF6000  }
0x36c: {  	[tilespmem:s5], [sflag:$0x2] =	stream.indirect.gather [hbm4b:s31+s11], $0x10, s11, s11, $0xb8;
	[tilespmem:$0x15400] =	vst v63  }
0x36d: {  	_ =	swait.ge [sflag:s15], $0xA000  }
0x36e: {  	[sflag:s15] =	ssyncset.done $0x0  }
0x36f: {  	s1 =	rddreg [dreg:$0x18];
	[sflag:s15] =	ssyncadd.s32 $0xFFFF6000  }
0x370: {  	[hbm4b:s1+s8] =	stream.strided.scatter [tilespmem:s9], [sflag:$0x3], $0xA000, s10, s8, $0x38;
	[tilespmem:$0x15400] =	vst v63  }
0x371: {  	s31 =	rddreg [dreg:$0x19]  }
0x372: {  	[tilespmem:s2], [sflag:$0x4] =	stream.linear.gather [hbm4b:s31+s2], $0xA00, $0x38;
	[tilespmem:$0x15400] =	vst v63  }
0x373: {  	_ =	swait.ge [sflag:s14], $0xA00  }
0x374: {  	[sflag:s14] =	ssyncset.done $0x0  }
0x375: {  	[sflag:s14] =	ssyncadd.s32 $0xFFFFF600  }
0x376: {  	_ =	swait.ge [sflag:s7], $0xA000  }
0x377: {  	[sflag:s7] =	ssyncset.done $0x0  }
0x378: {  	s31 =	rddreg [dreg:$0x1a];
	[sflag:s7] =	ssyncadd.s32 $0xFFFF6000  }
0x379: {  	[tilespmem:s9], [sflag:$0x1] =	stream.indirect.gather [hbm4b:s31+s11], $0x10, s2, s11, $0xb8;
	[tilespmem:$0x15400] =	vst v63  }
0x37a: {  	_ =	swait.ge [sflag:s16], $0xA000  }
0x37b: {  	[sflag:s16] =	ssyncset.done $0x0  }
0x37c: {  	s1 =	rddreg [dreg:$0x1b];
	[sflag:s16] =	ssyncadd.s32 $0xFFFF6000  }
0x37d: {  	[hbm4b:s1+s8] =	stream.strided.scatter [tilespmem:s5], [sflag:$0x3], $0xA000, s10, s8, $0x38;
	[tilespmem:$0x15400] =	vst v63  }
0x37e: {  	s31 =	rddreg [dreg:$0x1c]  }
0x37f: {  	[tilespmem:s11], [sflag:$0x4] =	stream.linear.gather [hbm4b:s31+s2], $0xA00, $0x38;
	[tilespmem:$0x15400] =	vst v63  }
0x380: {  	_ =	swait.ge [sflag:s14], $0xA00  }
0x381: {  	[sflag:s14] =	ssyncset.done $0x0  }
0x382: {  	[sflag:s14] =	ssyncadd.s32 $0xFFFFF600  }
0x383: {  	_ =	swait.ge [sflag:s7], $0xA000  }
0x384: {  	[sflag:s7] =	ssyncset.done $0x0  }
0x385: {  	s31 =	rddreg [dreg:$0x1d];
	[sflag:s7] =	ssyncadd.s32 $0xFFFF6000  }
0x386: {  	[tilespmem:s5], [sflag:$0x2] =	stream.indirect.gather [hbm4b:s31+s11], $0x10, s11, s11, $0xb8;
	[tilespmem:$0x15400] =	vst v63  }
0x387: {  	_ =	swait.ge [sflag:s15], $0xA000  }
0x388: {  	[sflag:s15] =	ssyncset.done $0x0  }
0x389: {  	s1 =	rddreg [dreg:$0x1e];
	[sflag:s15] =	ssyncadd.s32 $0xFFFF6000  }
0x38a: {  	[hbm4b:s1+s8] =	stream.strided.scatter [tilespmem:s9], [sflag:$0x3], $0xA000, s10, s8, $0x38;
	[tilespmem:$0x15400] =	vst v63  }
0x38b: {  	s31 =	rddreg [dreg:$0x1f]  }
0x38c: {  	[tilespmem:s2], [sflag:$0x4] =	stream.linear.gather [hbm4b:s31+s2], $0xA00, $0x38;
	[tilespmem:$0x15400] =	vst v63  }
0x38d: {  	_ =	swait.ge [sflag:s14], $0xA00  }
0x38e: {  	[sflag:s14] =	ssyncset.done $0x0  }
0x38f: {  	[sflag:s14] =	ssyncadd.s32 $0xFFFFF600  }
0x390: {  	_ =	swait.ge [sflag:s7], $0xA000  }
0x391: {  	s31 =	sld [smem:$0x7E0]  }
0x392: {  	[sflag:s7] =	ssyncset.done $0x0  }
0x393: {  	[sflag:s7] =	ssyncadd.s32 $0xFFFF6000  }
0x394: {  	[tilespmem:s9], [sflag:$0x1] =	stream.indirect.gather [hbm4b:s31+s11], $0x10, s2, s11, $0xb8;
	[tilespmem:$0x15400] =	vst v63  }
0x395: {  	_ =	swait.ge [sflag:s16], $0xA000  }
0x396: {  	s1 =	sld [smem:$0x7E1]  }
0x397: {  	[sflag:s16] =	ssyncset.done $0x0  }
0x398: {  	s31 =	sld [smem:$0x7E2];
	[sflag:s16] =	ssyncadd.s32 $0xFFFF6000  }
0x399: {  	[hbm4b:s1+s8] =	stream.strided.scatter [tilespmem:s5], [sflag:$0x3], $0xA000, s10, s8, $0x38;
	[tilespmem:$0x15400] =	vst v63  }
0x39a: {  	_ = 	snop  }
0x39b: {  	[tilespmem:s11], [sflag:$0x4] =	stream.linear.gather [hbm4b:s31+s2], $0xA00, $0x38;
	[tilespmem:$0x15400] =	vst v63  }
0x39c: {  	_ =	swait.ge [sflag:s14], $0xA00  }
0x39d: {  	[sflag:s14] =	ssyncset.done $0x0  }
0x39e: {  	[sflag:s14] =	ssyncadd.s32 $0xFFFFF600  }
0x39f: {  	_ =	swait.ge [sflag:s7], $0xA000  }
0x3a0: {  	s31 =	sld [smem:$0x7E3]  }
0x3a1: {  	[sflag:s7] =	ssyncset.done $0x0  }
0x3a2: {  	[sflag:s7] =	ssyncadd.s32 $0xFFFF6000  }
0x3a3: {  	[tilespmem:s5], [sflag:$0x2] =	stream.indirect.gather [hbm4b:s31+s11], $0x10, s11, s11, $0xb8;
	[tilespmem:$0x15400] =	vst v63  }
0x3a4: {  	_ =	swait.ge [sflag:s15], $0xA000  }
0x3a5: {  	s1 =	sld [smem:$0x7E4]  }
0x3a6: {  	[sflag:s15] =	ssyncset.done $0x0  }
0x3a7: {  	s31 =	sld [smem:$0x7E5];
	[sflag:s15] =	ssyncadd.s32 $0xFFFF6000  }
0x3a8: {  	[hbm4b:s1+s8] =	stream.strided.scatter [tilespmem:s9], [sflag:$0x3], $0xA000, s10, s8, $0x38;
	[tilespmem:$0x15400] =	vst v63  }
0x3a9: {  	_ = 	snop  }
0x3aa: {  	[tilespmem:s2], [sflag:$0x4] =	stream.linear.gather [hbm4b:s31+s2], $0xA00, $0x38;
	[tilespmem:$0x15400] =	vst v63  }
0x3ab: {  	_ =	swait.ge [sflag:s14], $0xA00  }
0x3ac: {  	[sflag:s14] =	ssyncset.done $0x0  }
0x3ad: {  	[sflag:s14] =	ssyncadd.s32 $0xFFFFF600  }
0x3ae: {  	_ =	swait.ge [sflag:s7], $0xA000  }
0x3af: {  	s31 =	sld [smem:$0x7E6]  }
0x3b0: {  	[sflag:s7] =	ssyncset.done $0x0  }
0x3b1: {  	[sflag:s7] =	ssyncadd.s32 $0xFFFF6000  }
0x3b2: {  	[tilespmem:s9], [sflag:$0x1] =	stream.indirect.gather [hbm4b:s31+s11], $0x10, s2, s11, $0xb8;
	[tilespmem:$0x15400] =	vst v63  }
0x3b3: {  	_ =	swait.ge [sflag:s16], $0xA000  }
0x3b4: {  	s1 =	sld [smem:$0x7E7]  }
0x3b5: {  	[sflag:s16] =	ssyncset.done $0x0  }
0x3b6: {  	s31 =	sld [smem:$0x7E8];
	[sflag:s16] =	ssyncadd.s32 $0xFFFF6000  }
0x3b7: {  	[hbm4b:s1+s8] =	stream.strided.scatter [tilespmem:s5], [sflag:$0x3], $0xA000, s10, s8, $0x38;
	[tilespmem:$0x15400] =	vst v63  }
0x3b8: {  	_ = 	snop  }
0x3b9: {  	[tilespmem:s11], [sflag:$0x4] =	stream.linear.gather [hbm4b:s31+s2], $0xA00, $0x38;
	[tilespmem:$0x15400] =	vst v63  }
0x3ba: {  	_ =	swait.ge [sflag:s14], $0xA00  }
0x3bb: {  	[sflag:s14] =	ssyncset.done $0x0  }
0x3bc: {  	[sflag:s14] =	ssyncadd.s32 $0xFFFFF600  }
0x3bd: {  	_ =	swait.ge [sflag:s7], $0xA000  }
0x3be: {  	s31 =	sld [smem:$0x7E9]  }
0x3bf: {  	[sflag:s7] =	ssyncset.done $0x0  }
0x3c0: {  	[sflag:s7] =	ssyncadd.s32 $0xFFFF6000  }
0x3c1: {  	[tilespmem:s5], [sflag:$0x2] =	stream.indirect.gather [hbm4b:s31+s11], $0x10, s11, s11, $0xb8;
	[tilespmem:$0x15400] =	vst v63  }
0x3c2: {  	_ =	swait.ge [sflag:s15], $0xA000  }
0x3c3: {  	s1 =	sld [smem:$0x7EA]  }
0x3c4: {  	[sflag:s15] =	ssyncset.done $0x0  }
0x3c5: {  	s31 =	sld [smem:$0x7EB];
	[sflag:s15] =	ssyncadd.s32 $0xFFFF6000  }
0x3c6: {  	[hbm4b:s1+s8] =	stream.strided.scatter [tilespmem:s9], [sflag:$0x3], $0xA000, s10, s8, $0x38;
	[tilespmem:$0x15400] =	vst v63  }
0x3c7: {  	_ = 	snop  }
0x3c8: {  	[tilespmem:s2], [sflag:$0x4] =	stream.linear.gather [hbm4b:s31+s2], $0xA00, $0x38;
	[tilespmem:$0x15400] =	vst v63  }
0x3c9: {  	_ =	swait.ge [sflag:s14], $0xA00  }
0x3ca: {  	[sflag:s14] =	ssyncset.done $0x0  }
0x3cb: {  	[sflag:s14] =	ssyncadd.s32 $0xFFFFF600  }
0x3cc: {  	_ =	swait.ge [sflag:s7], $0xA000  }
0x3cd: {  	s31 =	sld [smem:$0x7EC]  }
0x3ce: {  	[sflag:s7] =	ssyncset.done $0x0  }
0x3cf: {  	[sflag:s7] =	ssyncadd.s32 $0xFFFF6000  }
0x3d0: {  	[tilespmem:s9], [sflag:$0x1] =	stream.indirect.gather [hbm4b:s31+s11], $0x10, s2, s11, $0xb8;
	[tilespmem:$0x15400] =	vst v63  }
0x3d1: {  	_ =	swait.ge [sflag:s16], $0xA000  }
0x3d2: {  	s1 =	sld [smem:$0x7ED]  }
0x3d3: {  	[sflag:s16] =	ssyncset.done $0x0  }
0x3d4: {  	s31 =	sld [smem:$0x7EE];
	[sflag:s16] =	ssyncadd.s32 $0xFFFF6000  }
0x3d5: {  	[hbm4b:s1+s8] =	stream.strided.scatter [tilespmem:s5], [sflag:$0x3], $0xA000, s10, s8, $0x38;
	[tilespmem:$0x15400] =	vst v63  }
0x3d6: {  	_ = 	snop  }
0x3d7: {  	[tilespmem:s11], [sflag:$0x4] =	stream.linear.gather [hbm4b:s31+s2], $0xA00, $0x38;
	[tilespmem:$0x15400] =	vst v63  }
0x3d8: {  	_ =	swait.ge [sflag:s14], $0xA00  }
0x3d9: {  	[sflag:s14] =	ssyncset.done $0x0  }
0x3da: {  	[sflag:s14] =	ssyncadd.s32 $0xFFFFF600  }
0x3db: {  	_ =	swait.ge [sflag:s7], $0xA000  }
0x3dc: {  	s31 =	sld [smem:$0x7EF]  }
0x3dd: {  	[sflag:s7] =	ssyncset.done $0x0  }
0x3de: {  	[sflag:s7] =	ssyncadd.s32 $0xFFFF6000  }
0x3df: {  	[tilespmem:s5], [sflag:$0x2] =	stream.indirect.gather [hbm4b:s31+s11], $0x10, s11, s11, $0xb8;
	[tilespmem:$0x15400] =	vst v63  }
0x3e0: {  	_ =	swait.ge [sflag:s15], $0xA000  }
0x3e1: {  	s1 =	sld [smem:$0x7F0]  }
0x3e2: {  	[sflag:s15] =	ssyncset.done $0x0  }
0x3e3: {  	s31 =	sld [smem:$0x7F1];
	[sflag:s15] =	ssyncadd.s32 $0xFFFF6000  }
0x3e4: {  	[hbm4b:s1+s8] =	stream.strided.scatter [tilespmem:s9], [sflag:$0x3], $0xA000, s10, s8, $0x38;
	[tilespmem:$0x15400] =	vst v63  }
0x3e5: {  	_ = 	snop  }
0x3e6: {  	[tilespmem:s2], [sflag:$0x4] =	stream.linear.gather [hbm4b:s31+s2], $0xA00, $0x38;
	[tilespmem:$0x15400] =	vst v63  }
0x3e7: {  	_ =	swait.ge [sflag:s14], $0xA00  }
0x3e8: {  	[sflag:s14] =	ssyncset.done $0x0  }
0x3e9: {  	[sflag:s14] =	ssyncadd.s32 $0xFFFFF600  }
0x3ea: {  	_ =	swait.ge [sflag:s7], $0xA000  }
0x3eb: {  	s31 =	sld [smem:$0x7F2]  }
0x3ec: {  	[sflag:s7] =	ssyncset.done $0x0  }
0x3ed: {  	[sflag:s7] =	ssyncadd.s32 $0xFFFF6000  }
0x3ee: {  	[tilespmem:s9], [sflag:$0x1] =	stream.indirect.gather [hbm4b:s31+s11], $0x10, s2, s11, $0xb8;
	[tilespmem:$0x15400] =	vst v63  }
0x3ef: {  	_ =	swait.ge [sflag:s16], $0xA000  }
0x3f0: {  	s1 =	sld [smem:$0x7F3]  }
0x3f1: {  	[sflag:s16] =	ssyncset.done $0x0  }
0x3f2: {  	s31 =	sld [smem:$0x7F4];
	[sflag:s16] =	ssyncadd.s32 $0xFFFF6000  }
0x3f3: {  	[hbm4b:s1+s8] =	stream.strided.scatter [tilespmem:s5], [sflag:$0x3], $0xA000, s10, s8, $0x38;
	[tilespmem:$0x15400] =	vst v63  }
0x3f4: {  	_ = 	snop  }
0x3f5: {  	[tilespmem:s11], [sflag:$0x4] =	stream.linear.gather [hbm4b:s31+s2], $0xA00, $0x38;
	[tilespmem:$0x15400] =	vst v63  }
0x3f6: {  	_ =	swait.ge [sflag:s14], $0xA00  }
0x3f7: {  	[sflag:s14] =	ssyncset.done $0x0  }
0x3f8: {  	[sflag:s14] =	ssyncadd.s32 $0xFFFFF600  }
0x3f9: {  	_ =	swait.ge [sflag:s7], $0xA000  }
0x3fa: {  	s31 =	sld [smem:$0x7F5]  }
0x3fb: {  	[sflag:s7] =	ssyncset.done $0x0  }
0x3fc: {  	[sflag:s7] =	ssyncadd.s32 $0xFFFF6000  }
0x3fd: {  	[tilespmem:s5], [sflag:$0x2] =	stream.indirect.gather [hbm4b:s31+s11], $0x10, s11, s11, $0xb8;
	[tilespmem:$0x15400] =	vst v63  }
0x3fe: {  	_ =	swait.ge [sflag:s15], $0xA000  }
0x3ff: {  	s1 =	sld [smem:$0x7F6]  }
0x400: {  	[sflag:s15] =	ssyncset.done $0x0  }
0x401: {  	s31 =	sld [smem:$0x7F7];
	[sflag:s15] =	ssyncadd.s32 $0xFFFF6000  }
0x402: {  	[hbm4b:s1+s8] =	stream.strided.scatter [tilespmem:s9], [sflag:$0x3], $0xA000, s10, s8, $0x38;
	[tilespmem:$0x15400] =	vst v63  }
0x403: {  	_ = 	snop  }
0x404: {  	[tilespmem:s2], [sflag:$0x4] =	stream.linear.gather [hbm4b:s31+s2], $0xA00, $0x38;
	[tilespmem:$0x15400] =	vst v63  }
0x405: {  	_ =	swait.ge [sflag:s14], $0xA00  }
0x406: {  	[sflag:s14] =	ssyncset.done $0x0  }
0x407: {  	[sflag:s14] =	ssyncadd.s32 $0xFFFFF600  }
0x408: {  	_ =	swait.ge [sflag:s7], $0xA000  }
0x409: {  	s31 =	sld [smem:$0x7F8]  }
0x40a: {  	[sflag:s7] =	ssyncset.done $0x0  }
0x40b: {  	[sflag:s7] =	ssyncadd.s32 $0xFFFF6000  }
0x40c: {  	[tilespmem:s9], [sflag:$0x1] =	stream.indirect.gather [hbm4b:s31+s11], $0x10, s2, s11, $0xb8;
	[tilespmem:$0x15400] =	vst v63  }
0x40d: {  	_ =	swait.ge [sflag:s16], $0xA000  }
0x40e: {  	s1 =	sld [smem:$0x7F9]  }
0x40f: {  	[sflag:s16] =	ssyncset.done $0x0  }
0x410: {  	s31 =	sld [smem:$0x7FA];
	[sflag:s16] =	ssyncadd.s32 $0xFFFF6000  }
0x411: {  	[hbm4b:s1+s8] =	stream.strided.scatter [tilespmem:s5], [sflag:$0x3], $0xA000, s10, s8, $0x38;
	[tilespmem:$0x15400] =	vst v63  }
0x412: {  	_ = 	snop  }
0x413: {  	[tilespmem:s11], [sflag:$0x4] =	stream.linear.gather [hbm4b:s31+s2], $0xA00, $0x38;
	[tilespmem:$0x15400] =	vst v63  }
0x414: {  	_ =	swait.ge [sflag:s14], $0xA00  }
0x415: {  	[sflag:s14] =	ssyncset.done $0x0  }
0x416: {  	[sflag:s14] =	ssyncadd.s32 $0xFFFFF600  }
0x417: {  	_ =	swait.ge [sflag:s7], $0xA000  }
0x418: {  	s31 =	sld [smem:$0x7FB]  }
0x419: {  	[sflag:s7] =	ssyncset.done $0x0  }
0x41a: {  	[sflag:s7] =	ssyncadd.s32 $0xFFFF6000  }
0x41b: {  	[tilespmem:s5], [sflag:$0x2] =	stream.indirect.gather [hbm4b:s31+s11], $0x10, s11, s11, $0xb8;
	[tilespmem:$0x15400] =	vst v63  }
0x41c: {  	_ =	swait.ge [sflag:s15], $0xA000  }
0x41d: {  	s1 =	sld [smem:$0x7FC]  }
0x41e: {  	[sflag:s15] =	ssyncset.done $0x0  }
0x41f: {  	s31 =	sld [smem:$0x7FD];
	[sflag:s15] =	ssyncadd.s32 $0xFFFF6000  }
0x420: {  	[hbm4b:s1+s8] =	stream.strided.scatter [tilespmem:s9], [sflag:$0x3], $0xA000, s10, s8, $0x38;
	[tilespmem:$0x15400] =	vst v63  }
0x421: {  	_ = 	snop  }
0x422: {  	[tilespmem:s2], [sflag:$0x4] =	stream.linear.gather [hbm4b:s31+s2], $0xA00, $0x38;
	[tilespmem:$0x15400] =	vst v63  }
0x423: {  	_ =	swait.ge [sflag:s14], $0xA00  }
0x424: {  	[sflag:s14] =	ssyncset.done $0x0  }
0x425: {  	[sflag:s14] =	ssyncadd.s32 $0xFFFFF600  }
0x426: {  	_ =	swait.ge [sflag:s7], $0xA000  }
0x427: {  	[sflag:s7] =	ssyncset.done $0x0  }
0x428: {  	[sflag:s7] =	ssyncadd.s32 $0xFFFF6000  }
0x429: {  	[tilespmem:s9], [sflag:$0x1] =	stream.indirect.gather [hbm4b:s30+s11], $0x10, s2, s11, $0xb8;
	[tilespmem:$0x15400] =	vst v63  }
0x42a: {  	_ =	swait.ge [sflag:s16], $0xA000  }
0x42b: {  	[sflag:s16] =	ssyncset.done $0x0  }
0x42c: {  	[sflag:s16] =	ssyncadd.s32 $0xFFFF6000  }
0x42d: {  	[hbm4b:s28+s8] =	stream.strided.scatter [tilespmem:s5], [sflag:$0x3], $0xA000, s10, s8, $0x38;
	[tilespmem:$0x15400] =	vst v63  }
0x42e: {  	_ = 	snop  }
0x42f: {  	[tilespmem:s11], [sflag:$0x4] =	stream.linear.gather [hbm4b:s29+s2], $0xA00, $0x38;
	[tilespmem:$0x15400] =	vst v63  }
0x430: {  	_ =	swait.ge [sflag:s14], $0xA00  }
0x431: {  	[sflag:s14] =	ssyncset.done $0x0  }
0x432: {  	[sflag:s14] =	ssyncadd.s32 $0xFFFFF600  }
0x433: {  	_ =	swait.ge [sflag:s7], $0xA000  }
0x434: {  	[sflag:s7] =	ssyncset.done $0x0  }
0x435: {  	[sflag:s7] =	ssyncadd.s32 $0xFFFF6000  }
0x436: {  	[tilespmem:s5], [sflag:$0x2] =	stream.indirect.gather [hbm4b:s25+s11], $0x10, s11, s11, $0xb8;
	[tilespmem:$0x15400] =	vst v63  }
0x437: {  	_ =	swait.ge [sflag:s15], $0xA000  }
0x438: {  	[sflag:s15] =	ssyncset.done $0x0  }
0x439: {  	[sflag:s15] =	ssyncadd.s32 $0xFFFF6000  }
0x43a: {  	[hbm4b:s26+s8] =	stream.strided.scatter [tilespmem:s9], [sflag:$0x3], $0xA000, s10, s8, $0x38;
	[tilespmem:$0x15400] =	vst v63  }
0x43b: {  	_ = 	snop  }
0x43c: {  	[tilespmem:s2], [sflag:$0x4] =	stream.linear.gather [hbm4b:s24+s2], $0xA00, $0x38;
	[tilespmem:$0x15400] =	vst v63  }
0x43d: {  	_ =	swait.ge [sflag:s14], $0xA00  }
0x43e: {  	[sflag:s14] =	ssyncset.done $0x0  }
0x43f: {  	[sflag:s14] =	ssyncadd.s32 $0xFFFFF600  }
0x440: {  	_ =	swait.ge [sflag:s7], $0xA000  }
0x441: {  	[sflag:s7] =	ssyncset.done $0x0  }
0x442: {  	[sflag:s7] =	ssyncadd.s32 $0xFFFF6000  }
0x443: {  	[tilespmem:s9], [sflag:$0x1] =	stream.indirect.gather [hbm4b:s23+s11], $0x10, s2, s11, $0xb8;
	[tilespmem:$0x15400] =	vst v63  }
0x444: {  	_ =	swait.ge [sflag:s16], $0xA000  }
0x445: {  	[sflag:s16] =	ssyncset.done $0x0  }
0x446: {  	[sflag:s16] =	ssyncadd.s32 $0xFFFF6000  }
0x447: {  	[hbm4b:s21+s8] =	stream.strided.scatter [tilespmem:s5], [sflag:$0x3], $0xA000, s10, s8, $0x38;
	[tilespmem:$0x15400] =	vst v63  }
0x448: {  	_ = 	snop  }
0x449: {  	[tilespmem:s11], [sflag:$0x4] =	stream.linear.gather [hbm4b:s22+s2], $0xA00, $0x38;
	[tilespmem:$0x15400] =	vst v63  }
0x44a: {  	_ =	swait.ge [sflag:s14], $0xA00  }
0x44b: {  	[sflag:s14] =	ssyncset.done $0x0  }
0x44c: {  	[sflag:s14] =	ssyncadd.s32 $0xFFFFF600  }
0x44d: {  	_ =	swait.ge [sflag:s7], $0xA000  }
0x44e: {  	[sflag:s7] =	ssyncset.done $0x0  }
0x44f: {  	[sflag:s7] =	ssyncadd.s32 $0xFFFF6000  }
0x450: {  	[tilespmem:s5], [sflag:$0x2] =	stream.indirect.gather [hbm4b:s20+s11], $0x10, s11, s11, $0xb8;
	[tilespmem:$0x15400] =	vst v63  }
0x451: {  	_ =	swait.ge [sflag:s15], $0xA000  }
0x452: {  	[sflag:s15] =	ssyncset.done $0x0  }
0x453: {  	[sflag:s15] =	ssyncadd.s32 $0xFFFF6000  }
0x454: {  	[hbm4b:s19+s8] =	stream.strided.scatter [tilespmem:s9], [sflag:$0x3], $0xA000, s10, s8, $0x38;
	[tilespmem:$0x15400] =	vst v63  }
0x455: {  	_ = 	snop  }
0x456: {  	[tilespmem:s2], [sflag:$0x4] =	stream.linear.gather [hbm4b:s18+s2], $0xA00, $0x38;
	[tilespmem:$0x15400] =	vst v63  }
0x457: {  	_ =	swait.ge [sflag:s14], $0xA00  }
0x458: {  	[sflag:s14] =	ssyncset.done $0x0  }
0x459: {  	[sflag:s14] =	ssyncadd.s32 $0xFFFFF600  }
0x45a: {  	_ =	swait.ge [sflag:s7], $0xA000  }
0x45b: {  	[sflag:s7] =	ssyncset.done $0x0  }
0x45c: {  	[sflag:s7] =	ssyncadd.s32 $0xFFFF6000  }
0x45d: {  	[tilespmem:s9], [sflag:$0x1] =	stream.indirect.gather [hbm4b:s17+s11], $0x10, s2, s11, $0xb8;
	[tilespmem:$0x15400] =	vst v63  }
0x45e: {  	_ =	swait.ge [sflag:s16], $0xA000  }
0x45f: {  	[sflag:s16] =	ssyncset.done $0x0  }
0x460: {  	[sflag:s16] =	ssyncadd.s32 $0xFFFF6000  }
0x461: {  	[hbm4b:s12+s8] =	stream.strided.scatter [tilespmem:s5], [sflag:$0x3], $0xA000, s10, s8, $0x38;
	[tilespmem:$0x15400] =	vst v63  }
0x462: {  	_ = 	snop  }
0x463: {  	[tilespmem:s11], [sflag:$0x4] =	stream.linear.gather [hbm4b:s13+s2], $0xA00, $0x38;
	[tilespmem:$0x15400] =	vst v63  }
0x464: {  	_ =	swait.ge [sflag:s14], $0xA00  }
0x465: {  	[sflag:s14] =	ssyncset.done $0x0  }
0x466: {  	[sflag:s14] =	ssyncadd.s32 $0xFFFFF600  }
0x467: {  	_ =	swait.ge [sflag:s7], $0xA000  }
0x468: {  	[sflag:s7] =	ssyncset.done $0x0  }
0x469: {  	[sflag:s7] =	ssyncadd.s32 $0xFFFF6000  }
0x46a: {  	[tilespmem:s5], [sflag:$0x2] =	stream.indirect.gather [hbm4b:s6+s11], $0x10, s11, s11, $0xb8;
	[tilespmem:$0x15400] =	vst v63  }
0x46b: {  	_ =	swait.ge [sflag:s15], $0xA000  }
0x46c: {  	[sflag:s15] =	ssyncset.done $0x0  }
0x46d: {  	[sflag:s15] =	ssyncadd.s32 $0xFFFF6000  }
0x46e: {  	[hbm4b:s4+s8] =	stream.strided.scatter [tilespmem:s9], [sflag:$0x3], $0xA000, s10, s8, $0x38;
	[tilespmem:$0x15400] =	vst v63  }
0x46f: {  	_ =	swait.ge [sflag:s16], $0xA000  }
0x470: {  	[sflag:s16] =	ssyncset.done $0x0  }
0x471: {  	[sflag:s16] =	ssyncadd.s32 $0xFFFF6000  }
0x472: {  	_ =	swait.ge [sflag:s7], $0xA000  }
0x473: {  	[sflag:s7] =	ssyncset.done $0x0  }
0x474: {  	[sflag:s7] =	ssyncadd.s32 $0xFFFF6000  }
0x475: {  	[hbm4b:s3+s8] =	stream.strided.scatter [tilespmem:s5], [sflag:$0x3], $0xA000, s10, s8, $0x38;
	[tilespmem:$0x15400] =	vst v63  }
0x476: {  	_ =	swait.ge [sflag:s7], $0xA000  }
0x477: {  	[sflag:s7] =	ssyncset.done $0x0  }
0x478: {  	[sflag:s7] =	ssyncadd.s32 $0xFFFF6000  }
0x479: {  	_ =	sfence.sel $0x180000  }
0x47a: {  	[bflag:$0x0] =	sbarrier.arrive $0xFFFF  }
0x47b: {  	_ =	strace $0x9000004A  }
0x47c: {  	s31 =	stileid.u32;
	[bflag:$0x2] =	sbarrier.arrive $0xFFFF  }
0x47d: {  	p0 =	sne.s32 s31, $0x0;
	s0 =	rddreg [dreg:$0x2]  }
0x47e: {  	s0 =	sadd.s32 @!p0 $0x100000, s0  }
0x47f: {  	[sflag:s0] =	ssyncadd.tile.s32 @!p0 $0x1;
	_ =	shalt  }
.LBB2_2:
.Ltmp3:
0x480: {  	(pc) =	sbr.rel .LBB2_5-.Ltmp3, $2  }
0x481: {  	_ =	sdelay $0x2  }
0x482: {  	s31 =	sld [smem:$0x7DF]  }
.Lfunc_end2:
_tile_overlayer_lowered:
.L_overlay_start_2:
0x483: {  	(tag) =	ssettag $0x2  }
0x484: {  	s0 =	rddreg [dreg:$0x0];
	s2 =	stileid.u32  }
0x485: {  	s1 =	rddreg [dreg:$0x1];
	p0 =	sne.s32 s2, $0x0  }
0x486: {  	s3 =	rddreg [dreg:$0x2];
	[bflag:$0x3] =	sbarrier.arrive $0xFFFF;
	s2 =	simm.s32 @!p0 $0x1C04  }
0x487: {  	[timem:s3], [sflag:s2] =	dma.local @!p0 [hbm:s0], s1  }
0x488: {  	s0 =	simm.s32 @!p0 $0x4  }
0x489: {  	_ =	swait.ge @!p0 [sflag:s0], s1  }
0x48a: {  	s1 =	ssub.s32 @!p0 $0x0, s1;
	[sflag:s0] =	ssyncset.done @!p0 $0x0  }
0x48b: {  	[sflag:s0] =	ssyncadd.s32 @!p0 s1  }
0x48c: {  	[bflag:$0x3] =	sbarrier.arrive $0xFFFF  }
0x48d: {  	_ =	shalt  }

// kernel: sparse-core-data-format-call.1.cloned.1.call-start
scs
called_computation.1_lowered:
.L_overlay_start_0:
0x0: {  	s1 =	sld [smem:$0x3FD9]  }
0x1: {  	s2 =	sld [smem:$0x3FFE];
	_ =	sdelay $0x1  }
0x2: {  	s3 =	srdreg.scid  }
0x3: {  	s0 =	sand.u32 $0x1, s3  }
0x4: {  	s17 =	sshll.u32 s0, $0xA;
	s1 =	sadd.s32 s2, s1  }
0x5: {  	s1 =	sadd.s32 s1, s17  }
0x6: {  	[smem:$0x3FAD] =	sst s1  }
0x7: {  	_ = 	snop  }
0x8: {  	(tm) =	ssettm $0x1  }
0x9: {  	s18 =	sld [smem:$0x3FFB];
	_ =	sdelay $0x3  }
0xa: {  	_ =	strace s18  }
0xb: {  	s1 =	sld [smem:$0x3FFC];
	_ =	sdelay $0x3  }
0xc: {  	_ =	strace s1  }
0xd: {  	s1 =	sld [smem:$0x3FFD];
	_ =	sdelay $0x3  }
0xe: {  	_ =	strace s1  }
0xf: {  	_ =	strace $0x8FFFFFFF  }
0x10: {  	s19 =	sld [smem:$0x3FDB];
	_ =	sdelay $0x1  }
0x11: {  	s20 =	simm.s32 $_scs_section_size  }
0x12: {  	s4 =	simm.s32 $_size__tile_overlayer_lowered;
	s5 =	simm.s32 $_tile_overlayer_lowered  }
0x13: {  	s23 =	simm.s32 $0x1BFF;
	s22 =	sshll.u32 s5, $0x1;
	s1 =	sadd.s32 s20, s19  }
0x14: {  	s6 =	simm.s32 $0x0;
	s21 =	sshll.u32 s4, $0x1;
	s4 =	sadd.s32 s22, s1  }
0x15: {  	[timem:s6], [sflag:s23] =	dma.local [hbm:s4], s21  }
0x16: {  	_ =	swait.ge [sflag:s23], s21  }
0x17: {  	s2 =	ssub.s32 $0x0, s21;
	[sflag:s23] =	ssyncset.done $0x0  }
0x18: {  	[sflag:s23] =	ssyncadd.s32 s2;
	_ =	sdelay $0x1  }
0x19: {  	s24 =	simm.s32 $0x1B8B  }
0x1a: {  	_ =	swait.ge [sflag:s24], $0x1  }
0x1b: {  	[sflag:s24] =	ssyncset.done $0x0  }
0x1c: {  	s26 =	simm.s32 $0x1B8E;
	s25 =	sld [smem:$0x3FFE];
	[sflag:s24] =	ssyncadd.s32 $0xFFFFFFFF  }
0x1d: {  	s27 =	simm.s32 $execute0_lowered;
	[smem:$0x3FD2] =	sst s26  }
0x1e: {  	s4 =	sshll.u32 s27, $0x1;
	_ =	strace $0x80000046;
	[dreg:$0x1] =	wrdreg $0xFFFFFFFF  }
0x1f: {  	s28 =	simm.s32 $_size_execute0_lowered;
	s1 =	sadd.s32 s1, s4;
	[dreg:$0x0] =	wrdreg $0x0  }
0x20: {  	s4 =	sshll.u32 s28, $0x1;
	[dreg:$0x2] =	wrdreg s1  }
0x21: {  	[dreg:$0x3] =	wrdreg s4  }
0x22: {  	[dreg:$0x4] =	wrdreg $0xC0  }
0x23: {  	_ =	task [dreg:s6], $0x5FFFF  }
0x24: {  	[dreg:$0x1] =	wrdreg $0xFFFFFFFF  }
0x25: {  	[dreg:$0x0] =	wrdreg $0x60  }
0x26: {  	[dreg:$0x2] =	wrdreg s25  }
0x27: {  	[dreg:$0x3] =	wrdreg $0x9  }
0x28: {  	_ =	task.clear_ibuf [dreg:s6], $0x4FFFF;
	_ =	strace $0x90000046  }
0x29: {  	s29 =	simm.s32 $0x9;
	_ =	strace $0x80000048  }
0x2a: {  	_ =	swait.ge [sflag:s29], $0x1  }
0x2b: {  	[sflag:s29] =	ssyncadd.s32 $0xFFFFFFFF  }
0x2c: {  	_ =	strace $0x90000048  }
0x2d: {  	_ =	sfence  }
0x2e: {  	s30 =	sld [smem:$0x0];
	_ =	sdelay $0x2  }
0x2f: {  	s31 =	sshll.u32 s3, $0xD;
	s3 =	sshrl.u32 s3, $0x2  }
0x30: {  	s2 =	sand.u32 $0x4000, s31;
	s1 =	sadd.s32 s3, s30  }
0x31: {  	s0 =	sor.u32 s2, s0;
	s1 =	sshll.u32 s1, $0x11  }
0x32: {  	s0 =	sor.u32 s1, s0  }
0x33: {  	s0 =	sadd.s32 $0x8F2B, s0  }
0x34: {  	[sflag:s0] =	ssyncadd.remote.s32 $0x1  }
0x35: {  	_ =	sfence.sel $0xFFFF  }
0x36: {  	[dreg:$0x0] =	wrdreg $0xFFFFFFFF;
	(pc) =	sbr.abs _section_cstart, $3  }
0x37: {  	[dreg:$0x1] =	wrdreg $0xFFFFFFFF  }
0x38: {  	_ =	task.clear_ibuf [dreg:s6], $0x2FFFF;
	_ =	strace $0x9FFFFFFF  }
0x39: {  	(tm) =	ssettm $0x7FFFFFFF  }
tec
execute0_lowered:
.L_overlay_start_1:
0x0: {  	(tag) =	ssettag $0x1  }
0x1: {  	s0 =	srdreg.scid;
	s5 =	rddreg [dreg:$0x0];
	s6 =	simm.s32 $0x2  }
0x2: {  	s16 =	simm.s32 $0x0;
	p0 =	por $0x0, $0x0;
	s8 =	simm.s32 $0x80  }
0x3: {  	s17 =	simm.s32 $0x0;
	s18 =	simm.s32 $0x0;
	s1 =	sshll.u32 s0, $0x4  }
0x4: {  	s9 =	simm.s32 $0x0;
	s0 =	stileid.u32;
	s1 =	sand.u32 $0x10, s1  }
0x5: {  	s10 =	simm.s32 $0x0;
	s11 =	simm.s32 $0x0;
	s1 =	sor.u32 s0, s1  }
0x6: {  	s13 =	simm.s32 $0x0;
	s14 =	simm.s32 $0x0;
	s2 =	sshll.u32 s1, $0x8  }
.Ltmp0:
0x7: {  	s15 =	simm.s32 $0x0;
	s3 =	ssub.s32 $0x18600, s2;
	(pc) =	sbr.rel .LBB1_1-.Ltmp0, $4  }
0x8: {  	s1 =	rddreg [dreg:$0x1];
	_ =	strace $0x80000047;
	s4 =	sshrl.u32 s3, $0xD  }
0x9: {  	s12 =	smov.u32 s2;
	s3 =	simm.s32 $0x1;
	s7 =	smul.u32 $0x1A, s4  }
0xa: {  	s4 =	sadd.s32 $0x3600, s5;
	[sflag:s3] =	ssyncpa.u1 $0x0;
	s5 =	sadd.s32 $0x4FA200, s5  }
0xb: {  	[sflag:s6] =	ssyncpa.u1 $0x0;
	s6 =	sadd.s32 $0x1A, s7;
	s7 =	sadd.s32 $0x1B, s7  }
.LBB1_5:
0xc: {  	p1 =	slt.u32 s15, $0x2  }
0xd: {  	s19 =	smov.u32 s18;
	p2 =	sgt.s32 @!p1 s18, $0x19  }
0xe: {  	s20 =	sshra.s32 @!p1 s18, $0x1F;
	p3 =	sgt.s32 @!p1 s16, $0x185A0;
	p4 =	sgt.s32 @!p1 s17, $0x70  }
0xf: {  	s21 =	sshra.s32 @!p1 s17, $0x1F;
	p2 =	por !p2, p1;
	s18 =	sand.u32 @!p1 s20, s18  }
0x10: {  	p4 =	por !p4, p1;
	s20 =	smov.u32 s17;
	s19 =	simm.s32 @p2 $0x19  }
0x11: {  	s17 =	sand.u32 @!p1 s21, s17;
	s20 =	simm.s32 @p4 $0x70;
	s18 =	ssub.s32 @!p1 s19, s18  }
0x12: {  	p3 =	por !p3, p1;
	s17 =	ssub.s32 @!p1 s20, s17;
	s19 =	sadd.s32 @!p1 $0xFFFFFFE7, s18  }
0x13: {  	s20 =	sshra.s32 @!p1 s16, $0x1F;
	s18 =	ssub.s32 @!p1 $0x1A, s18;
	p2 =	sgt.s32 @!p1 s19, $0x0  }
0x14: {  	s19 =	smov.u32 s16;
	s16 =	sand.u32 @!p1 s20, s16;
	s20 =	sadd.s32 @!p1 $0xFFFFFF90, s17  }
0x15: {  	s17 =	ssub.s32 @!p1 $0x80, s17;
	s19 =	simm.s32 @p3 $0x185A0;
	p2 =	por !p2, p1  }
0x16: {  	s18 =	simm.s32 @!p2 $0x0;
	s16 =	ssub.s32 @!p1 s19, s16;
	p2 =	sgt.s32 @!p1 s20, $0xF  }
0x17: {  	s20 =	smov.u32 s13;
	s19 =	sadd.s32 @!p1 $0xFFFE7A60, s16;
	p2 =	por !p2, p1  }
0x18: {  	s16 =	ssub.s32 @!p1 $0x186A0, s16;
	s17 =	simm.s32 @!p2 $0x0;
	p2 =	sgt.s32 @!p1 s19, $0xFF  }
0x19: {  	s19 =	sadd.s32 $0x2000, s12;
	p2 =	por !p2, p1;
	s17 =	smul.u32 @!p1 s18, s17  }
0x1a: {  	s18 =	sadd.s32 $0x10, s13;
	s16 =	simm.s32 @!p2 $0x0;
	p2 =	sgt.s32 s19, $0x1869F  }
0x1b: {  	s16 =	smul.u32 @!p1 s16, s17;
	s20 =	smov.u32 @p2 s18  }
0x1c: {  	s19 =	smov.u32 @p2 s2;
	s17 =	simm.s32 $0x1;
	p2 =	sgt.s32 s20, $0xF  }
0x1d: {  	s17 =	simm.s32 @!p2 $0x0  }
0x1e: {  	p0 =	por !p0, !p0;
	s23 =	sadd.s32 s17, s14  }
0x1f: {  	s21 =	simm.s32 @!p1 $0x2;
	s20 =	simm.s32 @p2 $0x0;
	p2 =	sgt.s32 s23, $0x19  }
0x20: {  	s18 =	smov.u32 s11;
	s23 =	simm.s32 @p2 $0x0;
	p2 =	sne.s32 s15, s7  }
.Ltmp1:
0x21: {  	s11 =	smov.u32 s14;
	s16 =	sand.u32 @!p1 $0x3FFFFFFF, s16;
	(pc) =	sbr.rel @!p2 .LBB1_6-.Ltmp1, $4  }
0x22: {  	_ =	swait.ge @!p1 [sflag:s21], s16;
	s22 =	ssub.s32 @!p1 $0x0, s16;
	s16 =	smov.u32 s9  }
0x23: {  	s17 =	smov.u32 s10;
	s9 =	smov.u32 s12;
	s10 =	smov.u32 s13  }
0x24: {  	s12 =	smov.u32 s19;
	s13 =	smov.u32 s20;
	[sflag:s21] =	ssyncset.done @!p1 $0x0  }
0x25: {  	s15 =	sadd.s32 $0x1, s15;
	[sflag:s21] =	ssyncadd.s32 @!p1 s22;
	s14 =	smov.u32 s23  }
.LBB1_1:
0x26: {  	p1 =	sge.u32 s15, s6  }
0x27: {  	s19 =	sshrl.u32 @!p1 s13, $0x3  }
0x28: {  	s20 =	sshll.u32 @!p1 s12, $0x3;
	s19 =	smul.u32 @!p1 $0xC3800, s19  }
0x29: {  	s21 =	sshll.u32 @!p1 s13, $0x7;
	s20 =	sand.u32 @!p1 $0xFFFFFC00, s20  }
0x2a: {  	s19 =	sadd.s32 @!p1 s19, s20;
	s20 =	sand.u32 @!p1 $0x380, s21  }
0x2b: {  	s21 =	sand.u32 @!p1 $0x7F, s12;
	s19 =	sor.u32 @!p1 s20, s19  }
0x2c: {  	s20 =	sor.u32 @!p1 s21, s19  }
0x2d: {  	s21 =	smulhi.u32 @!p1 $0xA79C7B17, s20  }
0x2e: {  	s19 =	smulhi.u32 @!p1 $0xA79C7B17, s19  }
0x2f: {  	s21 =	sshrl.u32 @!p1 s21, $0x10  }
0x30: {  	s19 =	sshrl.u32 @!p1 s19, $0x10;
	s21 =	smul.u32 @!p1 $0x18700, s21  }
0x31: {  	s22 =	sxor.u32 @!p1 $0xFFFFFFFF, s15;
	s23 =	smul.u32 @!p1 $0x30E00, s14;
	s19 =	sand.u32 @!p1 $0xF, s19  }
0x32: {  	s22 =	sshll.u32 @!p1 s22, $0xC;
	s19 =	smul.u32 @!p1 $0x30E0, s19;
	s20 =	ssub.s32 @!p1 s20, s21  }
0x33: {  	s21 =	sand.u32 @!p1 $0x1000, s22;
	s22 =	sadd.s32 @!p1 s4, s23;
	s23 =	sand.u32 @!p1 $0x7, s20  }
0x34: {  	s20 =	sshrl.u32 @!p1 s20, $0x3;
	s19 =	sadd.s32 @!p1 s19, s22;
	s22 =	sshll.u32 @!p1 s23, $0x12  }
0x35: {  	s19 =	sadd.s32 @!p1 s20, s19;
	s20 =	sor.u32 @!p1 $0x800, s22;
	s22 =	simm.s32 @!p1 $0xC3800  }
0x36: {  	[tilespmem:s21], [sflag:$0x1] =	stream.strided.gather @!p1 [hbm4b:s19+s20], $0x1000, s22, s20, $0x38;
	[tilespmem:$0x4200] =	vst v63  }
0x37: {  	p1 =	seq.s32 s15, $0x0  }
0x38: {  	p2 =	sge.u32 @!p1 s15, s7  }
0x39: {  	p1 =	por p1, p2  }
.Ltmp2:
0x3a: {  	_ = 	snop;
	(pc) =	sbr.rel @p1 .LBB1_5-.Ltmp2, $1  }
0x3b: {  	_ =	sdelay $0x3  }
0x3c: {  	s21 =	simm.s32 $0x0  }
0x3d: {  	s22 =	sand.u32 $0x800, s21;
	s23 =	sand.u32 $0x380, s21  }
0x3e: {  	s19 =	sand.u32 $0x1, s15;
	s23 =	sor.u32 s23, s22  }
0x3f: {  	_ =	swait.ge [sflag:s3], $0x1000;
	s20 =	sshll.u32 s19, $0xC;
	s22 =	sand.u32 $0xB00, s23  }
0x40: {  	[sflag:s3] =	ssyncset.done $0x0;
	s21 =	sand.u32 $0x80, s21;
	s22 =	sadd.s32 s22, s20  }
0x41: {  	[sflag:s3] =	ssyncadd.s32 $0xFFFFF000;
	s25 =	sadd.s32 s21, s22  }
0x42: {  	v4 =	vld [tilespmem:s25+$0x400]  }
0x43: {  	s24 =	simm.s32 $0x1;
	v5 =	vld [tilespmem:s25+$0x0]  }
0x44: {  	s24 =	simm.s32 @!p0 $0x0;
	v6 =	vld [tilespmem:s25+$0x10]  }
0x45: {  	v0 =	vmov s20;
	s31 =	smul.u32 $0x4400, s24;
	v7 =	vld [tilespmem:s25+$0x20]  }
0x46: {  	v9 =	vld [tilespmem:s25+$0x30]  }
0x47: {  	s21 =	sshrl.u32 s31, $0x2;
	v10 =	vld [tilespmem:s25+$0x40]  }
0x48: {  	s21 =	sor.u32 $0x2000, s21;
	v11 =	vld [tilespmem:s25+$0x50]  }
0x49: {  	v8 =	vld [tilespmem:s25+$0x60];
	s22 =	sadd.s32 $0x0, s21  }
0x4a: {  	v1 =	vld.idx.msk [tilespmem:v0+s23+$0x410 ss:$0x1], $0xffff;
	[tilespmem:s22+$0x880 ss:$0x11] =	vst.msk $0xffff, v4  }
0x4b: {  	v2 =	vld.idx.msk [tilespmem:v0+s23+$0x420 ss:$0x1], $0xffff;
	[tilespmem:s22+$0x0 ss:$0x11] =	vst.msk $0xffff, v5  }
0x4c: {  	v3 =	vld.idx.msk [tilespmem:v0+s23+$0x430 ss:$0x1], $0xffff;
	[tilespmem:s22+$0x110 ss:$0x11] =	vst.msk $0xffff, v6  }
0x4d: {  	s19 =	smul.u32 $0x4400, s19;
	[tilespmem:s22+$0x220 ss:$0x11] =	vst.msk $0xffff, v7;
	v7 =	vld [tilespmem:s25+$0x70]  }
0x4e: {  	s26 =	simm.s32 $0x80;
	s27 =	simm.s32 $0x8;
	[tilespmem:s22+$0x330 ss:$0x11] =	vst.msk $0xffff, v9;
	v4 =	vld.idx.msk [tilespmem:v0+s23+$0x440 ss:$0x1], $0xffff  }
0x4f: {  	s29 =	sand.u32 $0x380, s26;
	s19 =	sshrl.u32 s19, $0x2;
	[tilespmem:s22+$0x440 ss:$0x11] =	vst.msk $0xffff, v10;
	v5 =	vld.idx.msk [tilespmem:v0+s23+$0x450 ss:$0x1], $0xffff;
	s25 =	simm.s32 $0x100  }
0x50: {  	s24 =	simm.s32 $0x4;
	s19 =	sor.u32 $0x2000, s19;
	[tilespmem:s22+$0x550 ss:$0x11] =	vst.msk $0xffff, v11;
	v6 =	vld.idx.msk [tilespmem:v0+s23+$0x460 ss:$0x1], $0xffff;
	s28 =	sand.u32 $0x800, s25  }
.LBB1_3:
0x51: {  	p1 =	sne.s32 s27, $0x3C;
	[tilespmem:s22+$0x660 ss:$0x11] =	vst.msk $0xffff, v8;
	v8 =	vld.idx.msk [tilespmem:v0+s23+$0x470 ss:$0x1], $0xffff;
	s23 =	sor.u32 s29, s28  }
0x52: {  	s28 =	sand.u32 $0xB00, s23;
	v9 =	vld.idx.msk [tilespmem:v0+s23+$0x410 ss:$0x1], $0xffff;
	[tilespmem:s22+$0x770 ss:$0x11] =	vst.msk $0xffff, v7  }
0x53: {  	s29 =	sand.u32 $0x80, s26;
	s28 =	sadd.s32 s28, s20;
	v7 =	vld.idx.msk [tilespmem:v0+s23+$0x420 ss:$0x1], $0xffff;
	[tilespmem:s22+$0x990 ss:$0x11] =	vst.msk $0xffff, v1  }
0x54: {  	s28 =	sadd.s32 s29, s28;
	v10 =	vld.idx.msk [tilespmem:v0+s23+$0x430 ss:$0x1], $0xffff;
	[tilespmem:s22+$0xAA0 ss:$0x11] =	vst.msk $0xffff, v2  }
0x55: {  	v11 =	vld [tilespmem:s28+$0x400];
	[tilespmem:s22+$0xBB0 ss:$0x11] =	vst.msk $0xffff, v3  }
0x56: {  	v12 =	vld [tilespmem:s28+$0x0];
	[tilespmem:s22+$0xCC0 ss:$0x11] =	vst.msk $0xffff, v4  }
0x57: {  	v4 =	vld [tilespmem:s28+$0x10];
	[tilespmem:s22+$0xDD0 ss:$0x11] =	vst.msk $0xffff, v5  }
0x58: {  	s29 =	sshra.s32 s24, $0x2;
	s24 =	smov.u32 s27;
	v1 =	vmov v9;
	v5 =	vld [tilespmem:s28+$0x20];
	[tilespmem:s22+$0xEE0 ss:$0x11] =	vst.msk $0xffff, v6  }
0x59: {  	v2 =	vmov v7;
	v6 =	vld [tilespmem:s28+$0x30];
	[tilespmem:s22+$0xFF0 ss:$0x11] =	vst.msk $0xffff, v8;
	s22 =	sadd.s32 s29, s21  }
0x5a: {  	v3 =	vmov v10;
	v9 =	vld [tilespmem:s28+$0x40];
	[tilespmem:s22+$0x880 ss:$0x11] =	vst.msk $0xffff, v11  }
0x5b: {  	[tilespmem:s22+$0x0 ss:$0x11] =	vst.msk $0xffff, v12;
	v10 =	vld [tilespmem:s28+$0x50]  }
.Ltmp3:
0x5c: {  	[tilespmem:s22+$0x110 ss:$0x11] =	vst.msk $0xffff, v4;
	v8 =	vld [tilespmem:s28+$0x60];
	(pc) =	sbr.rel @p1 .LBB1_3-.Ltmp3, $4  }
0x5d: {  	[tilespmem:s22+$0x220 ss:$0x11] =	vst.msk $0xffff, v5;
	v7 =	vld [tilespmem:s28+$0x70]  }
0x5e: {  	[tilespmem:s22+$0x330 ss:$0x11] =	vst.msk $0xffff, v6;
	v4 =	vld.idx.msk [tilespmem:v0+s23+$0x440 ss:$0x1], $0xffff  }
0x5f: {  	s26 =	sadd.s32 $0x80, s26;
	s25 =	sadd.s32 $0x100, s25;
	[tilespmem:s22+$0x440 ss:$0x11] =	vst.msk $0xffff, v9;
	v5 =	vld.idx.msk [tilespmem:v0+s23+$0x450 ss:$0x1], $0xffff  }
0x60: {  	s27 =	sadd.s32 $0x4, s27;
	s29 =	sand.u32 $0x380, s26;
	s28 =	sand.u32 $0x800, s25;
	[tilespmem:s22+$0x550 ss:$0x11] =	vst.msk $0xffff, v10;
	v6 =	vld.idx.msk [tilespmem:v0+s23+$0x460 ss:$0x1], $0xffff  }
0x61: {  	_ =	sdelay $0x3  }
0x62: {  	s25 =	sor.u32 s29, s28;
	v47 =	vld.idx.msk [tilespmem:v0+s23+$0x470 ss:$0x1], $0xffff  }
0x63: {  	[tilespmem:s22+$0x660 ss:$0x11] =	vst.msk $0xffff, v8;
	v57 =	vld.idx.msk [tilespmem:v0+s25+$0x410 ss:$0x1], $0xffff  }
0x64: {  	[tilespmem:s22+$0x990 ss:$0x11] =	vst.msk $0xffff, v1;
	v58 =	vld.idx.msk [tilespmem:v0+s25+$0x420 ss:$0x1], $0xffff  }
0x65: {  	[tilespmem:s22+$0xAA0 ss:$0x11] =	vst.msk $0xffff, v2;
	v59 =	vld.idx.msk [tilespmem:v0+s25+$0x430 ss:$0x1], $0xffff  }
0x66: {  	[tilespmem:s22+$0xBB0 ss:$0x11] =	vst.msk $0xffff, v3;
	v60 =	vld.idx.msk [tilespmem:v0+s25+$0x440 ss:$0x1], $0xffff  }
0x67: {  	s26 =	sand.u32 $0x80, s26;
	s27 =	sand.u32 $0xB00, s25;
	[tilespmem:s22+$0x770 ss:$0x11] =	vst.msk $0xffff, v7;
	v61 =	vld.idx.msk [tilespmem:v0+s25+$0x450 ss:$0x1], $0xffff  }
0x68: {  	s29 =	sshll.u32 s10, $0x3;
	p1 =	sgt.s32 s11, $0x19;
	v62 =	vld.idx.msk [tilespmem:v0+s25+$0x460 ss:$0x1], $0xffff;
	s20 =	sadd.s32 s27, s20;
	[tilespmem:s22+$0xCC0 ss:$0x11] =	vst.msk $0xffff, v4  }
0x69: {  	p2 =	sgt.s32 s10, $0x70;
	s31 =	sand.u32 $0xFFFFFC00, s29;
	v63 =	vld.idx.msk [tilespmem:v0+s25+$0x470 ss:$0x1], $0xffff;
	s23 =	sadd.s32 s26, s20;
	[tilespmem:s22+$0xDD0 ss:$0x11] =	vst.msk $0xffff, v5  }
0x6a: {  	s24 =	sshra.s32 s24, $0x2;
	s29 =	sshra.s32 s11, $0x1F;
	s25 =	smul.u32 $0x186A00, s11;
	v48 =	vld [tilespmem:s23+$0x400];
	[tilespmem:s22+$0xEE0 ss:$0x11] =	vst.msk $0xffff, v6  }
0x6b: {  	s26 =	sshll.u32 s9, $0x7;
	s20 =	sadd.s32 s24, s21;
	s24 =	sand.u32 s29, s11;
	v49 =	vld [tilespmem:s23+$0x0];
	[tilespmem:s22+$0xFF0 ss:$0x11] =	vst.msk $0xffff, v47  }
0x6c: {  	s29 =	sshra.s32 s9, $0x1F;
	v50 =	vld [tilespmem:s23+$0x10];
	s30 =	sand.u32 $0xFFFFFC00, s26;
	s28 =	sand.u32 $0x380, s26;
	[tilespmem:s20+$0x990 ss:$0x11] =	vst.msk $0xffff, v57  }
0x6d: {  	v51 =	vld [tilespmem:s23+$0x20];
	s27 =	sadd.s32 s31, s30;
	s22 =	smov.u32 s11;
	s31 =	sshra.s32 s10, $0x1F;
	[tilespmem:s20+$0xAA0 ss:$0x11] =	vst.msk $0xffff, v58  }
0x6e: {  	v52 =	vld [tilespmem:s23+$0x30];
	s21 =	sor.u32 s28, s27;
	s22 =	simm.s32 @!p1 $0x19;
	s28 =	sand.u32 s31, s10;
	[tilespmem:s20+$0xBB0 ss:$0x11] =	vst.msk $0xffff, v59  }
0x6f: {  	v53 =	vld [tilespmem:s23+$0x40];
	s27 =	smov.u32 s9;
	[tilespmem:s20+$0xCC0 ss:$0x11] =	vst.msk $0xffff, v60;
	s21 =	sshrl.u32 s21, $0x7;
	s22 =	ssub.s32 s22, s24  }
0x70: {  	v54 =	vld [tilespmem:s23+$0x50];
	[tilespmem:s20+$0xDD0 ss:$0x11] =	vst.msk $0xffff, v61;
	s24 =	smov.u32 s10;
	s26 =	smulhi.u32 $0x14F8B59, s21;
	s30 =	sadd.s32 $0xFFFFFFE7, s22  }
0x71: {  	v55 =	vld [tilespmem:s23+$0x60];
	[tilespmem:s20+$0xEE0 ss:$0x11] =	vst.msk $0xffff, v62;
	s24 =	simm.s32 @!p2 $0x70;
	p2 =	sgt.s32 s9, $0x185A0;
	s22 =	ssub.s32 $0x1A, s22  }
0x72: {  	v56 =	vld [tilespmem:s23+$0x70];
	[tilespmem:s20+$0xFF0 ss:$0x11] =	vst.msk $0xffff, v63;
	p1 =	sgt.s32 s30, $0x0;
	s23 =	ssub.s32 s24, s28;
	s27 =	simm.s32 @!p2 $0x185A0  }
0x73: {  	[tilespmem:s20+$0x880 ss:$0x11] =	vst.msk $0xffff, v48;
	s24 =	sand.u32 s29, s9;
	s28 =	sand.u32 $0x7, s10;
	s26 =	sshrl.u32 s26, $0x9  }
0x74: {  	[tilespmem:s20+$0x0 ss:$0x11] =	vst.msk $0xffff, v49;
	s24 =	ssub.s32 s27, s24;
	s30 =	sadd.s32 $0xFFFFFF90, s23;
	s22 =	simm.s32 @p1 $0x0  }
0x75: {  	[tilespmem:s20+$0x110 ss:$0x11] =	vst.msk $0xffff, v50;
	s23 =	ssub.s32 $0x80, s23;
	s27 =	sshrl.u32 s10, $0x3;
	p1 =	sgt.s32 s30, $0xF  }
0x76: {  	[tilespmem:s20+$0x220 ss:$0x11] =	vst.msk $0xffff, v51;
	s26 =	smul.u32 $0x186A0, s26;
	s31 =	sadd.s32 $0xFFFE7A60, s24;
	s23 =	simm.s32 @p1 $0x0  }
0x77: {  	[tilespmem:s20+$0x330 ss:$0x11] =	vst.msk $0xffff, v52;
	s24 =	ssub.s32 $0x186A0, s24;
	p1 =	sgt.s32 s31, $0xFF;
	s22 =	smul.u32 s22, s23  }
.Ltmp4:
0x78: {  	[tilespmem:s20+$0x440 ss:$0x11] =	vst.msk $0xffff, v53;
	s24 =	simm.s32 @p1 $0x0;
	s21 =	ssub.s32 s21, s26;
	(pc) =	sbr.rel .LBB1_5-.Ltmp4, $4  }
0x79: {  	[tilespmem:s20+$0x550 ss:$0x11] =	vst.msk $0xffff, v54;
	s23 =	sadd.s32 s5, s25;
	s22 =	smul.u32 s24, s22;
	s24 =	sand.u32 $0xF, s27  }
0x7a: {  	[tilespmem:s20+$0x660 ss:$0x11] =	vst.msk $0xffff, v55;
	s29 =	sshll.u32 s28, $0x12;
	s21 =	sshll.u32 s21, $0x4;
	s23 =	sadd.s32 s24, s23  }
0x7b: {  	[tilespmem:s20+$0x770 ss:$0x11] =	vst.msk $0xffff, v56;
	s31 =	sor.u32 $0x10, s29;
	s30 =	sand.u32 $0x3FFFFFFF, s22;
	s21 =	sadd.s32 s21, s23  }
0x7c: {  	[hbm4b:s21+s31] =	stream.strided.scatter [tilespmem:s19], [sflag:$0x2], s30, s8, s31, $0x8;
	[tilespmem:$0x4200] =	vst v63  }
.LBB1_6:
0x7d: {  	_ =	sfence.sel $0x180000  }
0x7e: {  	s2 =	simm.s32 $0x1;
	[bflag:$0x0] =	sbarrier.arrive $0xFFFF  }
0x7f: {  	s31 =	simm.s32 $0x2;
	[sflag:s2] =	ssyncpa.u1 $0x1  }
0x80: {  	[sflag:s31] =	ssyncpa.u1 $0x1  }
0x81: {  	p0 =	sne.s32 s0, $0x0;
	_ =	strace $0x90000047  }
0x82: {  	s0 =	sadd.s32 @!p0 $0x100000, s1;
	[bflag:$0x2] =	sbarrier.arrive $0xFFFF  }
0x83: {  	[sflag:s0] =	ssyncadd.tile.s32 @!p0 $0x1;
	_ =	shalt  }
.Lfunc_end1:
_tile_overlayer_lowered:
.L_overlay_start_2:
0x84: {  	(tag) =	ssettag $0x2  }
0x85: {  	s0 =	rddreg [dreg:$0x0];
	s2 =	stileid.u32  }
0x86: {  	s1 =	rddreg [dreg:$0x1];
	p0 =	sne.s32 s2, $0x0  }
0x87: {  	s3 =	rddreg [dreg:$0x2];
	[bflag:$0x3] =	sbarrier.arrive $0xFFFF;
	s2 =	simm.s32 @!p0 $0x1C01  }
0x88: {  	[timem:s3], [sflag:s2] =	dma.local @!p0 [hbm:s0], s1  }
0x89: {  	s0 =	simm.s32 @!p0 $0x1  }
0x8a: {  	_ =	swait.ge @!p0 [sflag:s0], s1  }
0x8b: {  	s1 =	ssub.s32 @!p0 $0x0, s1;
	[sflag:s0] =	ssyncset.done @!p0 $0x0  }
0x8c: {  	[sflag:s0] =	ssyncadd.s32 @!p0 s1  }
0x8d: {  	[bflag:$0x3] =	sbarrier.arrive $0xFFFF  }
0x8e: {  	_ =	shalt  }

// kernel: sparse-core-data-format-call.cloned.1.call-start
scs
called_computation_lowered:
.L_overlay_start_0:
0x0: {  	s2 =	sld [smem:$0x3FD9]  }
0x1: {  	s3 =	sld [smem:$0x3FFE];
	_ =	sdelay $0x1  }
0x2: {  	s1 =	srdreg.scid  }
0x3: {  	s0 =	sand.u32 $0x1, s1  }
0x4: {  	s18 =	sshll.u32 s0, $0xA;
	s2 =	sadd.s32 s3, s2  }
0x5: {  	s2 =	sadd.s32 s2, s18  }
0x6: {  	[smem:$0x3FAD] =	sst s2  }
0x7: {  	_ = 	snop  }
0x8: {  	s2 =	sld [smem:$0x3FD0];
	(tm) =	ssettm $0x1  }
0x9: {  	s19 =	sld [smem:$0x3FFB];
	_ =	sdelay $0x3  }
0xa: {  	_ =	strace s19  }
0xb: {  	s3 =	sld [smem:$0x3FFC];
	_ =	sdelay $0x3  }
0xc: {  	_ =	strace s3  }
0xd: {  	s3 =	sld [smem:$0x3FFD];
	_ =	sdelay $0x3  }
0xe: {  	_ =	strace s3  }
0xf: {  	_ =	strace $0x8FFFFFFF  }
0x10: {  	s20 =	sld [smem:$0x3FDB];
	_ =	sdelay $0x1  }
0x11: {  	s4 =	simm.s32 $_scs_section_size  }
0x12: {  	s5 =	simm.s32 $_size__tile_overlayer_lowered;
	s6 =	simm.s32 $_tile_overlayer_lowered  }
0x13: {  	s23 =	simm.s32 $0x1BFF;
	s22 =	sshll.u32 s6, $0x1;
	s3 =	sadd.s32 s4, s20  }
0x14: {  	s7 =	simm.s32 $0x0;
	s21 =	sshll.u32 s5, $0x1;
	s5 =	sadd.s32 s22, s3  }
0x15: {  	[timem:s7], [sflag:s23] =	dma.local [hbm:s5], s21  }
0x16: {  	_ =	swait.ge [sflag:s23], s21  }
0x17: {  	s4 =	ssub.s32 $0x0, s21;
	[sflag:s23] =	ssyncset.done $0x0  }
0x18: {  	[sflag:s23] =	ssyncadd.s32 s4;
	_ =	sdelay $0x1  }
0x19: {  	s24 =	simm.s32 $0x1B8B  }
0x1a: {  	_ =	swait.ge [sflag:s24], $0x1  }
0x1b: {  	[sflag:s24] =	ssyncset.done $0x0  }
0x1c: {  	s26 =	simm.s32 $0x1B8E;
	s25 =	sld [smem:$0x3FFE];
	[sflag:s24] =	ssyncadd.s32 $0xFFFFFFFF  }
0x1d: {  	s27 =	simm.s32 $execute0_lowered;
	[smem:$0x3FD2] =	sst s26  }
0x1e: {  	s5 =	sshll.u32 s27, $0x1;
	_ =	strace $0x8000004C;
	[dreg:$0x1] =	wrdreg $0xFFFFFFFF  }
0x1f: {  	s28 =	simm.s32 $_size_execute0_lowered;
	s3 =	sadd.s32 s3, s5;
	[dreg:$0x0] =	wrdreg $0x0  }
0x20: {  	s5 =	sshll.u32 s28, $0x1;
	[dreg:$0x2] =	wrdreg s3  }
0x21: {  	[dreg:$0x3] =	wrdreg s5  }
0x22: {  	[dreg:$0x4] =	wrdreg $0xC0  }
0x23: {  	_ =	task [dreg:s7], $0x5FFFF  }
0x24: {  	[dreg:$0x1] =	wrdreg $0xFFFFFFFF  }
0x25: {  	[dreg:$0x0] =	wrdreg $0x60  }
0x26: {  	[dreg:$0x2] =	wrdreg s25  }
0x27: {  	[dreg:$0x3] =	wrdreg s2  }
0x28: {  	[dreg:$0x4] =	wrdreg $0x9  }
0x29: {  	_ =	task.clear_ibuf [dreg:s7], $0x5FFFF;
	_ =	strace $0x9000004C  }
0x2a: {  	s29 =	simm.s32 $0x9;
	_ =	strace $0x8000004E  }
0x2b: {  	_ =	swait.ge [sflag:s29], $0x1  }
0x2c: {  	[sflag:s29] =	ssyncadd.s32 $0xFFFFFFFF  }
0x2d: {  	_ =	strace $0x9000004E  }
0x2e: {  	_ =	sfence  }
0x2f: {  	s30 =	sld [smem:$0x0];
	_ =	sdelay $0x2  }
0x30: {  	s31 =	sshll.u32 s1, $0xD;
	s1 =	sshrl.u32 s1, $0x2  }
0x31: {  	s3 =	sand.u32 $0x4000, s31;
	s1 =	sadd.s32 s1, s30  }
0x32: {  	s0 =	sor.u32 s3, s0;
	s1 =	sshll.u32 s1, $0x11  }
0x33: {  	s0 =	sor.u32 s1, s0  }
0x34: {  	s0 =	sadd.s32 $0x8F2B, s0  }
0x35: {  	[sflag:s0] =	ssyncadd.remote.s32 $0x1  }
0x36: {  	_ =	sfence.sel $0xFFFF  }
0x37: {  	[dreg:$0x0] =	wrdreg $0xFFFFFFFF;
	(pc) =	sbr.abs _section_cstart, $3  }
0x38: {  	[dreg:$0x1] =	wrdreg $0xFFFFFFFF  }
0x39: {  	_ =	task.clear_ibuf [dreg:s7], $0x2FFFF;
	_ =	strace $0x9FFFFFFF  }
0x3a: {  	(tm) =	ssettm $0x7FFFFFFF  }
0x3b: {  	_ =	shalt  }
tec
execute0_lowered:
.L_overlay_start_1:
0x0: {  	(tag) =	ssettag $0x1  }
0x1: {  	s0 =	srdreg.scid;
	s6 =	rddreg [dreg:$0x0]  }
0x2: {  	s3 =	rddreg [dreg:$0x1];
	s1 =	sshll.u32 s0, $0x4  }
0x3: {  	s5 =	simm.s32 $0x1;
	s0 =	stileid.u32;
	s1 =	sand.u32 $0x10, s1  }
0x4: {  	s31 =	simm.s32 $0x2;
	s16 =	simm.s32 $0x0;
	s1 =	sor.u32 s0, s1  }
0x5: {  	s8 =	simm.s32 $0x8000;
	s18 =	simm.s32 $0x0;
	s2 =	sshll.u32 s1, $0x7  }
0x6: {  	s17 =	simm.s32 $0x0;
	s9 =	simm.s32 $0x0;
	s4 =	ssub.s32 $0x1000, s2  }
0x7: {  	s10 =	simm.s32 $0x0;
	s11 =	simm.s32 $0x0;
	s30 =	sand.u32 $0xF80, s4  }
0x8: {  	s12 =	simm.s32 $0x0;
	s13 =	simm.s32 $0x0;
	p0 =	sne.s32 s30, $0x0  }
.Ltmp0:
0x9: {  	s7 =	sshrl.u32 s4, $0xC;
	s5 =	simm.s32 @!p0 $0x0;
	(pc) =	sbr.rel .LBB1_1-.Ltmp0, $4  }
0xa: {  	s15 =	simm.s32 $0x0;
	s1 =	rddreg [dreg:$0x2];
	s5 =	sadd.s32 s5, s7  }
0xb: {  	_ =	strace $0x8000004D;
	s4 =	simm.s32 $0x1;
	s5 =	smul.u32 $0x50, s5  }
0xc: {  	s6 =	sadd.s32 $0x3600, s6;
	s14 =	smov.u32 s2;
	[sflag:s4] =	ssyncpa.u1 $0x0  }
0xd: {  	[sflag:s31] =	ssyncpa.u1 $0x0;
	p0 =	por $0x0, $0x0;
	s7 =	sor.u32 $0x1, s5  }
.LBB1_4:
0xe: {  	s23 =	sshra.s32 s23, $0x2;
	s30 =	sshll.u32 s9, $0xC  }
0xf: {  	p1 =	sgt.s32 s10, $0x13;
	s24 =	smov.u32 s10;
	s25 =	sshra.s32 s10, $0x1F  }
0x10: {  	s26 =	sshll.u32 s11, $0x3;
	s28 =	smov.u32 s11;
	s29 =	sshra.s32 s11, $0x1F  }
0x11: {  	s22 =	sadd.s32 s23, s22;
	s24 =	simm.s32 @!p1 $0x13;
	s25 =	sand.u32 s25, s10  }
0x12: {  	s23 =	sand.u32 $0xFFFF8000, s30;
	s27 =	sand.u32 $0xFFFFFC00, s26;
	p1 =	sgt.s32 s9, $0x120  }
0x13: {  	s31 =	sand.u32 s29, s11;
	s29 =	sshll.u32 s9, $0x7;
	s30 =	sshra.s32 s9, $0x1F  }
0x14: {  	[tilespmem:s21+$0x2040 ss:$0x81] =	vst.msk $0xffff, v4;
	s24 =	ssub.s32 s24, s25;
	s23 =	sadd.s32 s27, s23;
	s27 =	smov.u32 s9  }
0x15: {  	[tilespmem:s21+$0x2850 ss:$0x81] =	vst.msk $0xffff, v3;
	s29 =	sand.u32 $0x380, s29;
	s25 =	sadd.s32 $0xFFFFFFED, s24;
	s27 =	simm.s32 @!p1 $0x120  }
0x16: {  	v5 =	vld [tilespmem:s20+$0xFFFFFFD0];
	[tilespmem:s21+$0x3060 ss:$0x81] =	vst.msk $0xffff, v2;
	p1 =	sgt.s32 s11, $0xF80;
	s23 =	sshrl.u32 s23, $0xC;
	s24 =	ssub.s32 $0x14, s24  }
0x17: {  	v58 =	vld [tilespmem:s20+$0xFFFFFFE0];
	[tilespmem:s21+$0x0 ss:$0x81] =	vst.msk $0xffff, v1;
	s28 =	simm.s32 @!p1 $0xF80;
	p1 =	sgt.s32 s25, $0x0;
	s21 =	smulhi.u32 $0x9D89D9, s23  }
0x18: {  	v59 =	vld [tilespmem:s20+$0xFFFFFFF0];
	s25 =	ssub.s32 s28, s31;
	s28 =	sand.u32 s30, s9;
	s24 =	simm.s32 @p1 $0x0  }
0x19: {  	v60 =	vld [tilespmem:s20+$0x0];
	s27 =	ssub.s32 s27, s28;
	s31 =	sadd.s32 $0xFFFFF080, s25;
	s25 =	ssub.s32 $0x1000, s25  }
0x1a: {  	v61 =	vld [tilespmem:s20+$0x10];
	[tilespmem:s22+$0x3870 ss:$0x81] =	vst.msk $0xffff, v0;
	s21 =	smul.u32 $0x1A0, s21;
	s28 =	sand.u32 $0x7, s11;
	p1 =	sgt.s32 s31, $0x7F  }
0x1b: {  	v62 =	vld [tilespmem:s20+$0x20];
	[tilespmem:s22+$0x810 ss:$0x81] =	vst.msk $0xffff, v5;
	s30 =	sadd.s32 $0xFFFFFEE0, s27;
	s31 =	sand.u32 $0x78, s11;
	s25 =	simm.s32 @p1 $0x0  }
0x1c: {  	v63 =	vld [tilespmem:s20+$0xFFFFFFC0];
	[tilespmem:s22+$0x1020 ss:$0x81] =	vst.msk $0xffff, v58;
	p1 =	sgt.s32 s30, $0x7F;
	s30 =	sand.u32 $0xC00, s26;
	s24 =	smul.u32 s25, s24  }
0x1d: {  	[tilespmem:s22+$0x1830 ss:$0x81] =	vst.msk $0xffff, v59;
	s26 =	ssub.s32 $0x1A0, s27;
	s20 =	sor.u32 s31, s30;
	s31 =	smul.u32 $0x34000, s10  }
0x1e: {  	[tilespmem:s22+$0x2040 ss:$0x81] =	vst.msk $0xffff, v60;
	s21 =	ssub.s32 s23, s21;
	s26 =	simm.s32 @p1 $0x0;
	s20 =	sor.u32 s29, s20  }
0x1f: {  	[tilespmem:s22+$0x2850 ss:$0x81] =	vst.msk $0xffff, v61;
	s26 =	smul.u32 s26, s24;
	s20 =	sshrl.u32 s20, $0x3;
	s27 =	sadd.s32 s3, s31  }
0x20: {  	[tilespmem:s22+$0x3060 ss:$0x81] =	vst.msk $0xffff, v62;
	s21 =	sshll.u32 s21, $0x9;
	s29 =	sshll.u32 s28, $0x12;
	s20 =	sadd.s32 s20, s27  }
0x21: {  	[tilespmem:s22+$0x0 ss:$0x81] =	vst.msk $0xffff, v63;
	s31 =	sor.u32 $0x400, s29;
	s30 =	sand.u32 $0x3FFFFFFF, s26;
	s20 =	sadd.s32 s21, s20  }
0x22: {  	[hbm4b:s20+s31] =	stream.strided.scatter [tilespmem:s19], [sflag:$0x2], s30, s8, s31, $0x20;
	[tilespmem:$0x10100] =	vst v63  }
.LBB1_5:
0x23: {  	p1 =	slt.u32 s15, $0x2  }
0x24: {  	p2 =	sgt.s32 @!p1 s18, $0x13  }
0x25: {  	s19 =	smov.u32 s18;
	s20 =	sshra.s32 @!p1 s18, $0x1F;
	p2 =	por !p2, p1  }
0x26: {  	s18 =	sand.u32 @!p1 s20, s18;
	s19 =	simm.s32 @p2 $0x13  }
0x27: {  	p3 =	sgt.s32 @!p1 s16, $0x120;
	s18 =	ssub.s32 @!p1 s19, s18  }
0x28: {  	p4 =	sgt.s32 @!p1 s17, $0xF80;
	s21 =	sshra.s32 @!p1 s17, $0x1F;
	s19 =	sadd.s32 @!p1 $0xFFFFFFED, s18  }
0x29: {  	s20 =	smov.u32 s16;
	p2 =	sgt.s32 @!p1 s19, $0x0;
	s19 =	sshra.s32 @!p1 s16, $0x1F  }
0x2a: {  	p4 =	por !p4, p1;
	s16 =	sand.u32 @!p1 s19, s16;
	s19 =	smov.u32 s17  }
0x2b: {  	p3 =	por !p3, p1;
	s17 =	sand.u32 @!p1 s21, s17;
	s19 =	simm.s32 @p4 $0xF80  }
0x2c: {  	s20 =	simm.s32 @p3 $0x120;
	s18 =	ssub.s32 @!p1 $0x14, s18;
	s17 =	ssub.s32 @!p1 s19, s17  }
0x2d: {  	p2 =	por !p2, p1;
	s16 =	ssub.s32 @!p1 s20, s16;
	s20 =	sadd.s32 @!p1 $0xFFFFF080, s17  }
0x2e: {  	s18 =	simm.s32 @!p2 $0x0;
	p3 =	sgt.s32 @!p1 s20, $0x7F  }
0x2f: {  	s19 =	sadd.s32 @!p1 $0xFFFFFEE0, s16;
	s17 =	ssub.s32 @!p1 $0x1000, s17;
	p3 =	por !p3, p1  }
0x30: {  	p2 =	sgt.s32 @!p1 s19, $0x7F;
	s19 =	sadd.s32 $0x80, s12;
	s17 =	simm.s32 @!p3 $0x0  }
0x31: {  	p3 =	sgt.s32 s19, $0x19F;
	s17 =	smul.u32 @!p1 s17, s18;
	s18 =	simm.s32 $0x1  }
0x32: {  	s16 =	ssub.s32 @!p1 $0x1A0, s16;
	p2 =	por !p2, p1;
	s18 =	simm.s32 @!p3 $0x0  }
0x33: {  	s21 =	smov.u32 s14;
	s16 =	simm.s32 @!p2 $0x0;
	s20 =	sadd.s32 s18, s13  }
0x34: {  	s16 =	smul.u32 @!p1 s16, s17;
	s17 =	sadd.s32 $0x1000, s14;
	p2 =	sgt.s32 s20, $0x13  }
0x35: {  	p0 =	por !p0, !p0;
	s22 =	simm.s32 @!p1 $0x2;
	s21 =	smov.u32 @p2 s17  }
0x36: {  	s19 =	simm.s32 @p3 $0x0;
	s20 =	simm.s32 @p2 $0x0;
	p2 =	sgt.s32 s21, $0xFFF  }
0x37: {  	s18 =	smov.u32 s10;
	s21 =	smov.u32 @p2 s2;
	p2 =	sne.s32 s15, s7  }
.Ltmp1:
0x38: {  	s10 =	smov.u32 s13;
	s16 =	sand.u32 @!p1 $0x3FFFFFFF, s16;
	(pc) =	sbr.rel @!p2 .LBB1_6-.Ltmp1, $4  }
0x39: {  	s17 =	smov.u32 s11;
	s11 =	smov.u32 s14;
	_ =	swait.ge @!p1 [sflag:s22], s16  }
0x3a: {  	s23 =	ssub.s32 @!p1 $0x0, s16;
	s16 =	smov.u32 s9;
	s9 =	smov.u32 s12  }
0x3b: {  	s12 =	smov.u32 s19;
	s13 =	smov.u32 s20;
	[sflag:s22] =	ssyncset.done @!p1 $0x0  }
0x3c: {  	s15 =	sadd.s32 $0x1, s15;
	[sflag:s22] =	ssyncadd.s32 @!p1 s23;
	s14 =	smov.u32 s21  }
.LBB1_1:
0x3d: {  	p1 =	sge.u32 s15, s5  }
0x3e: {  	s19 =	sshll.u32 @!p1 s13, $0x9;
	s20 =	sshll.u32 @!p1 s12, $0x3  }
0x3f: {  	s21 =	sshll.u32 @!p1 s13, $0x7;
	s19 =	sand.u32 @!p1 $0xFFFFF000, s19;
	s20 =	sand.u32 @!p1 $0xFFFFFC00, s20  }
0x40: {  	s19 =	sadd.s32 @!p1 s19, s20;
	s20 =	sand.u32 @!p1 $0x200, s21  }
0x41: {  	s19 =	sor.u32 @!p1 s20, s19  }
0x42: {  	s19 =	sshrl.u32 @!p1 s19, $0x9  }
0x43: {  	s31 =	sadd.s32 $0xFFFFFFFF, s15;
	s20 =	smulhi.u32 @!p1 $0xAAAAAAB, s19  }
0x44: {  	s22 =	sxor.u32 @!p1 $0xFFFFFFFF, s15;
	s23 =	sand.u32 @!p1 $0x78, s12;
	s24 =	smul.u32 @!p1 $0x600, s14  }
0x45: {  	s22 =	sshll.u32 @!p1 s22, $0xE;
	s21 =	sand.u32 @!p1 $0x180, s21;
	s20 =	smul.u32 @!p1 $0x18, s20  }
0x46: {  	s22 =	sand.u32 @!p1 $0x4000, s22;
	s21 =	sor.u32 @!p1 s23, s21;
	s23 =	sand.u32 @!p1 $0x7, s12  }
0x47: {  	s19 =	ssub.s32 @!p1 s19, s20;
	s20 =	sshrl.u32 @!p1 s21, $0x3;
	s21 =	sadd.s32 @!p1 s6, s24  }
0x48: {  	s19 =	sshll.u32 @!p1 s19, $0x6;
	s20 =	sadd.s32 @!p1 s20, s21;
	s21 =	sshll.u32 @!p1 s23, $0x12  }
0x49: {  	s19 =	sadd.s32 @!p1 s19, s20;
	s20 =	sor.u32 @!p1 $0x80, s21;
	s21 =	simm.s32 @!p1 $0x3000  }
0x4a: {  	[tilespmem:s22], [sflag:$0x1] =	stream.strided.gather @!p1 [hbm4b:s19+s20], $0x4000, s21, s20, $0x38;
	[tilespmem:$0x10100] =	vst v63  }
0x4b: {  	p1 =	sge.u32 s31, s5  }
.Ltmp2:
0x4c: {  	_ = 	snop;
	(pc) =	sbr.rel @p1 .LBB1_5-.Ltmp2, $1  }
0x4d: {  	_ =	sdelay $0x3  }
0x4e: {  	s19 =	simm.s32 $0x1  }
0x4f: {  	_ =	swait.ge [sflag:s4], $0x4000;
	s19 =	simm.s32 @!p0 $0x0  }
0x50: {  	[sflag:s4] =	ssyncset.done $0x0;
	s20 =	sshll.u32 s19, $0xE  }
0x51: {  	[sflag:s4] =	ssyncadd.s32 $0xFFFFC000;
	s20 =	sor.u32 $0x40, s20  }
0x52: {  	s19 =	smul.u32 $0x10200, s19;
	v0 =	vld [tilespmem:s20+$0x30]  }
0x53: {  	v1 =	vld [tilespmem:s20+$0xFFFFFFD0]  }
0x54: {  	s19 =	sshrl.u32 s19, $0x2;
	v5 =	vld [tilespmem:s20+$0xFFFFFFE0]  }
0x55: {  	v6 =	vld [tilespmem:s20+$0xFFFFFFF0];
	s22 =	sor.u32 $0x8000, s19  }
0x56: {  	s31 =	sand.u32 $0x1, s15;
	v4 =	vld [tilespmem:s20+$0x0];
	s21 =	sadd.s32 $0x0, s22  }
0x57: {  	v3 =	vld [tilespmem:s20+$0x10];
	s19 =	smul.u32 $0x10200, s31;
	[tilespmem:s21+$0x3870 ss:$0x81] =	vst.msk $0xffff, v0  }
0x58: {  	v2 =	vld [tilespmem:s20+$0x20];
	[tilespmem:s21+$0x810 ss:$0x81] =	vst.msk $0xffff, v1  }
0x59: {  	s19 =	sshrl.u32 s19, $0x2;
	v1 =	vld [tilespmem:s20+$0xFFFFFFC0];
	[tilespmem:s21+$0x1020 ss:$0x81] =	vst.msk $0xffff, v5;
	s20 =	sadd.s32 $0x80, s20  }
0x5a: {  	s23 =	simm.s32 $0x4;
	s24 =	simm.s32 $0x8;
	s19 =	sor.u32 $0x8000, s19;
	[tilespmem:s21+$0x1830 ss:$0x81] =	vst.msk $0xffff, v6;
	v0 =	vld [tilespmem:s20+$0x30]  }
.LBB1_3:
0x5b: {  	p1 =	sne.s32 s24, $0x1FC;
	v5 =	vld [tilespmem:s20+$0xFFFFFFD0];
	[tilespmem:s21+$0x2040 ss:$0x81] =	vst.msk $0xffff, v4  }
0x5c: {  	v6 =	vld [tilespmem:s20+$0xFFFFFFE0];
	[tilespmem:s21+$0x2850 ss:$0x81] =	vst.msk $0xffff, v3  }
0x5d: {  	s25 =	sshra.s32 s23, $0x2;
	s23 =	smov.u32 s24;
	v7 =	vld [tilespmem:s20+$0xFFFFFFF0];
	[tilespmem:s21+$0x3060 ss:$0x81] =	vst.msk $0xffff, v2  }
.Ltmp3:
0x5e: {  	v4 =	vld [tilespmem:s20+$0x0];
	[tilespmem:s21+$0x0 ss:$0x81] =	vst.msk $0xffff, v1;
	s21 =	sadd.s32 s25, s22;
	(pc) =	sbr.rel @p1 .LBB1_3-.Ltmp3, $4  }
0x5f: {  	v3 =	vld [tilespmem:s20+$0x10];
	[tilespmem:s21+$0x3870 ss:$0x81] =	vst.msk $0xffff, v0  }
0x60: {  	[tilespmem:s21+$0x810 ss:$0x81] =	vst.msk $0xffff, v5;
	v2 =	vld [tilespmem:s20+$0x20]  }
0x61: {  	v1 =	vld [tilespmem:s20+$0xFFFFFFC0];
	[tilespmem:s21+$0x1020 ss:$0x81] =	vst.msk $0xffff, v6;
	s20 =	sadd.s32 $0x80, s20  }
0x62: {  	s24 =	sadd.s32 $0x4, s24;
	v0 =	vld [tilespmem:s20+$0x30];
	[tilespmem:s21+$0x1830 ss:$0x81] =	vst.msk $0xffff, v7  }
.Ltmp4:
0x63: {  	_ = 	snop;
	(pc) =	sbr.rel .LBB1_4-.Ltmp4, $1  }
0x64: {  	_ =	sdelay $0x3  }
.LBB1_6:
0x65: {  	_ =	sfence.sel $0x180000  }
0x66: {  	s2 =	simm.s32 $0x1;
	[bflag:$0x0] =	sbarrier.arrive $0xFFFF  }
0x67: {  	s31 =	simm.s32 $0x2;
	[sflag:s2] =	ssyncpa.u1 $0x1  }
0x68: {  	[sflag:s31] =	ssyncpa.u1 $0x1  }
0x69: {  	p0 =	sne.s32 s0, $0x0;
	_ =	strace $0x9000004D  }
0x6a: {  	s0 =	sadd.s32 @!p0 $0x100000, s1;
	[bflag:$0x2] =	sbarrier.arrive $0xFFFF  }
0x6b: {  	[sflag:s0] =	ssyncadd.tile.s32 @!p0 $0x1;
	_ =	shalt  }
.Lfunc_end1:
_tile_overlayer_lowered:
.L_overlay_start_2:
0x6c: {  	(tag) =	ssettag $0x2  }
0x6d: {  	s0 =	rddreg [dreg:$0x0];
	s2 =	stileid.u32  }
0x6e: {  	s1 =	rddreg [dreg:$0x1];
	p0 =	sne.s32 s2, $0x0  }
0x6f: {  	s3 =	rddreg [dreg:$0x2];
	[bflag:$0x3] =	sbarrier.arrive $0xFFFF;
	s2 =	simm.s32 @!p0 $0x1C01  }
0x70: {  	[timem:s3], [sflag:s2] =	dma.local @!p0 [hbm:s0], s1  }
0x71: {  	s0 =	simm.s32 @!p0 $0x1  }
0x72: {  	_ =	swait.ge @!p0 [sflag:s0], s1  }
0x73: {  	s1 =	ssub.s32 @!p0 $0x0, s1;
	[sflag:s0] =	ssyncset.done @!p0 $0x0  }
0x74: {  	[sflag:s0] =	ssyncadd.s32 @!p0 s1  }
0x75: {  	[bflag:$0x3] =	sbarrier.arrive $0xFFFF  }
0x76: {  	_ =	shalt  }

</sc_bundles>
